<compile_context>
chip_gen: v7x
topology: tpu7x:2x2x1
jax: 0.10.2.dev20260603
libtpu: 0.0.44.dev20260713+nightly
codegen_flags: <defaults>
</compile_context>

<pallas_src>
import functools

import jax
import jax.numpy as jnp
from jax import lax
from jax.experimental import pallas as pl
from jax.experimental.pallas import tpu as pltpu
from jax.experimental.pallas import tpu_sc as plsc

N = 10000
E = 320000
D_IN = 128
HGC = 64
NG = 512
JK = 192
BN_EPS = 1e-5
ISQ = float(1.0 / (1.0 + BN_EPS) ** 0.5)

NC, NS = 2, 16
NW = NC * NS
EPC = E // NC
EPW = EPC // NS
ECH = 1000
NCHUNK = EPW // ECH
NPAD = 10240
DPT = NPAD // NS
NPW = 312
NREM = N - NPW * NW
RPT = 624
RREM = N - RPT * NS
PPT = NG // NS

_sc_mesh = plsc.VectorSubcoreMesh(core_axis_name="c", subcore_axis_name="s")


@functools.partial(
    pl.kernel,
    out_type=(jax.ShapeDtypeStruct((NC, NPAD), jnp.float32),
              jax.ShapeDtypeStruct((NC, NG), jnp.float32)),
    mesh=_sc_mesh,
    compiler_params=pltpu.CompilerParams(use_tc_tiling_on_sc=False),
    scratch_types=[
        pltpu.VMEM((ECH,), jnp.int32),
        pltpu.VMEM((NPW,), jnp.int32),
        pltpu.VMEM((NREM,), jnp.int32),
        pltpu.VMEM((ECH,), jnp.float32),
        pltpu.VMEM((DPT,), jnp.float32),
        pltpu.VMEM_SHARED((NPAD,), jnp.float32),
        pltpu.VMEM_SHARED((NG,), jnp.float32),
    ],
)
def _sc_degcnt(row_hbm, batch_hbm, ones_hbm, zeros_hbm, deg_out, cnt_out,
               rid_v, bid_v, bid16_v, ones_v, zb_v, dacc, cacc):
    c = lax.axis_index("c")
    s = lax.axis_index("s")
    w = c * NS + s
    pltpu.sync_copy(zeros_hbm.at[pl.ds(0, DPT)], zb_v)
    pltpu.sync_copy(zb_v, dacc.at[pl.ds(s * DPT, DPT)])
    pltpu.sync_copy(zb_v.at[pl.ds(0, PPT)], cacc.at[pl.ds(s * PPT, PPT)])
    pltpu.sync_copy(ones_hbm, ones_v)
    plsc.subcore_barrier()

    def body(k, carry):
        base = c * EPC + s * EPW + k * ECH
        pltpu.sync_copy(row_hbm.at[pl.ds(base, ECH)], rid_v)
        pltpu.sync_copy(ones_v, dacc.at[rid_v], add=True)
        return carry
    lax.fori_loop(0, NCHUNK, body, 0)

    pltpu.sync_copy(batch_hbm.at[pl.ds(w * NPW, NPW)], bid_v)
    pltpu.sync_copy(ones_v.at[pl.ds(0, NPW)], cacc.at[bid_v], add=True)

    @pl.when(w == NW - 1)
    def _():
        pltpu.sync_copy(batch_hbm.at[pl.ds(NW * NPW, NREM)], bid16_v)
        pltpu.sync_copy(ones_v.at[pl.ds(0, NREM)], cacc.at[bid16_v], add=True)

    plsc.subcore_barrier()
    pltpu.sync_copy(dacc.at[pl.ds(s * DPT, DPT)], zb_v)
    pltpu.sync_copy(zb_v, deg_out.at[c, pl.ds(s * DPT, DPT)])
    pltpu.sync_copy(cacc.at[pl.ds(s * PPT, PPT)], zb_v.at[pl.ds(0, PPT)])
    pltpu.sync_copy(zb_v.at[pl.ds(0, PPT)], cnt_out.at[c, pl.ds(s * PPT, PPT)])


@functools.partial(
    pl.kernel,
    out_type=jax.ShapeDtypeStruct((NC, N, HGC), jnp.float32),
    mesh=_sc_mesh,
    compiler_params=pltpu.CompilerParams(use_tc_tiling_on_sc=False),
    scratch_types=[
        pltpu.VMEM((ECH,), jnp.int32),
        pltpu.VMEM((ECH,), jnp.int32),
        pltpu.VMEM((ECH, HGC), jnp.float32),
        pltpu.VMEM_SHARED((N, HGC), jnp.float32),
    ],
)
def _sc_prop(ys_hbm, row_hbm, col_hbm, zeros_hbm, out_hbm,
             rid_v, cid_v, rows_v, acc):
    c = lax.axis_index("c")
    s = lax.axis_index("s")
    pltpu.sync_copy(zeros_hbm.at[pl.ds(s * RPT, RPT)], rows_v.at[pl.ds(0, RPT)])
    pltpu.sync_copy(rows_v.at[pl.ds(0, RPT)], acc.at[pl.ds(s * RPT, RPT)])

    @pl.when(s == NS - 1)
    def _():
        pltpu.sync_copy(zeros_hbm.at[pl.ds(NS * RPT, RREM)],
                        rows_v.at[pl.ds(RPT, RREM)])
        pltpu.sync_copy(rows_v.at[pl.ds(RPT, RREM)], acc.at[pl.ds(NS * RPT, RREM)])

    plsc.subcore_barrier()

    def body(k, carry):
        base = c * EPC + s * EPW + k * ECH
        pltpu.sync_copy(row_hbm.at[pl.ds(base, ECH)], rid_v)
        pltpu.sync_copy(col_hbm.at[pl.ds(base, ECH)], cid_v)
        pltpu.sync_copy(ys_hbm.at[rid_v], rows_v)
        pltpu.sync_copy(rows_v, acc.at[cid_v], add=True)
        return carry
    lax.fori_loop(0, NCHUNK, body, 0)

    plsc.subcore_barrier()
    pltpu.sync_copy(acc.at[pl.ds(s * RPT, RPT)], rows_v.at[pl.ds(0, RPT)])
    pltpu.sync_copy(rows_v.at[pl.ds(0, RPT)], out_hbm.at[c, pl.ds(s * RPT, RPT)])

    @pl.when(s == NS - 1)
    def _():
        pltpu.sync_copy(acc.at[pl.ds(NS * RPT, RREM)], rows_v.at[pl.ds(RPT, RREM)])
        pltpu.sync_copy(rows_v.at[pl.ds(RPT, RREM)],
                        out_hbm.at[c, pl.ds(NS * RPT, RREM)])


@functools.partial(
    pl.kernel,
    out_type=jax.ShapeDtypeStruct((NC, NG, JK), jnp.float32),
    mesh=_sc_mesh,
    compiler_params=pltpu.CompilerParams(use_tc_tiling_on_sc=False),
    scratch_types=[
        pltpu.VMEM((NPW,), jnp.int32),
        pltpu.VMEM((NREM,), jnp.int32),
        pltpu.VMEM((NPW, JK), jnp.float32),
        pltpu.VMEM((NREM, JK), jnp.float32),
        pltpu.VMEM_SHARED((NG, JK), jnp.float32),
    ],
)
def _sc_pool(jk_hbm, batch_hbm, zeros_hbm, out_hbm,
             bid_v, bid16_v, rows_v, rows16_v, acc):
    c = lax.axis_index("c")
    s = lax.axis_index("s")
    w = c * NS + s
    pltpu.sync_copy(zeros_hbm.at[pl.ds(s * PPT, PPT)], rows_v.at[pl.ds(0, PPT)])
    pltpu.sync_copy(rows_v.at[pl.ds(0, PPT)], acc.at[pl.ds(s * PPT, PPT)])
    plsc.subcore_barrier()

    pltpu.sync_copy(batch_hbm.at[pl.ds(w * NPW, NPW)], bid_v)
    pltpu.sync_copy(jk_hbm.at[pl.ds(w * NPW, NPW)], rows_v)
    pltpu.sync_copy(rows_v, acc.at[bid_v], add=True)

    @pl.when(w == NW - 1)
    def _():
        pltpu.sync_copy(batch_hbm.at[pl.ds(NW * NPW, NREM)], bid16_v)
        pltpu.sync_copy(jk_hbm.at[pl.ds(NW * NPW, NREM)], rows16_v)
        pltpu.sync_copy(rows16_v, acc.at[bid16_v], add=True)

    plsc.subcore_barrier()
    pltpu.sync_copy(acc.at[pl.ds(s * PPT, PPT)], rows_v.at[pl.ds(0, PPT)])
    pltpu.sync_copy(rows_v.at[pl.ds(0, PPT)], out_hbm.at[c, pl.ds(s * PPT, PPT)])


RB = 2000
GRID = N // RB


def _tc0(features, degp_col, wcat0):
    def body(f_ref, d_ref, w_ref, dis_ref, xw0_ref, ys_ref):
        deg = d_ref[0] + d_ref[1]
        dis = jnp.where(deg > 0, lax.rsqrt(jnp.maximum(deg, 1.0)), 0.0)
        cat = jnp.dot(f_ref[...], w_ref[...], preferred_element_type=jnp.float32)
        dis_ref[...] = dis
        xw0_ref[...] = cat[:, :HGC]
        ys_ref[...] = dis * cat[:, HGC:]
    return pl.pallas_call(
        body,
        grid=(GRID,),
        in_specs=[pl.BlockSpec((RB, D_IN), lambda i: (i, 0)),
                  pl.BlockSpec((NC, RB, 1), lambda i: (0, i, 0)),
                  pl.BlockSpec((D_IN, 2 * HGC), lambda i: (0, 0))],
        out_specs=[pl.BlockSpec((RB, 1), lambda i: (i, 0)),
                   pl.BlockSpec((RB, HGC), lambda i: (i, 0)),
                   pl.BlockSpec((RB, HGC), lambda i: (i, 0))],
        out_shape=[jax.ShapeDtypeStruct((N, 1), jnp.float32),
                   jax.ShapeDtypeStruct((N, HGC), jnp.float32),
                   jax.ShapeDtypeStruct((N, HGC), jnp.float32)],
    )(features, degp_col, wcat0)


def _tc_mid(xw0, pp, dis, g, b, wcat, bn_first):
    def body(x_ref, p_ref, d_ref, g_ref, b_ref, w_ref, h_ref, xw0_ref, ys_ref):
        dis = d_ref[...]
        t = x_ref[...] - dis * (p_ref[0] + p_ref[1])
        if bn_first:
            h = jax.nn.relu(g_ref[...] * ISQ * t + b_ref[...])
        else:
            h = g_ref[...] * ISQ * jax.nn.relu(t) + b_ref[...]
        cat = jnp.dot(h, w_ref[...], preferred_element_type=jnp.float32)
        h_ref[...] = h
        xw0_ref[...] = cat[:, :HGC]
        ys_ref[...] = dis * cat[:, HGC:]
    return pl.pallas_call(
        body,
        grid=(GRID,),
        in_specs=[pl.BlockSpec((RB, HGC), lambda i: (i, 0)),
                  pl.BlockSpec((NC, RB, HGC), lambda i: (0, i, 0)),
                  pl.BlockSpec((RB, 1), lambda i: (i, 0)),
                  pl.BlockSpec((1, HGC), lambda i: (0, 0)),
                  pl.BlockSpec((1, HGC), lambda i: (0, 0)),
                  pl.BlockSpec((HGC, 2 * HGC), lambda i: (0, 0))],
        out_specs=[pl.BlockSpec((RB, HGC), lambda i: (i, 0)),
                   pl.BlockSpec((RB, HGC), lambda i: (i, 0)),
                   pl.BlockSpec((RB, HGC), lambda i: (i, 0))],
        out_shape=[jax.ShapeDtypeStruct((N, HGC), jnp.float32),
                   jax.ShapeDtypeStruct((N, HGC), jnp.float32),
                   jax.ShapeDtypeStruct((N, HGC), jnp.float32)],
    )(xw0, pp, dis, g, b, wcat)


def _tc_last(xw0, pp, dis, g, b, h0, h1):
    def body(x_ref, p_ref, d_ref, g_ref, b_ref, h0_ref, h1_ref, jk_ref):
        t = x_ref[...] - d_ref[...] * (p_ref[0] + p_ref[1])
        h2 = g_ref[...] * ISQ * jax.nn.relu(t) + b_ref[...]
        jk_ref[...] = jnp.concatenate([h0_ref[...], h1_ref[...], h2], axis=1)
    return pl.pallas_call(
        body,
        grid=(GRID,),
        in_specs=[pl.BlockSpec((RB, HGC), lambda i: (i, 0)),
                  pl.BlockSpec((NC, RB, HGC), lambda i: (0, i, 0)),
                  pl.BlockSpec((RB, 1), lambda i: (i, 0)),
                  pl.BlockSpec((1, HGC), lambda i: (0, 0)),
                  pl.BlockSpec((1, HGC), lambda i: (0, 0)),
                  pl.BlockSpec((RB, HGC), lambda i: (i, 0)),
                  pl.BlockSpec((RB, HGC), lambda i: (i, 0))],
        out_specs=pl.BlockSpec((RB, JK), lambda i: (i, 0)),
        out_shape=jax.ShapeDtypeStruct((N, JK), jnp.float32),
    )(xw0, pp, dis, g, b, h0, h1)


def _tc_head(sums_p, cnt_col, w1, b1, g, b, w2, b2):
    def body(s_ref, c_ref, w1_ref, b1_ref, g_ref, b_ref, w2_ref, b2_ref,
             zagg_ref, logit_ref):
        sums = s_ref[0] + s_ref[1]
        cnt = c_ref[0] + c_ref[1]
        z_agg = sums / jnp.maximum(cnt, 1.0)
        z = jax.nn.relu(jnp.dot(z_agg, w1_ref[...],
                                preferred_element_type=jnp.float32) + b1_ref[...])
        z = g_ref[...] * ISQ * z + b_ref[...]
        logit = jnp.dot(z, w2_ref[...],
                        preferred_element_type=jnp.float32) + b2_ref[...]
        zagg_ref[...] = z_agg
        logit_ref[...] = logit
    return pl.pallas_call(
        body,
        out_shape=[jax.ShapeDtypeStruct((NG, JK), jnp.float32),
                   jax.ShapeDtypeStruct((NG, 2), jnp.float32)],
    )(sums_p, cnt_col, w1, b1, g, b, w2, b2)


def kernel(features, edge_index, edgenet_input, batch,
           conv0_W0, conv0_W1, conv1_W0, conv1_W1, conv2_W0, conv2_W1,
           bn0_g, bn0_b, bn1_g, bn1_b, bn2_g, bn2_b,
           cls_W1, cls_b1, cls_bn_g, cls_bn_b, cls_W2, cls_b2):
    row = edge_index[0]
    col = edge_index[1]
    ones1k = jnp.ones((ECH,), jnp.float32)
    zflat = jnp.zeros((NPAD,), jnp.float32)
    zn64 = jnp.zeros((N, HGC), jnp.float32)
    zpool = jnp.zeros((NG, JK), jnp.float32)
    wcat0 = jnp.concatenate([conv0_W0, conv0_W1], axis=1)
    wcat1 = jnp.concatenate([conv1_W0, conv1_W1], axis=1)
    wcat2 = jnp.concatenate([conv2_W0, conv2_W1], axis=1)

    degp, cntp = _sc_degcnt(row, batch, ones1k, zflat)
    degp_col = degp.reshape(NC, NPAD, 1)[:, :N]

    dis, xw0_0, ys0 = _tc0(features, degp_col, wcat0)
    pp0 = _sc_prop(ys0, row, col, zn64)
    h0, xw0_1, ys1 = _tc_mid(xw0_0, pp0, dis, bn0_g.reshape(1, HGC),
                             bn0_b.reshape(1, HGC), wcat1, bn_first=True)
    pp1 = _sc_prop(ys1, row, col, zn64)
    h1, xw0_2, ys2 = _tc_mid(xw0_1, pp1, dis, bn1_g.reshape(1, HGC),
                             bn1_b.reshape(1, HGC), wcat2, bn_first=False)
    pp2 = _sc_prop(ys2, row, col, zn64)
    jk = _tc_last(xw0_2, pp2, dis, bn2_g.reshape(1, HGC),
                  bn2_b.reshape(1, HGC), h0, h1)

    sp = _sc_pool(jk, batch, zpool)
    z_agg, logit = _tc_head(sp, cntp.reshape(NC, NG, 1),
                            cls_W1, cls_b1.reshape(1, 256),
                            cls_bn_g.reshape(1, 256), cls_bn_b.reshape(1, 256),
                            cls_W2, cls_b2.reshape(1, 2))
    return (z_agg, logit)

# --- scband reference (transcript-rebuilt; emitter-appended) ---
"""Pipeline reference for scband-gcn-27599459844750 (READ-ONLY COPY).

The authoritative reference and input builder live on the scoring server;
editing this copy changes nothing except your own understanding.
"""

import jax, jax.numpy as jnp
import numpy as np

N = 10000
E = 320000
D_IN = 128
HGC = 64
N_GRAPHS = 512
D_EDGE = 4
N_CLASSES = 2
BN_EPS = 1e-5


def setup_inputs(seed: int = 0):
    key = jax.random.key(seed)
    ks = jax.random.split(key, 20)
    scale = lambda fan_in: (2.0 / fan_in) ** 0.5
    inp = {}
    inp['features'] = jax.random.normal(ks[0], (N, D_IN), dtype=jnp.float32)
    inp['edge_index'] = jax.random.randint(ks[1], (2, E), 0, N, dtype=jnp.int32)
    inp['edgenet_input'] = jax.random.normal(ks[2], (E, D_EDGE), dtype=jnp.float32)
    inp['batch'] = jnp.sort(jax.random.randint(ks[3], (N,), 0, N_GRAPHS, dtype=jnp.int32))
    inp['conv0_W0'] = jax.random.normal(ks[4], (D_IN, HGC), dtype=jnp.float32) * scale(D_IN)
    inp['conv0_W1'] = jax.random.normal(ks[5], (D_IN, HGC), dtype=jnp.float32) * scale(D_IN)
    inp['conv1_W0'] = jax.random.normal(ks[6], (HGC, HGC), dtype=jnp.float32) * scale(HGC)
    inp['conv1_W1'] = jax.random.normal(ks[7], (HGC, HGC), dtype=jnp.float32) * scale(HGC)
    inp['conv2_W0'] = jax.random.normal(ks[8], (HGC, HGC), dtype=jnp.float32) * scale(HGC)
    inp['conv2_W1'] = jax.random.normal(ks[9], (HGC, HGC), dtype=jnp.float32) * scale(HGC)
    for i, k in zip(range(3), (ks[10], ks[11], ks[12])):
        inp['bn%d_g' % i] = 1.0 + 0.1 * jax.random.normal(k, (HGC,), dtype=jnp.float32)
        inp['bn%d_b' % i] = 0.1 * jax.random.normal(jax.random.fold_in(k, 1), (HGC,), dtype=jnp.float32)
    inp['cls_W1'] = jax.random.normal(ks[13], (3 * HGC, 256), dtype=jnp.float32) * scale(3 * HGC)
    inp['cls_b1'] = jnp.zeros((256,), dtype=jnp.float32)
    inp['cls_bn_g'] = 1.0 + 0.1 * jax.random.normal(ks[14], (256,), dtype=jnp.float32)
    inp['cls_bn_b'] = 0.1 * jax.random.normal(ks[15], (256,), dtype=jnp.float32)
    inp['cls_W2'] = jax.random.normal(ks[16], (256, N_CLASSES), dtype=jnp.float32) * scale(256)
    inp['cls_b2'] = jnp.zeros((N_CLASSES,), dtype=jnp.float32)
    return inp


def _cheb_conv(x, row, col, W0, W1):
    # PyG ChebConv with K=2, normalization='sym', lambda_max=2.0, bias=False:
    # Tx_0 = x, Tx_1 = L_hat x with L_hat = (2/lambda_max) * L_sym - I = -D^{-1/2} A D^{-1/2}
    w = jnp.ones((row.shape[0],), dtype=x.dtype)
    deg = jnp.zeros((x.shape[0],), dtype=x.dtype).at[row].add(w)
    dis = jnp.where(deg > 0, 1.0 / jnp.sqrt(jnp.where(deg > 0, deg, 1.0)), 0.0)
    norm = -dis[row] * w * dis[col]
    msg = norm[:, None] * x[row]
    tx1 = jnp.zeros_like(x).at[col].add(msg)
    return x @ W0 + tx1 @ W1


def _bn_eval(x, g, b):
    # eval-mode BatchNorm with fresh running stats (mean=0, var=1)
    return g * x / jnp.sqrt(1.0 + BN_EPS) + b


def reference(features, edge_index, edgenet_input, batch, conv0_W0, conv0_W1, conv1_W0, conv1_W1, conv2_W0, conv2_W1, bn0_g, bn0_b, bn1_g, bn1_b, bn2_g, bn2_b, cls_W1, cls_b1, cls_bn_g, cls_bn_b, cls_W2, cls_b2):
    row, col = edge_index[0], edge_index[1]
    # eval mode: dropout = identity
    h = _cheb_conv(features, row, col, conv0_W0, conv0_W1)
    h = _bn_eval(h, bn0_g, bn0_b)
    h = jax.nn.relu(h)
    h0 = h
    jk = h0
    for (W0, W1, g, b) in ((conv1_W0, conv1_W1, bn1_g, bn1_b), (conv2_W0, conv2_W1, bn2_g, bn2_b)):
        h = _cheb_conv(h, row, col, W0, W1)
        h = jax.nn.relu(h)
        h = _bn_eval(h, g, b)
        jk = jnp.concatenate((h0, h), axis=1)
        h0 = jk
    # global_mean_pool over batch segment ids
    sums = jax.ops.segment_sum(jk, batch, num_segments=N_GRAPHS)
    counts = jax.ops.segment_sum(jnp.ones((jk.shape[0],), dtype=jk.dtype), batch, num_segments=N_GRAPHS)
    z_agg = sums / jnp.maximum(counts, 1.0)[:, None]
    # classifier head: Linear -> ReLU -> BatchNorm1d -> Linear
    z = z_agg @ cls_W1 + cls_b1
    z = jax.nn.relu(z)
    z = _bn_eval(z, cls_bn_g, cls_bn_b)
    logit = z @ cls_W2 + cls_b2
    return (z_agg, logit)

if __name__ == "__main__":
    import jax
    _d = setup_inputs()
    print(jax.jit(kernel)(*tuple(_d.values())))

</pallas_src>

<mosaic_0001>
#map = affine_map<(d0, d1) -> (0, 0)>
#map1 = affine_map<(d0, d1) -> (0)>
#map2 = affine_map<(d0, d1) -> (0, 0, 0)>
module attributes {stable_mosaic.version = 14 : i64} {
  func.func @_sc_prop(%arg0: i32, %arg1: i32, %arg2: memref<10000x64xf32, #tpu.memory_space<hbm>>, %arg3: memref<320000xi32, #tpu.memory_space<hbm>>, %arg4: memref<320000xi32, #tpu.memory_space<hbm>>, %arg5: memref<10000x64xf32, #tpu.memory_space<hbm>>, %arg6: memref<2x10000x64xf32, #tpu.memory_space<hbm>>, %arg7: memref<1000xi32, #tpu.memory_space<vmem>>, %arg8: memref<1000xi32, #tpu.memory_space<vmem>>, %arg9: memref<1000x64xf32, #tpu.memory_space<vmem>>, %arg10: memref<10000x64xf32, #tpu.memory_space<vmem_shared>>) attributes {dimension_semantics = [#tpu.dimension_semantics<core_parallel>, #tpu.dimension_semantics<subcore_parallel>], iteration_bounds = array<i64: 2, 16>, scalar_prefetch = 0 : i64, scratch_operands = 4 : i64, tpu.core_type = #tpu.core_type<sc_vector_subcore>, window_params = [{transform_indices = #map}, {transform_indices = #map1}, {transform_indices = #map1}, {transform_indices = #map}, {transform_indices = #map2}]} {
    %mul3A = arith.constant 624 : i32
    %mul3A_0 = arith.muli %arg1, %mul3A : i32
    "tpu.region"() ({
      %run_scoped3A = tpu.sem_alloc : memref<!tpu.dma_semaphore, #tpu.memory_space<semaphore_mem>>
      %dma_start3A = arith.constant 0 : i32
      %dma_start3A_20 = arith.constant 0 : i32
      %dma_start3A_21 = tpu.memref_slice %arg9[%dma_start3A, %dma_start3A_20] : memref<1000x64xf32, #tpu.memory_space<vmem>> -> memref<624x64xf32, #tpu.memory_space<vmem>>
      %dma_start3A_22 = arith.constant 0 : i32
      %dma_start3A_23 = tpu.memref_slice %arg5[%mul3A_0, %dma_start3A_22] : memref<10000x64xf32, #tpu.memory_space<hbm>> -> memref<624x64xf32, #tpu.memory_space<hbm>>
      %dma_start3A_24 = arith.constant 0 : i32
      %dma_start3A_25 = arith.constant 0 : i32
      %dma_start3A_26 = tpu.memref_slice %arg9[%dma_start3A_24, %dma_start3A_25] : memref<1000x64xf32, #tpu.memory_space<vmem>> -> memref<624x64xf32, #tpu.memory_space<vmem>>
      %dma_start3A_27 = arith.constant 0 : i32
      %dma_start3A_28 = tpu.memref_slice %arg5[%mul3A_0, %dma_start3A_27] : memref<10000x64xf32, #tpu.memory_space<hbm>> -> memref<624x64xf32, #tpu.memory_space<hbm>>
      tpu.enqueue_dma source(%dma_start3A_28 : memref<624x64xf32, #tpu.memory_space<hbm>>) target(%dma_start3A_26 : memref<624x64xf32, #tpu.memory_space<vmem>>) target_semaphore(%run_scoped3A : memref<!tpu.dma_semaphore, #tpu.memory_space<semaphore_mem>>)
      %dma_wait3A = arith.constant 0 : i32
      %dma_wait3A_29 = arith.constant 0 : i32
      %dma_wait3A_30 = tpu.memref_slice %arg9[%dma_wait3A, %dma_wait3A_29] : memref<1000x64xf32, #tpu.memory_space<vmem>> -> memref<624x64xf32, #tpu.memory_space<vmem>>
      %dma_wait3A_31 = arith.constant 0 : i32
      %dma_wait3A_32 = tpu.memref_slice %arg5[%mul3A_0, %dma_wait3A_31] : memref<10000x64xf32, #tpu.memory_space<hbm>> -> memref<624x64xf32, #tpu.memory_space<hbm>>
      %dma_wait3A_33 = arith.constant 0 : i32
      %dma_wait3A_34 = arith.constant 0 : i32
      %dma_wait3A_35 = tpu.memref_slice %arg9[%dma_wait3A_33, %dma_wait3A_34] : memref<1000x64xf32, #tpu.memory_space<vmem>> -> memref<624x64xf32, #tpu.memory_space<vmem>>
      %dma_wait3A_36 = arith.constant 0 : i32
      %dma_wait3A_37 = tpu.memref_slice %arg5[%mul3A_0, %dma_wait3A_36] : memref<10000x64xf32, #tpu.memory_space<hbm>> -> memref<624x64xf32, #tpu.memory_space<hbm>>
      tpu.wait_dma2 semaphore(%run_scoped3A : memref<!tpu.dma_semaphore, #tpu.memory_space<semaphore_mem>>) src(%dma_wait3A_37 : memref<624x64xf32, #tpu.memory_space<hbm>>) dst(%dma_wait3A_35 : memref<624x64xf32, #tpu.memory_space<vmem>>)
      tpu.yield
    }) : () -> ()
    %mul3A_1 = arith.constant 624 : i32
    %mul3A_2 = arith.muli %arg1, %mul3A_1 : i32
    "tpu.region"() ({
      %run_scoped3A = tpu.sem_alloc : memref<!tpu.dma_semaphore, #tpu.memory_space<semaphore_mem>>
      %dma_start3A = arith.constant 0 : i32
      %dma_start3A_20 = arith.constant 0 : i32
      %dma_start3A_21 = tpu.memref_slice %arg9[%dma_start3A, %dma_start3A_20] : memref<1000x64xf32, #tpu.memory_space<vmem>> -> memref<624x64xf32, #tpu.memory_space<vmem>>
      %dma_start3A_22 = arith.constant 0 : i32
      %dma_start3A_23 = tpu.memref_slice %arg10[%mul3A_2, %dma_start3A_22] : memref<10000x64xf32, #tpu.memory_space<vmem_shared>> -> memref<624x64xf32, #tpu.memory_space<vmem_shared>>
      %dma_start3A_24 = arith.constant 0 : i32
      %dma_start3A_25 = tpu.memref_slice %arg10[%mul3A_2, %dma_start3A_24] : memref<10000x64xf32, #tpu.memory_space<vmem_shared>> -> memref<624x64xf32, #tpu.memory_space<vmem_shared>>
      %dma_start3A_26 = arith.constant 0 : i32
      %dma_start3A_27 = arith.constant 0 : i32
      %dma_start3A_28 = tpu.memref_slice %arg9[%dma_start3A_26, %dma_start3A_27] : memref<1000x64xf32, #tpu.memory_space<vmem>> -> memref<624x64xf32, #tpu.memory_space<vmem>>
      tpu.enqueue_dma source(%dma_start3A_28 : memref<624x64xf32, #tpu.memory_space<vmem>>) target(%dma_start3A_25 : memref<624x64xf32, #tpu.memory_space<vmem_shared>>) target_semaphore(%run_scoped3A : memref<!tpu.dma_semaphore, #tpu.memory_space<semaphore_mem>>)
      %dma_wait3A = arith.constant 0 : i32
      %dma_wait3A_29 = arith.constant 0 : i32
      %dma_wait3A_30 = tpu.memref_slice %arg9[%dma_wait3A, %dma_wait3A_29] : memref<1000x64xf32, #tpu.memory_space<vmem>> -> memref<624x64xf32, #tpu.memory_space<vmem>>
      %dma_wait3A_31 = arith.constant 0 : i32
      %dma_wait3A_32 = tpu.memref_slice %arg10[%mul3A_2, %dma_wait3A_31] : memref<10000x64xf32, #tpu.memory_space<vmem_shared>> -> memref<624x64xf32, #tpu.memory_space<vmem_shared>>
      %dma_wait3A_33 = arith.constant 0 : i32
      %dma_wait3A_34 = tpu.memref_slice %arg10[%mul3A_2, %dma_wait3A_33] : memref<10000x64xf32, #tpu.memory_space<vmem_shared>> -> memref<624x64xf32, #tpu.memory_space<vmem_shared>>
      %dma_wait3A_35 = arith.constant 0 : i32
      %dma_wait3A_36 = arith.constant 0 : i32
      %dma_wait3A_37 = tpu.memref_slice %arg9[%dma_wait3A_35, %dma_wait3A_36] : memref<1000x64xf32, #tpu.memory_space<vmem>> -> memref<624x64xf32, #tpu.memory_space<vmem>>
      tpu.wait_dma2 semaphore(%run_scoped3A : memref<!tpu.dma_semaphore, #tpu.memory_space<semaphore_mem>>) src(%dma_wait3A_37 : memref<624x64xf32, #tpu.memory_space<vmem>>) dst(%dma_wait3A_34 : memref<624x64xf32, #tpu.memory_space<vmem_shared>>)
      tpu.yield
    }) : () -> ()
    %eq3A = arith.constant 15 : i32
    %eq3A_3 = arith.cmpi eq, %arg1, %eq3A : i32
    %convert_element_type3A = arith.extui %eq3A_3 : i1 to i32
    %cond3A = arith.constant 0 : i32
    %cond3A_4 = arith.cmpi ne, %convert_element_type3A, %cond3A : i32
    scf.if %cond3A_4 {
      "tpu.region"() ({
        %run_scoped3A = tpu.sem_alloc : memref<!tpu.dma_semaphore, #tpu.memory_space<semaphore_mem>>
        %dma_start3A = arith.constant 624 : i32
        %dma_start3A_20 = arith.constant 0 : i32
        %dma_start3A_21 = tpu.memref_slice %arg9[%dma_start3A, %dma_start3A_20] : memref<1000x64xf32, #tpu.memory_space<vmem>> -> memref<16x64xf32, #tpu.memory_space<vmem>>
        %dma_start3A_22 = arith.constant 9984 : i32
        %dma_start3A_23 = arith.constant 0 : i32
        %dma_start3A_24 = tpu.memref_slice %arg5[%dma_start3A_22, %dma_start3A_23] : memref<10000x64xf32, #tpu.memory_space<hbm>> -> memref<16x64xf32, #tpu.memory_space<hbm>>
        %dma_start3A_25 = arith.constant 624 : i32
        %dma_start3A_26 = arith.constant 0 : i32
        %dma_start3A_27 = tpu.memref_slice %arg9[%dma_start3A_25, %dma_start3A_26] : memref<1000x64xf32, #tpu.memory_space<vmem>> -> memref<16x64xf32, #tpu.memory_space<vmem>>
        %dma_start3A_28 = arith.constant 9984 : i32
        %dma_start3A_29 = arith.constant 0 : i32
        %dma_start3A_30 = tpu.memref_slice %arg5[%dma_start3A_28, %dma_start3A_29] : memref<10000x64xf32, #tpu.memory_space<hbm>> -> memref<16x64xf32, #tpu.memory_space<hbm>>
        tpu.enqueue_dma source(%dma_start3A_30 : memref<16x64xf32, #tpu.memory_space<hbm>>) target(%dma_start3A_27 : memref<16x64xf32, #tpu.memory_space<vmem>>) target_semaphore(%run_scoped3A : memref<!tpu.dma_semaphore, #tpu.memory_space<semaphore_mem>>)
        %dma_wait3A = arith.constant 624 : i32
        %dma_wait3A_31 = arith.constant 0 : i32
        %dma_wait3A_32 = tpu.memref_slice %arg9[%dma_wait3A, %dma_wait3A_31] : memref<1000x64xf32, #tpu.memory_space<vmem>> -> memref<16x64xf32, #tpu.memory_space<vmem>>
        %dma_wait3A_33 = arith.constant 9984 : i32
        %dma_wait3A_34 = arith.constant 0 : i32
        %dma_wait3A_35 = tpu.memref_slice %arg5[%dma_wait3A_33, %dma_wait3A_34] : memref<10000x64xf32, #tpu.memory_space<hbm>> -> memref<16x64xf32, #tpu.memory_space<hbm>>
        %dma_wait3A_36 = arith.constant 624 : i32
        %dma_wait3A_37 = arith.constant 0 : i32
        %dma_wait3A_38 = tpu.memref_slice %arg9[%dma_wait3A_36, %dma_wait3A_37] : memref<1000x64xf32, #tpu.memory_space<vmem>> -> memref<16x64xf32, #tpu.memory_space<vmem>>
        %dma_wait3A_39 = arith.constant 9984 : i32
        %dma_wait3A_40 = arith.constant 0 : i32
        %dma_wait3A_41 = tpu.memref_slice %arg5[%dma_wait3A_39, %dma_wait3A_40] : memref<10000x64xf32, #tpu.memory_space<hbm>> -> memref<16x64xf32, #tpu.memory_space<hbm>>
        tpu.wait_dma2 semaphore(%run_scoped3A : memref<!tpu.dma_semaphore, #tpu.memory_space<semaphore_mem>>) src(%dma_wait3A_41 : memref<16x64xf32, #tpu.memory_space<hbm>>) dst(%dma_wait3A_38 : memref<16x64xf32, #tpu.memory_space<vmem>>)
        tpu.yield
      }) : () -> ()
      "tpu.region"() ({
        %run_scoped3A = tpu.sem_alloc : memref<!tpu.dma_semaphore, #tpu.memory_space<semaphore_mem>>
        %dma_start3A = arith.constant 624 : i32
        %dma_start3A_20 = arith.constant 0 : i32
        %dma_start3A_21 = tpu.memref_slice %arg9[%dma_start3A, %dma_start3A_20] : memref<1000x64xf32, #tpu.memory_space<vmem>> -> memref<16x64xf32, #tpu.memory_space<vmem>>
        %dma_start3A_22 = arith.constant 9984 : i32
        %dma_start3A_23 = arith.constant 0 : i32
        %dma_start3A_24 = tpu.memref_slice %arg10[%dma_start3A_22, %dma_start3A_23] : memref<10000x64xf32, #tpu.memory_space<vmem_shared>> -> memref<16x64xf32, #tpu.memory_space<vmem_shared>>
        %dma_start3A_25 = arith.constant 9984 : i32
        %dma_start3A_26 = arith.constant 0 : i32
        %dma_start3A_27 = tpu.memref_slice %arg10[%dma_start3A_25, %dma_start3A_26] : memref<10000x64xf32, #tpu.memory_space<vmem_shared>> -> memref<16x64xf32, #tpu.memory_space<vmem_shared>>
        %dma_start3A_28 = arith.constant 624 : i32
        %dma_start3A_29 = arith.constant 0 : i32
        %dma_start3A_30 = tpu.memref_slice %arg9[%dma_start3A_28, %dma_start3A_29] : memref<1000x64xf32, #tpu.memory_space<vmem>> -> memref<16x64xf32, #tpu.memory_space<vmem>>
        tpu.enqueue_dma source(%dma_start3A_30 : memref<16x64xf32, #tpu.memory_space<vmem>>) target(%dma_start3A_27 : memref<16x64xf32, #tpu.memory_space<vmem_shared>>) target_semaphore(%run_scoped3A : memref<!tpu.dma_semaphore, #tpu.memory_space<semaphore_mem>>)
        %dma_wait3A = arith.constant 624 : i32
        %dma_wait3A_31 = arith.constant 0 : i32
        %dma_wait3A_32 = tpu.memref_slice %arg9[%dma_wait3A, %dma_wait3A_31] : memref<1000x64xf32, #tpu.memory_space<vmem>> -> memref<16x64xf32, #tpu.memory_space<vmem>>
        %dma_wait3A_33 = arith.constant 9984 : i32
        %dma_wait3A_34 = arith.constant 0 : i32
        %dma_wait3A_35 = tpu.memref_slice %arg10[%dma_wait3A_33, %dma_wait3A_34] : memref<10000x64xf32, #tpu.memory_space<vmem_shared>> -> memref<16x64xf32, #tpu.memory_space<vmem_shared>>
        %dma_wait3A_36 = arith.constant 9984 : i32
        %dma_wait3A_37 = arith.constant 0 : i32
        %dma_wait3A_38 = tpu.memref_slice %arg10[%dma_wait3A_36, %dma_wait3A_37] : memref<10000x64xf32, #tpu.memory_space<vmem_shared>> -> memref<16x64xf32, #tpu.memory_space<vmem_shared>>
        %dma_wait3A_39 = arith.constant 624 : i32
        %dma_wait3A_40 = arith.constant 0 : i32
        %dma_wait3A_41 = tpu.memref_slice %arg9[%dma_wait3A_39, %dma_wait3A_40] : memref<1000x64xf32, #tpu.memory_space<vmem>> -> memref<16x64xf32, #tpu.memory_space<vmem>>
        tpu.wait_dma2 semaphore(%run_scoped3A : memref<!tpu.dma_semaphore, #tpu.memory_space<semaphore_mem>>) src(%dma_wait3A_41 : memref<16x64xf32, #tpu.memory_space<vmem>>) dst(%dma_wait3A_38 : memref<16x64xf32, #tpu.memory_space<vmem_shared>>)
        tpu.yield
      }) : () -> ()
    } else {
    }
    %barrier3A = arith.constant 0 : index
    tpu.barrier barrier_id(%barrier3A)
    %scan3A = arith.constant 0 : i32
    %scan3A_5 = arith.constant 0 : i32
    %scan3A_6 = arith.constant 10 : i32
    %scan3A_7 = arith.addi %scan3A_5, %scan3A_6 : i32
    %scan3A_8 = arith.constant 1 : i32
    scf.for %scan3A_20 = %scan3A_5 to %scan3A_7 step %scan3A_8  : i32 {
      %mul3A_21 = arith.constant 160000 : i32
      %mul3A_22 = arith.muli %arg0, %mul3A_21 : i32
      %mul3A_23 = arith.constant 10000 : i32
      %mul3A_24 = arith.muli %arg1, %mul3A_23 : i32
      %add3A = arith.addi %mul3A_22, %mul3A_24 : i32
      %mul3A_25 = arith.constant 1000 : i32
      %mul3A_26 = arith.muli %scan3A_20, %mul3A_25 : i32
      %add3A_27 = arith.addi %add3A, %mul3A_26 : i32
      "tpu.region"() ({
        %run_scoped3A = tpu.sem_alloc : memref<!tpu.dma_semaphore, #tpu.memory_space<semaphore_mem>>
        %dma_start3A = tpu.memref_slice %arg3[%add3A_27] : memref<320000xi32, #tpu.memory_space<hbm>> -> memref<1000xi32, #tpu.memory_space<hbm>>
        %dma_start3A_28 = tpu.memref_slice %arg3[%add3A_27] : memref<320000xi32, #tpu.memory_space<hbm>> -> memref<1000xi32, #tpu.memory_space<hbm>>
        tpu.enqueue_dma source(%dma_start3A_28 : memref<1000xi32, #tpu.memory_space<hbm>>) target(%arg7 : memref<1000xi32, #tpu.memory_space<vmem>>) target_semaphore(%run_scoped3A : memref<!tpu.dma_semaphore, #tpu.memory_space<semaphore_mem>>)
        %dma_wait3A = tpu.memref_slice %arg3[%add3A_27] : memref<320000xi32, #tpu.memory_space<hbm>> -> memref<1000xi32, #tpu.memory_space<hbm>>
        %dma_wait3A_29 = tpu.memref_slice %arg3[%add3A_27] : memref<320000xi32, #tpu.memory_space<hbm>> -> memref<1000xi32, #tpu.memory_space<hbm>>
        tpu.wait_dma2 semaphore(%run_scoped3A : memref<!tpu.dma_semaphore, #tpu.memory_space<semaphore_mem>>) src(%dma_wait3A_29 : memref<1000xi32, #tpu.memory_space<hbm>>) dst(%arg7 : memref<1000xi32, #tpu.memory_space<vmem>>)
        tpu.yield
      }) : () -> ()
      "tpu.region"() ({
        %run_scoped3A = tpu.sem_alloc : memref<!tpu.dma_semaphore, #tpu.memory_space<semaphore_mem>>
        %dma_start3A = tpu.memref_slice %arg4[%add3A_27] : memref<320000xi32, #tpu.memory_space<hbm>> -> memref<1000xi32, #tpu.memory_space<hbm>>
        %dma_start3A_28 = tpu.memref_slice %arg4[%add3A_27] : memref<320000xi32, #tpu.memory_space<hbm>> -> memref<1000xi32, #tpu.memory_space<hbm>>
        tpu.enqueue_dma source(%dma_start3A_28 : memref<1000xi32, #tpu.memory_space<hbm>>) target(%arg8 : memref<1000xi32, #tpu.memory_space<vmem>>) target_semaphore(%run_scoped3A : memref<!tpu.dma_semaphore, #tpu.memory_space<semaphore_mem>>)
        %dma_wait3A = tpu.memref_slice %arg4[%add3A_27] : memref<320000xi32, #tpu.memory_space<hbm>> -> memref<1000xi32, #tpu.memory_space<hbm>>
        %dma_wait3A_29 = tpu.memref_slice %arg4[%add3A_27] : memref<320000xi32, #tpu.memory_space<hbm>> -> memref<1000xi32, #tpu.memory_space<hbm>>
        tpu.wait_dma2 semaphore(%run_scoped3A : memref<!tpu.dma_semaphore, #tpu.memory_space<semaphore_mem>>) src(%dma_wait3A_29 : memref<1000xi32, #tpu.memory_space<hbm>>) dst(%arg8 : memref<1000xi32, #tpu.memory_space<vmem>>)
        tpu.yield
      }) : () -> ()
      "tpu.region"() ({
        %run_scoped3A = tpu.sem_alloc : memref<!tpu.dma_semaphore, #tpu.memory_space<semaphore_mem>>
        %dma_start3A = arith.constant 0 : i32
        %dma_start3A_28 = arith.constant 0 : i32
        %dma_start3A_29 = tpu.memref_slice %arg2[%dma_start3A, %dma_start3A_28] : memref<10000x64xf32, #tpu.memory_space<hbm>> -> memref<10000x64xf32, #tpu.memory_space<hbm>>
        tpu.enqueue_indirect_dma source(%dma_start3A_29 : memref<10000x64xf32, #tpu.memory_space<hbm>>) target(%arg9 : memref<1000x64xf32, #tpu.memory_space<vmem>>) offsets(%arg7 : memref<1000xi32, #tpu.memory_space<vmem>>) semaphore(%run_scoped3A : memref<!tpu.dma_semaphore, #tpu.memory_space<semaphore_mem>>)
        %dma_wait3A = arith.constant 0 : i32
        %dma_wait3A_30 = arith.constant 0 : i32
        %dma_wait3A_31 = tpu.memref_slice %arg2[%dma_wait3A, %dma_wait3A_30] : memref<10000x64xf32, #tpu.memory_space<hbm>> -> memref<10000x64xf32, #tpu.memory_space<hbm>>
        tpu.wait_indirect_dma semaphore(%run_scoped3A : memref<!tpu.dma_semaphore, #tpu.memory_space<semaphore_mem>>) src(%dma_wait3A_31 : memref<10000x64xf32, #tpu.memory_space<hbm>>) dst(%arg9 : memref<1000x64xf32, #tpu.memory_space<vmem>>)
        tpu.yield
      }) : () -> ()
      "tpu.region"() ({
        %run_scoped3A = tpu.sem_alloc : memref<!tpu.dma_semaphore, #tpu.memory_space<semaphore_mem>>
        %dma_start3A = arith.constant 0 : i32
        %dma_start3A_28 = arith.constant 0 : i32
        %dma_start3A_29 = tpu.memref_slice %arg10[%dma_start3A, %dma_start3A_28] : memref<10000x64xf32, #tpu.memory_space<vmem_shared>> -> memref<10000x64xf32, #tpu.memory_space<vmem_shared>>
        tpu.enqueue_indirect_dma source(%arg9 : memref<1000x64xf32, #tpu.memory_space<vmem>>) target(%dma_start3A_29 : memref<10000x64xf32, #tpu.memory_space<vmem_shared>>) offsets(%arg8 : memref<1000xi32, #tpu.memory_space<vmem>>) semaphore(%run_scoped3A : memref<!tpu.dma_semaphore, #tpu.memory_space<semaphore_mem>>) {add = true}
        %dma_wait3A = arith.constant 0 : i32
        %dma_wait3A_30 = arith.constant 0 : i32
        %dma_wait3A_31 = tpu.memref_slice %arg10[%dma_wait3A, %dma_wait3A_30] : memref<10000x64xf32, #tpu.memory_space<vmem_shared>> -> memref<10000x64xf32, #tpu.memory_space<vmem_shared>>
        tpu.wait_indirect_dma semaphore(%run_scoped3A : memref<!tpu.dma_semaphore, #tpu.memory_space<semaphore_mem>>) src(%arg9 : memref<1000x64xf32, #tpu.memory_space<vmem>>) dst(%dma_wait3A_31 : memref<10000x64xf32, #tpu.memory_space<vmem_shared>>)
        tpu.yield
      }) : () -> ()
    }
    %scan3A_9 = arith.constant 10 : i32
    %barrier3A_10 = arith.constant 0 : index
    tpu.barrier barrier_id(%barrier3A_10)
    %mul3A_11 = arith.constant 624 : i32
    %mul3A_12 = arith.muli %arg1, %mul3A_11 : i32
    "tpu.region"() ({
      %run_scoped3A = tpu.sem_alloc : memref<!tpu.dma_semaphore, #tpu.memory_space<semaphore_mem>>
      %dma_start3A = arith.constant 0 : i32
      %dma_start3A_20 = arith.constant 0 : i32
      %dma_start3A_21 = tpu.memref_slice %arg9[%dma_start3A, %dma_start3A_20] : memref<1000x64xf32, #tpu.memory_space<vmem>> -> memref<624x64xf32, #tpu.memory_space<vmem>>
      %dma_start3A_22 = arith.constant 0 : i32
      %dma_start3A_23 = tpu.memref_slice %arg10[%mul3A_12, %dma_start3A_22] : memref<10000x64xf32, #tpu.memory_space<vmem_shared>> -> memref<624x64xf32, #tpu.memory_space<vmem_shared>>
      %dma_start3A_24 = arith.constant 0 : i32
      %dma_start3A_25 = arith.constant 0 : i32
      %dma_start3A_26 = tpu.memref_slice %arg9[%dma_start3A_24, %dma_start3A_25] : memref<1000x64xf32, #tpu.memory_space<vmem>> -> memref<624x64xf32, #tpu.memory_space<vmem>>
      %dma_start3A_27 = arith.constant 0 : i32
      %dma_start3A_28 = tpu.memref_slice %arg10[%mul3A_12, %dma_start3A_27] : memref<10000x64xf32, #tpu.memory_space<vmem_shared>> -> memref<624x64xf32, #tpu.memory_space<vmem_shared>>
      tpu.enqueue_dma source(%dma_start3A_28 : memref<624x64xf32, #tpu.memory_space<vmem_shared>>) target(%dma_start3A_26 : memref<624x64xf32, #tpu.memory_space<vmem>>) target_semaphore(%run_scoped3A : memref<!tpu.dma_semaphore, #tpu.memory_space<semaphore_mem>>)
      %dma_wait3A = arith.constant 0 : i32
      %dma_wait3A_29 = arith.constant 0 : i32
      %dma_wait3A_30 = tpu.memref_slice %arg9[%dma_wait3A, %dma_wait3A_29] : memref<1000x64xf32, #tpu.memory_space<vmem>> -> memref<624x64xf32, #tpu.memory_space<vmem>>
      %dma_wait3A_31 = arith.constant 0 : i32
      %dma_wait3A_32 = tpu.memref_slice %arg10[%mul3A_12, %dma_wait3A_31] : memref<10000x64xf32, #tpu.memory_space<vmem_shared>> -> memref<624x64xf32, #tpu.memory_space<vmem_shared>>
      %dma_wait3A_33 = arith.constant 0 : i32
      %dma_wait3A_34 = arith.constant 0 : i32
      %dma_wait3A_35 = tpu.memref_slice %arg9[%dma_wait3A_33, %dma_wait3A_34] : memref<1000x64xf32, #tpu.memory_space<vmem>> -> memref<624x64xf32, #tpu.memory_space<vmem>>
      %dma_wait3A_36 = arith.constant 0 : i32
      %dma_wait3A_37 = tpu.memref_slice %arg10[%mul3A_12, %dma_wait3A_36] : memref<10000x64xf32, #tpu.memory_space<vmem_shared>> -> memref<624x64xf32, #tpu.memory_space<vmem_shared>>
      tpu.wait_dma2 semaphore(%run_scoped3A : memref<!tpu.dma_semaphore, #tpu.memory_space<semaphore_mem>>) src(%dma_wait3A_37 : memref<624x64xf32, #tpu.memory_space<vmem_shared>>) dst(%dma_wait3A_35 : memref<624x64xf32, #tpu.memory_space<vmem>>)
      tpu.yield
    }) : () -> ()
    %mul3A_13 = arith.constant 624 : i32
    %mul3A_14 = arith.muli %arg1, %mul3A_13 : i32
    "tpu.region"() ({
      %run_scoped3A = tpu.sem_alloc : memref<!tpu.dma_semaphore, #tpu.memory_space<semaphore_mem>>
      %dma_start3A = arith.constant 0 : i32
      %dma_start3A_20 = arith.constant 0 : i32
      %dma_start3A_21 = tpu.memref_slice %arg9[%dma_start3A, %dma_start3A_20] : memref<1000x64xf32, #tpu.memory_space<vmem>> -> memref<624x64xf32, #tpu.memory_space<vmem>>
      %dma_start3A_22 = arith.constant 0 : i32
      %dma_start3A_23 = tpu.memref_slice %arg6[%arg0, %mul3A_14, %dma_start3A_22] : memref<2x10000x64xf32, #tpu.memory_space<hbm>> -> memref<1x624x64xf32, #tpu.memory_space<hbm>>
      %dma_start3A_24 = tpu.memref_squeeze %dma_start3A_23 : memref<1x624x64xf32, #tpu.memory_space<hbm>> -> memref<624x64xf32, #tpu.memory_space<hbm>>
      %dma_start3A_25 = arith.constant 0 : i32
      %dma_start3A_26 = tpu.memref_slice %arg6[%arg0, %mul3A_14, %dma_start3A_25] : memref<2x10000x64xf32, #tpu.memory_space<hbm>> -> memref<1x624x64xf32, #tpu.memory_space<hbm>>
      %dma_start3A_27 = tpu.memref_squeeze %dma_start3A_26 : memref<1x624x64xf32, #tpu.memory_space<hbm>> -> memref<624x64xf32, #tpu.memory_space<hbm>>
      %dma_start3A_28 = arith.constant 0 : i32
      %dma_start3A_29 = arith.constant 0 : i32
      %dma_start3A_30 = tpu.memref_slice %arg9[%dma_start3A_28, %dma_start3A_29] : memref<1000x64xf32, #tpu.memory_space<vmem>> -> memref<624x64xf32, #tpu.memory_space<vmem>>
      tpu.enqueue_dma source(%dma_start3A_30 : memref<624x64xf32, #tpu.memory_space<vmem>>) target(%dma_start3A_27 : memref<624x64xf32, #tpu.memory_space<hbm>>) target_semaphore(%run_scoped3A : memref<!tpu.dma_semaphore, #tpu.memory_space<semaphore_mem>>)
      %dma_wait3A = arith.constant 0 : i32
      %dma_wait3A_31 = arith.constant 0 : i32
      %dma_wait3A_32 = tpu.memref_slice %arg9[%dma_wait3A, %dma_wait3A_31] : memref<1000x64xf32, #tpu.memory_space<vmem>> -> memref<624x64xf32, #tpu.memory_space<vmem>>
      %dma_wait3A_33 = arith.constant 0 : i32
      %dma_wait3A_34 = tpu.memref_slice %arg6[%arg0, %mul3A_14, %dma_wait3A_33] : memref<2x10000x64xf32, #tpu.memory_space<hbm>> -> memref<1x624x64xf32, #tpu.memory_space<hbm>>
      %dma_wait3A_35 = tpu.memref_squeeze %dma_wait3A_34 : memref<1x624x64xf32, #tpu.memory_space<hbm>> -> memref<624x64xf32, #tpu.memory_space<hbm>>
      %dma_wait3A_36 = arith.constant 0 : i32
      %dma_wait3A_37 = tpu.memref_slice %arg6[%arg0, %mul3A_14, %dma_wait3A_36] : memref<2x10000x64xf32, #tpu.memory_space<hbm>> -> memref<1x624x64xf32, #tpu.memory_space<hbm>>
      %dma_wait3A_38 = tpu.memref_squeeze %dma_wait3A_37 : memref<1x624x64xf32, #tpu.memory_space<hbm>> -> memref<624x64xf32, #tpu.memory_space<hbm>>
      %dma_wait3A_39 = arith.constant 0 : i32
      %dma_wait3A_40 = arith.constant 0 : i32
      %dma_wait3A_41 = tpu.memref_slice %arg9[%dma_wait3A_39, %dma_wait3A_40] : memref<1000x64xf32, #tpu.memory_space<vmem>> -> memref<624x64xf32, #tpu.memory_space<vmem>>
      tpu.wait_dma2 semaphore(%run_scoped3A : memref<!tpu.dma_semaphore, #tpu.memory_space<semaphore_mem>>) src(%dma_wait3A_41 : memref<624x64xf32, #tpu.memory_space<vmem>>) dst(%dma_wait3A_38 : memref<624x64xf32, #tpu.memory_space<hbm>>)
      tpu.yield
    }) : () -> ()
    %eq3A_15 = arith.constant 15 : i32
    %eq3A_16 = arith.cmpi eq, %arg1, %eq3A_15 : i32
    %convert_element_type3A_17 = arith.extui %eq3A_16 : i1 to i32
    %cond3A_18 = arith.constant 0 : i32
    %cond3A_19 = arith.cmpi ne, %convert_element_type3A_17, %cond3A_18 : i32
    scf.if %cond3A_19 {
      "tpu.region"() ({
        %run_scoped3A = tpu.sem_alloc : memref<!tpu.dma_semaphore, #tpu.memory_space<semaphore_mem>>
        %dma_start3A = arith.constant 624 : i32
        %dma_start3A_20 = arith.constant 0 : i32
        %dma_start3A_21 = tpu.memref_slice %arg9[%dma_start3A, %dma_start3A_20] : memref<1000x64xf32, #tpu.memory_space<vmem>> -> memref<16x64xf32, #tpu.memory_space<vmem>>
        %dma_start3A_22 = arith.constant 9984 : i32
        %dma_start3A_23 = arith.constant 0 : i32
        %dma_start3A_24 = tpu.memref_slice %arg10[%dma_start3A_22, %dma_start3A_23] : memref<10000x64xf32, #tpu.memory_space<vmem_shared>> -> memref<16x64xf32, #tpu.memory_space<vmem_shared>>
        %dma_start3A_25 = arith.constant 624 : i32
        %dma_start3A_26 = arith.constant 0 : i32
        %dma_start3A_27 = tpu.memref_slice %arg9[%dma_start3A_25, %dma_start3A_26] : memref<1000x64xf32, #tpu.memory_space<vmem>> -> memref<16x64xf32, #tpu.memory_space<vmem>>
        %dma_start3A_28 = arith.constant 9984 : i32
        %dma_start3A_29 = arith.constant 0 : i32
        %dma_start3A_30 = tpu.memref_slice %arg10[%dma_start3A_28, %dma_start3A_29] : memref<10000x64xf32, #tpu.memory_space<vmem_shared>> -> memref<16x64xf32, #tpu.memory_space<vmem_shared>>
        tpu.enqueue_dma source(%dma_start3A_30 : memref<16x64xf32, #tpu.memory_space<vmem_shared>>) target(%dma_start3A_27 : memref<16x64xf32, #tpu.memory_space<vmem>>) target_semaphore(%run_scoped3A : memref<!tpu.dma_semaphore, #tpu.memory_space<semaphore_mem>>)
        %dma_wait3A = arith.constant 624 : i32
        %dma_wait3A_31 = arith.constant 0 : i32
        %dma_wait3A_32 = tpu.memref_slice %arg9[%dma_wait3A, %dma_wait3A_31] : memref<1000x64xf32, #tpu.memory_space<vmem>> -> memref<16x64xf32, #tpu.memory_space<vmem>>
        %dma_wait3A_33 = arith.constant 9984 : i32
        %dma_wait3A_34 = arith.constant 0 : i32
        %dma_wait3A_35 = tpu.memref_slice %arg10[%dma_wait3A_33, %dma_wait3A_34] : memref<10000x64xf32, #tpu.memory_space<vmem_shared>> -> memref<16x64xf32, #tpu.memory_space<vmem_shared>>
        %dma_wait3A_36 = arith.constant 624 : i32
        %dma_wait3A_37 = arith.constant 0 : i32
        %dma_wait3A_38 = tpu.memref_slice %arg9[%dma_wait3A_36, %dma_wait3A_37] : memref<1000x64xf32, #tpu.memory_space<vmem>> -> memref<16x64xf32, #tpu.memory_space<vmem>>
        %dma_wait3A_39 = arith.constant 9984 : i32
        %dma_wait3A_40 = arith.constant 0 : i32
        %dma_wait3A_41 = tpu.memref_slice %arg10[%dma_wait3A_39, %dma_wait3A_40] : memref<10000x64xf32, #tpu.memory_space<vmem_shared>> -> memref<16x64xf32, #tpu.memory_space<vmem_shared>>
        tpu.wait_dma2 semaphore(%run_scoped3A : memref<!tpu.dma_semaphore, #tpu.memory_space<semaphore_mem>>) src(%dma_wait3A_41 : memref<16x64xf32, #tpu.memory_space<vmem_shared>>) dst(%dma_wait3A_38 : memref<16x64xf32, #tpu.memory_space<vmem>>)
        tpu.yield
      }) : () -> ()
      "tpu.region"() ({
        %run_scoped3A = tpu.sem_alloc : memref<!tpu.dma_semaphore, #tpu.memory_space<semaphore_mem>>
        %dma_start3A = arith.constant 624 : i32
        %dma_start3A_20 = arith.constant 0 : i32
        %dma_start3A_21 = tpu.memref_slice %arg9[%dma_start3A, %dma_start3A_20] : memref<1000x64xf32, #tpu.memory_space<vmem>> -> memref<16x64xf32, #tpu.memory_space<vmem>>
        %dma_start3A_22 = arith.constant 9984 : i32
        %dma_start3A_23 = arith.constant 0 : i32
        %dma_start3A_24 = tpu.memref_slice %arg6[%arg0, %dma_start3A_22, %dma_start3A_23] : memref<2x10000x64xf32, #tpu.memory_space<hbm>> -> memref<1x16x64xf32, #tpu.memory_space<hbm>>
        %dma_start3A_25 = tpu.memref_squeeze %dma_start3A_24 : memref<1x16x64xf32, #tpu.memory_space<hbm>> -> memref<16x64xf32, #tpu.memory_space<hbm>>
        %dma_start3A_26 = arith.constant 9984 : i32
        %dma_start3A_27 = arith.constant 0 : i32
        %dma_start3A_28 = tpu.memref_slice %arg6[%arg0, %dma_start3A_26, %dma_start3A_27] : memref<2x10000x64xf32, #tpu.memory_space<hbm>> -> memref<1x16x64xf32, #tpu.memory_space<hbm>>
        %dma_start3A_29 = tpu.memref_squeeze %dma_start3A_28 : memref<1x16x64xf32, #tpu.memory_space<hbm>> -> memref<16x64xf32, #tpu.memory_space<hbm>>
        %dma_start3A_30 = arith.constant 624 : i32
        %dma_start3A_31 = arith.constant 0 : i32
        %dma_start3A_32 = tpu.memref_slice %arg9[%dma_start3A_30, %dma_start3A_31] : memref<1000x64xf32, #tpu.memory_space<vmem>> -> memref<16x64xf32, #tpu.memory_space<vmem>>
        tpu.enqueue_dma source(%dma_start3A_32 : memref<16x64xf32, #tpu.memory_space<vmem>>) target(%dma_start3A_29 : memref<16x64xf32, #tpu.memory_space<hbm>>) target_semaphore(%run_scoped3A : memref<!tpu.dma_semaphore, #tpu.memory_space<semaphore_mem>>)
        %dma_wait3A = arith.constant 624 : i32
        %dma_wait3A_33 = arith.constant 0 : i32
        %dma_wait3A_34 = tpu.memref_slice %arg9[%dma_wait3A, %dma_wait3A_33] : memref<1000x64xf32, #tpu.memory_space<vmem>> -> memref<16x64xf32, #tpu.memory_space<vmem>>
        %dma_wait3A_35 = arith.constant 9984 : i32
        %dma_wait3A_36 = arith.constant 0 : i32
        %dma_wait3A_37 = tpu.memref_slice %arg6[%arg0, %dma_wait3A_35, %dma_wait3A_36] : memref<2x10000x64xf32, #tpu.memory_space<hbm>> -> memref<1x16x64xf32, #tpu.memory_space<hbm>>
        %dma_wait3A_38 = tpu.memref_squeeze %dma_wait3A_37 : memref<1x16x64xf32, #tpu.memory_space<hbm>> -> memref<16x64xf32, #tpu.memory_space<hbm>>
        %dma_wait3A_39 = arith.constant 9984 : i32
        %dma_wait3A_40 = arith.constant 0 : i32
        %dma_wait3A_41 = tpu.memref_slice %arg6[%arg0, %dma_wait3A_39, %dma_wait3A_40] : memref<2x10000x64xf32, #tpu.memory_space<hbm>> -> memref<1x16x64xf32, #tpu.memory_space<hbm>>
        %dma_wait3A_42 = tpu.memref_squeeze %dma_wait3A_41 : memref<1x16x64xf32, #tpu.memory_space<hbm>> -> memref<16x64xf32, #tpu.memory_space<hbm>>
        %dma_wait3A_43 = arith.constant 624 : i32
        %dma_wait3A_44 = arith.constant 0 : i32
        %dma_wait3A_45 = tpu.memref_slice %arg9[%dma_wait3A_43, %dma_wait3A_44] : memref<1000x64xf32, #tpu.memory_space<vmem>> -> memref<16x64xf32, #tpu.memory_space<vmem>>
        tpu.wait_dma2 semaphore(%run_scoped3A : memref<!tpu.dma_semaphore, #tpu.memory_space<semaphore_mem>>) src(%dma_wait3A_45 : memref<16x64xf32, #tpu.memory_space<vmem>>) dst(%dma_wait3A_42 : memref<16x64xf32, #tpu.memory_space<hbm>>)
        tpu.yield
      }) : () -> ()
    } else {
    }
    return
  }
}

#map = affine_map<(d0, d1) -> (0, 0)>
#map1 = affine_map<(d0, d1) -> (0)>
#map2 = affine_map<(d0, d1) -> (0, 0, 0)>
module attributes {stable_mosaic.version = 14 : i64} {
  func.func @_sc_prop(%arg0: i32, %arg1: i32, %arg2: memref<10000x64xf32, #tpu.memory_space<hbm>>, %arg3: memref<320000xi32, #tpu.memory_space<hbm>>, %arg4: memref<320000xi32, #tpu.memory_space<hbm>>, %arg5: memref<10000x64xf32, #tpu.memory_space<hbm>>, %arg6: memref<2x10000x64xf32, #tpu.memory_space<hbm>>, %arg7: memref<1000xi32, #tpu.memory_space<vmem>>, %arg8: memref<1000xi32, #tpu.memory_space<vmem>>, %arg9: memref<1000x64xf32, #tpu.memory_space<vmem>>, %arg10: memref<10000x64xf32, #tpu.memory_space<vmem_shared>>) attributes {dimension_semantics = [#tpu.dimension_semantics<core_parallel>, #tpu.dimension_semantics<subcore_parallel>], iteration_bounds = array<i64: 2, 16>, scalar_prefetch = 0 : i64, scratch_operands = 4 : i64, tpu.core_type = #tpu.core_type<sc_vector_subcore>, window_params = [{transform_indices = #map}, {transform_indices = #map1}, {transform_indices = #map1}, {transform_indices = #map}, {transform_indices = #map2}]} {
    %mul3A = arith.constant 624 : i32
    %mul3A_0 = arith.muli %arg1, %mul3A : i32
    "tpu.region"() ({
      %run_scoped3A = tpu.sem_alloc : memref<!tpu.dma_semaphore, #tpu.memory_space<semaphore_mem>>
      %dma_start3A = arith.constant 0 : i32
      %dma_start3A_20 = arith.constant 0 : i32
      %dma_start3A_21 = tpu.memref_slice %arg9[%dma_start3A, %dma_start3A_20] : memref<1000x64xf32, #tpu.memory_space<vmem>> -> memref<624x64xf32, #tpu.memory_space<vmem>>
      %dma_start3A_22 = arith.constant 0 : i32
      %dma_start3A_23 = tpu.memref_slice %arg5[%mul3A_0, %dma_start3A_22] : memref<10000x64xf32, #tpu.memory_space<hbm>> -> memref<624x64xf32, #tpu.memory_space<hbm>>
      %dma_start3A_24 = arith.constant 0 : i32
      %dma_start3A_25 = arith.constant 0 : i32
      %dma_start3A_26 = tpu.memref_slice %arg9[%dma_start3A_24, %dma_start3A_25] : memref<1000x64xf32, #tpu.memory_space<vmem>> -> memref<624x64xf32, #tpu.memory_space<vmem>>
      %dma_start3A_27 = arith.constant 0 : i32
      %dma_start3A_28 = tpu.memref_slice %arg5[%mul3A_0, %dma_start3A_27] : memref<10000x64xf32, #tpu.memory_space<hbm>> -> memref<624x64xf32, #tpu.memory_space<hbm>>
      tpu.enqueue_dma source(%dma_start3A_28 : memref<624x64xf32, #tpu.memory_space<hbm>>) target(%dma_start3A_26 : memref<624x64xf32, #tpu.memory_space<vmem>>) target_semaphore(%run_scoped3A : memref<!tpu.dma_semaphore, #tpu.memory_space<semaphore_mem>>)
      %dma_wait3A = arith.constant 0 : i32
      %dma_wait3A_29 = arith.constant 0 : i32
      %dma_wait3A_30 = tpu.memref_slice %arg9[%dma_wait3A, %dma_wait3A_29] : memref<1000x64xf32, #tpu.memory_space<vmem>> -> memref<624x64xf32, #tpu.memory_space<vmem>>
      %dma_wait3A_31 = arith.constant 0 : i32
      %dma_wait3A_32 = tpu.memref_slice %arg5[%mul3A_0, %dma_wait3A_31] : memref<10000x64xf32, #tpu.memory_space<hbm>> -> memref<624x64xf32, #tpu.memory_space<hbm>>
      %dma_wait3A_33 = arith.constant 0 : i32
      %dma_wait3A_34 = arith.constant 0 : i32
      %dma_wait3A_35 = tpu.memref_slice %arg9[%dma_wait3A_33, %dma_wait3A_34] : memref<1000x64xf32, #tpu.memory_space<vmem>> -> memref<624x64xf32, #tpu.memory_space<vmem>>
      %dma_wait3A_36 = arith.constant 0 : i32
      %dma_wait3A_37 = tpu.memref_slice %arg5[%mul3A_0, %dma_wait3A_36] : memref<10000x64xf32, #tpu.memory_space<hbm>> -> memref<624x64xf32, #tpu.memory_space<hbm>>
      tpu.wait_dma2 semaphore(%run_scoped3A : memref<!tpu.dma_semaphore, #tpu.memory_space<semaphore_mem>>) src(%dma_wait3A_37 : memref<624x64xf32, #tpu.memory_space<hbm>>) dst(%dma_wait3A_35 : memref<624x64xf32, #tpu.memory_space<vmem>>)
      tpu.yield
    }) : () -> ()
    %mul3A_1 = arith.constant 624 : i32
    %mul3A_2 = arith.muli %arg1, %mul3A_1 : i32
    "tpu.region"() ({
      %run_scoped3A = tpu.sem_alloc : memref<!tpu.dma_semaphore, #tpu.memory_space<semaphore_mem>>
      %dma_start3A = arith.constant 0 : i32
      %dma_start3A_20 = arith.constant 0 : i32
      %dma_start3A_21 = tpu.memref_slice %arg9[%dma_start3A, %dma_start3A_20] : memref<1000x64xf32, #tpu.memory_space<vmem>> -> memref<624x64xf32, #tpu.memory_space<vmem>>
      %dma_start3A_22 = arith.constant 0 : i32
      %dma_start3A_23 = tpu.memref_slice %arg10[%mul3A_2, %dma_start3A_22] : memref<10000x64xf32, #tpu.memory_space<vmem_shared>> -> memref<624x64xf32, #tpu.memory_space<vmem_shared>>
      %dma_start3A_24 = arith.constant 0 : i32
      %dma_start3A_25 = tpu.memref_slice %arg10[%mul3A_2, %dma_start3A_24] : memref<10000x64xf32, #tpu.memory_space<vmem_shared>> -> memref<624x64xf32, #tpu.memory_space<vmem_shared>>
      %dma_start3A_26 = arith.constant 0 : i32
      %dma_start3A_27 = arith.constant 0 : i32
      %dma_start3A_28 = tpu.memref_slice %arg9[%dma_start3A_26, %dma_start3A_27] : memref<1000x64xf32, #tpu.memory_space<vmem>> -> memref<624x64xf32, #tpu.memory_space<vmem>>
      tpu.enqueue_dma source(%dma_start3A_28 : memref<624x64xf32, #tpu.memory_space<vmem>>) target(%dma_start3A_25 : memref<624x64xf32, #tpu.memory_space<vmem_shared>>) target_semaphore(%run_scoped3A : memref<!tpu.dma_semaphore, #tpu.memory_space<semaphore_mem>>)
      %dma_wait3A = arith.constant 0 : i32
      %dma_wait3A_29 = arith.constant 0 : i32
      %dma_wait3A_30 = tpu.memref_slice %arg9[%dma_wait3A, %dma_wait3A_29] : memref<1000x64xf32, #tpu.memory_space<vmem>> -> memref<624x64xf32, #tpu.memory_space<vmem>>
      %dma_wait3A_31 = arith.constant 0 : i32
      %dma_wait3A_32 = tpu.memref_slice %arg10[%mul3A_2, %dma_wait3A_31] : memref<10000x64xf32, #tpu.memory_space<vmem_shared>> -> memref<624x64xf32, #tpu.memory_space<vmem_shared>>
      %dma_wait3A_33 = arith.constant 0 : i32
      %dma_wait3A_34 = tpu.memref_slice %arg10[%mul3A_2, %dma_wait3A_33] : memref<10000x64xf32, #tpu.memory_space<vmem_shared>> -> memref<624x64xf32, #tpu.memory_space<vmem_shared>>
      %dma_wait3A_35 = arith.constant 0 : i32
      %dma_wait3A_36 = arith.constant 0 : i32
      %dma_wait3A_37 = tpu.memref_slice %arg9[%dma_wait3A_35, %dma_wait3A_36] : memref<1000x64xf32, #tpu.memory_space<vmem>> -> memref<624x64xf32, #tpu.memory_space<vmem>>
      tpu.wait_dma2 semaphore(%run_scoped3A : memref<!tpu.dma_semaphore, #tpu.memory_space<semaphore_mem>>) src(%dma_wait3A_37 : memref<624x64xf32, #tpu.memory_space<vmem>>) dst(%dma_wait3A_34 : memref<624x64xf32, #tpu.memory_space<vmem_shared>>)
      tpu.yield
    }) : () -> ()
    %eq3A = arith.constant 15 : i32
    %eq3A_3 = arith.cmpi eq, %arg1, %eq3A : i32
    %convert_element_type3A = arith.extui %eq3A_3 : i1 to i32
    %cond3A = arith.constant 0 : i32
    %cond3A_4 = arith.cmpi ne, %convert_element_type3A, %cond3A : i32
    scf.if %cond3A_4 {
      "tpu.region"() ({
        %run_scoped3A = tpu.sem_alloc : memref<!tpu.dma_semaphore, #tpu.memory_space<semaphore_mem>>
        %dma_start3A = arith.constant 624 : i32
        %dma_start3A_20 = arith.constant 0 : i32
        %dma_start3A_21 = tpu.memref_slice %arg9[%dma_start3A, %dma_start3A_20] : memref<1000x64xf32, #tpu.memory_space<vmem>> -> memref<16x64xf32, #tpu.memory_space<vmem>>
        %dma_start3A_22 = arith.constant 9984 : i32
        %dma_start3A_23 = arith.constant 0 : i32
        %dma_start3A_24 = tpu.memref_slice %arg5[%dma_start3A_22, %dma_start3A_23] : memref<10000x64xf32, #tpu.memory_space<hbm>> -> memref<16x64xf32, #tpu.memory_space<hbm>>
        %dma_start3A_25 = arith.constant 624 : i32
        %dma_start3A_26 = arith.constant 0 : i32
        %dma_start3A_27 = tpu.memref_slice %arg9[%dma_start3A_25, %dma_start3A_26] : memref<1000x64xf32, #tpu.memory_space<vmem>> -> memref<16x64xf32, #tpu.memory_space<vmem>>
        %dma_start3A_28 = arith.constant 9984 : i32
        %dma_start3A_29 = arith.constant 0 : i32
        %dma_start3A_30 = tpu.memref_slice %arg5[%dma_start3A_28, %dma_start3A_29] : memref<10000x64xf32, #tpu.memory_space<hbm>> -> memref<16x64xf32, #tpu.memory_space<hbm>>
        tpu.enqueue_dma source(%dma_start3A_30 : memref<16x64xf32, #tpu.memory_space<hbm>>) target(%dma_start3A_27 : memref<16x64xf32, #tpu.memory_space<vmem>>) target_semaphore(%run_scoped3A : memref<!tpu.dma_semaphore, #tpu.memory_space<semaphore_mem>>)
        %dma_wait3A = arith.constant 624 : i32
        %dma_wait3A_31 = arith.constant 0 : i32
        %dma_wait3A_32 = tpu.memref_slice %arg9[%dma_wait3A, %dma_wait3A_31] : memref<1000x64xf32, #tpu.memory_space<vmem>> -> memref<16x64xf32, #tpu.memory_space<vmem>>
        %dma_wait3A_33 = arith.constant 9984 : i32
        %dma_wait3A_34 = arith.constant 0 : i32
        %dma_wait3A_35 = tpu.memref_slice %arg5[%dma_wait3A_33, %dma_wait3A_34] : memref<10000x64xf32, #tpu.memory_space<hbm>> -> memref<16x64xf32, #tpu.memory_space<hbm>>
        %dma_wait3A_36 = arith.constant 624 : i32
        %dma_wait3A_37 = arith.constant 0 : i32
        %dma_wait3A_38 = tpu.memref_slice %arg9[%dma_wait3A_36, %dma_wait3A_37] : memref<1000x64xf32, #tpu.memory_space<vmem>> -> memref<16x64xf32, #tpu.memory_space<vmem>>
        %dma_wait3A_39 = arith.constant 9984 : i32
        %dma_wait3A_40 = arith.constant 0 : i32
        %dma_wait3A_41 = tpu.memref_slice %arg5[%dma_wait3A_39, %dma_wait3A_40] : memref<10000x64xf32, #tpu.memory_space<hbm>> -> memref<16x64xf32, #tpu.memory_space<hbm>>
        tpu.wait_dma2 semaphore(%run_scoped3A : memref<!tpu.dma_semaphore, #tpu.memory_space<semaphore_mem>>) src(%dma_wait3A_41 : memref<16x64xf32, #tpu.memory_space<hbm>>) dst(%dma_wait3A_38 : memref<16x64xf32, #tpu.memory_space<vmem>>)
        tpu.yield
      }) : () -> ()
      "tpu.region"() ({
        %run_scoped3A = tpu.sem_alloc : memref<!tpu.dma_semaphore, #tpu.memory_space<semaphore_mem>>
        %dma_start3A = arith.constant 624 : i32
        %dma_start3A_20 = arith.constant 0 : i32
        %dma_start3A_21 = tpu.memref_slice %arg9[%dma_start3A, %dma_start3A_20] : memref<1000x64xf32, #tpu.memory_space<vmem>> -> memref<16x64xf32, #tpu.memory_space<vmem>>
        %dma_start3A_22 = arith.constant 9984 : i32
        %dma_start3A_23 = arith.constant 0 : i32
        %dma_start3A_24 = tpu.memref_slice %arg10[%dma_start3A_22, %dma_start3A_23] : memref<10000x64xf32, #tpu.memory_space<vmem_shared>> -> memref<16x64xf32, #tpu.memory_space<vmem_shared>>
        %dma_start3A_25 = arith.constant 9984 : i32
        %dma_start3A_26 = arith.constant 0 : i32
        %dma_start3A_27 = tpu.memref_slice %arg10[%dma_start3A_25, %dma_start3A_26] : memref<10000x64xf32, #tpu.memory_space<vmem_shared>> -> memref<16x64xf32, #tpu.memory_space<vmem_shared>>
        %dma_start3A_28 = arith.constant 624 : i32
        %dma_start3A_29 = arith.constant 0 : i32
        %dma_start3A_30 = tpu.memref_slice %arg9[%dma_start3A_28, %dma_start3A_29] : memref<1000x64xf32, #tpu.memory_space<vmem>> -> memref<16x64xf32, #tpu.memory_space<vmem>>
        tpu.enqueue_dma source(%dma_start3A_30 : memref<16x64xf32, #tpu.memory_space<vmem>>) target(%dma_start3A_27 : memref<16x64xf32, #tpu.memory_space<vmem_shared>>) target_semaphore(%run_scoped3A : memref<!tpu.dma_semaphore, #tpu.memory_space<semaphore_mem>>)
        %dma_wait3A = arith.constant 624 : i32
        %dma_wait3A_31 = arith.constant 0 : i32
        %dma_wait3A_32 = tpu.memref_slice %arg9[%dma_wait3A, %dma_wait3A_31] : memref<1000x64xf32, #tpu.memory_space<vmem>> -> memref<16x64xf32, #tpu.memory_space<vmem>>
        %dma_wait3A_33 = arith.constant 9984 : i32
        %dma_wait3A_34 = arith.constant 0 : i32
        %dma_wait3A_35 = tpu.memref_slice %arg10[%dma_wait3A_33, %dma_wait3A_34] : memref<10000x64xf32, #tpu.memory_space<vmem_shared>> -> memref<16x64xf32, #tpu.memory_space<vmem_shared>>
        %dma_wait3A_36 = arith.constant 9984 : i32
        %dma_wait3A_37 = arith.constant 0 : i32
        %dma_wait3A_38 = tpu.memref_slice %arg10[%dma_wait3A_36, %dma_wait3A_37] : memref<10000x64xf32, #tpu.memory_space<vmem_shared>> -> memref<16x64xf32, #tpu.memory_space<vmem_shared>>
        %dma_wait3A_39 = arith.constant 624 : i32
        %dma_wait3A_40 = arith.constant 0 : i32
        %dma_wait3A_41 = tpu.memref_slice %arg9[%dma_wait3A_39, %dma_wait3A_40] : memref<1000x64xf32, #tpu.memory_space<vmem>> -> memref<16x64xf32, #tpu.memory_space<vmem>>
        tpu.wait_dma2 semaphore(%run_scoped3A : memref<!tpu.dma_semaphore, #tpu.memory_space<semaphore_mem>>) src(%dma_wait3A_41 : memref<16x64xf32, #tpu.memory_space<vmem>>) dst(%dma_wait3A_38 : memref<16x64xf32, #tpu.memory_space<vmem_shared>>)
        tpu.yield
      }) : () -> ()
    } else {
    }
    %barrier3A = arith.constant 0 : index
    tpu.barrier barrier_id(%barrier3A)
    %scan3A = arith.constant 0 : i32
    %scan3A_5 = arith.constant 0 : i32
    %scan3A_6 = arith.constant 10 : i32
    %scan3A_7 = arith.addi %scan3A_5, %scan3A_6 : i32
    %scan3A_8 = arith.constant 1 : i32
    scf.for %scan3A_20 = %scan3A_5 to %scan3A_7 step %scan3A_8  : i32 {
      %mul3A_21 = arith.constant 160000 : i32
      %mul3A_22 = arith.muli %arg0, %mul3A_21 : i32
      %mul3A_23 = arith.constant 10000 : i32
      %mul3A_24 = arith.muli %arg1, %mul3A_23 : i32
      %add3A = arith.addi %mul3A_22, %mul3A_24 : i32
      %mul3A_25 = arith.constant 1000 : i32
      %mul3A_26 = arith.muli %scan3A_20, %mul3A_25 : i32
      %add3A_27 = arith.addi %add3A, %mul3A_26 : i32
      "tpu.region"() ({
        %run_scoped3A = tpu.sem_alloc : memref<!tpu.dma_semaphore, #tpu.memory_space<semaphore_mem>>
        %dma_start3A = tpu.memref_slice %arg3[%add3A_27] : memref<320000xi32, #tpu.memory_space<hbm>> -> memref<1000xi32, #tpu.memory_space<hbm>>
        %dma_start3A_28 = tpu.memref_slice %arg3[%add3A_27] : memref<320000xi32, #tpu.memory_space<hbm>> -> memref<1000xi32, #tpu.memory_space<hbm>>
        tpu.enqueue_dma source(%dma_start3A_28 : memref<1000xi32, #tpu.memory_space<hbm>>) target(%arg7 : memref<1000xi32, #tpu.memory_space<vmem>>) target_semaphore(%run_scoped3A : memref<!tpu.dma_semaphore, #tpu.memory_space<semaphore_mem>>)
        %dma_wait3A = tpu.memref_slice %arg3[%add3A_27] : memref<320000xi32, #tpu.memory_space<hbm>> -> memref<1000xi32, #tpu.memory_space<hbm>>
        %dma_wait3A_29 = tpu.memref_slice %arg3[%add3A_27] : memref<320000xi32, #tpu.memory_space<hbm>> -> memref<1000xi32, #tpu.memory_space<hbm>>
        tpu.wait_dma2 semaphore(%run_scoped3A : memref<!tpu.dma_semaphore, #tpu.memory_space<semaphore_mem>>) src(%dma_wait3A_29 : memref<1000xi32, #tpu.memory_space<hbm>>) dst(%arg7 : memref<1000xi32, #tpu.memory_space<vmem>>)
        tpu.yield
      }) : () -> ()
      "tpu.region"() ({
        %run_scoped3A = tpu.sem_alloc : memref<!tpu.dma_semaphore, #tpu.memory_space<semaphore_mem>>
        %dma_start3A = tpu.memref_slice %arg4[%add3A_27] : memref<320000xi32, #tpu.memory_space<hbm>> -> memref<1000xi32, #tpu.memory_space<hbm>>
        %dma_start3A_28 = tpu.memref_slice %arg4[%add3A_27] : memref<320000xi32, #tpu.memory_space<hbm>> -> memref<1000xi32, #tpu.memory_space<hbm>>
        tpu.enqueue_dma source(%dma_start3A_28 : memref<1000xi32, #tpu.memory_space<hbm>>) target(%arg8 : memref<1000xi32, #tpu.memory_space<vmem>>) target_semaphore(%run_scoped3A : memref<!tpu.dma_semaphore, #tpu.memory_space<semaphore_mem>>)
        %dma_wait3A = tpu.memref_slice %arg4[%add3A_27] : memref<320000xi32, #tpu.memory_space<hbm>> -> memref<1000xi32, #tpu.memory_space<hbm>>
        %dma_wait3A_29 = tpu.memref_slice %arg4[%add3A_27] : memref<320000xi32, #tpu.memory_space<hbm>> -> memref<1000xi32, #tpu.memory_space<hbm>>
        tpu.wait_dma2 semaphore(%run_scoped3A : memref<!tpu.dma_semaphore, #tpu.memory_space<semaphore_mem>>) src(%dma_wait3A_29 : memref<1000xi32, #tpu.memory_space<hbm>>) dst(%arg8 : memref<1000xi32, #tpu.memory_space<vmem>>)
        tpu.yield
      }) : () -> ()
      "tpu.region"() ({
        %run_scoped3A = tpu.sem_alloc : memref<!tpu.dma_semaphore, #tpu.memory_space<semaphore_mem>>
        %dma_start3A = arith.constant 0 : i32
        %dma_start3A_28 = arith.constant 0 : i32
        %dma_start3A_29 = tpu.memref_slice %arg2[%dma_start3A, %dma_start3A_28] : memref<10000x64xf32, #tpu.memory_space<hbm>> -> memref<10000x64xf32, #tpu.memory_space<hbm>>
        tpu.enqueue_indirect_dma source(%dma_start3A_29 : memref<10000x64xf32, #tpu.memory_space<hbm>>) target(%arg9 : memref<1000x64xf32, #tpu.memory_space<vmem>>) offsets(%arg7 : memref<1000xi32, #tpu.memory_space<vmem>>) semaphore(%run_scoped3A : memref<!tpu.dma_semaphore, #tpu.memory_space<semaphore_mem>>)
        %dma_wait3A = arith.constant 0 : i32
        %dma_wait3A_30 = arith.constant 0 : i32
        %dma_wait3A_31 = tpu.memref_slice %arg2[%dma_wait3A, %dma_wait3A_30] : memref<10000x64xf32, #tpu.memory_space<hbm>> -> memref<10000x64xf32, #tpu.memory_space<hbm>>
        tpu.wait_indirect_dma semaphore(%run_scoped3A : memref<!tpu.dma_semaphore, #tpu.memory_space<semaphore_mem>>) src(%dma_wait3A_31 : memref<10000x64xf32, #tpu.memory_space<hbm>>) dst(%arg9 : memref<1000x64xf32, #tpu.memory_space<vmem>>)
        tpu.yield
      }) : () -> ()
      "tpu.region"() ({
        %run_scoped3A = tpu.sem_alloc : memref<!tpu.dma_semaphore, #tpu.memory_space<semaphore_mem>>
        %dma_start3A = arith.constant 0 : i32
        %dma_start3A_28 = arith.constant 0 : i32
        %dma_start3A_29 = tpu.memref_slice %arg10[%dma_start3A, %dma_start3A_28] : memref<10000x64xf32, #tpu.memory_space<vmem_shared>> -> memref<10000x64xf32, #tpu.memory_space<vmem_shared>>
        tpu.enqueue_indirect_dma source(%arg9 : memref<1000x64xf32, #tpu.memory_space<vmem>>) target(%dma_start3A_29 : memref<10000x64xf32, #tpu.memory_space<vmem_shared>>) offsets(%arg8 : memref<1000xi32, #tpu.memory_space<vmem>>) semaphore(%run_scoped3A : memref<!tpu.dma_semaphore, #tpu.memory_space<semaphore_mem>>) {add = true}
        %dma_wait3A = arith.constant 0 : i32
        %dma_wait3A_30 = arith.constant 0 : i32
        %dma_wait3A_31 = tpu.memref_slice %arg10[%dma_wait3A, %dma_wait3A_30] : memref<10000x64xf32, #tpu.memory_space<vmem_shared>> -> memref<10000x64xf32, #tpu.memory_space<vmem_shared>>
        tpu.wait_indirect_dma semaphore(%run_scoped3A : memref<!tpu.dma_semaphore, #tpu.memory_space<semaphore_mem>>) src(%arg9 : memref<1000x64xf32, #tpu.memory_space<vmem>>) dst(%dma_wait3A_31 : memref<10000x64xf32, #tpu.memory_space<vmem_shared>>)
        tpu.yield
      }) : () -> ()
    }
    %scan3A_9 = arith.constant 10 : i32
    %barrier3A_10 = arith.constant 0 : index
    tpu.barrier barrier_id(%barrier3A_10)
    %mul3A_11 = arith.constant 624 : i32
    %mul3A_12 = arith.muli %arg1, %mul3A_11 : i32
    "tpu.region"() ({
      %run_scoped3A = tpu.sem_alloc : memref<!tpu.dma_semaphore, #tpu.memory_space<semaphore_mem>>
      %dma_start3A = arith.constant 0 : i32
      %dma_start3A_20 = arith.constant 0 : i32
      %dma_start3A_21 = tpu.memref_slice %arg9[%dma_start3A, %dma_start3A_20] : memref<1000x64xf32, #tpu.memory_space<vmem>> -> memref<624x64xf32, #tpu.memory_space<vmem>>
      %dma_start3A_22 = arith.constant 0 : i32
      %dma_start3A_23 = tpu.memref_slice %arg10[%mul3A_12, %dma_start3A_22] : memref<10000x64xf32, #tpu.memory_space<vmem_shared>> -> memref<624x64xf32, #tpu.memory_space<vmem_shared>>
      %dma_start3A_24 = arith.constant 0 : i32
      %dma_start3A_25 = arith.constant 0 : i32
      %dma_start3A_26 = tpu.memref_slice %arg9[%dma_start3A_24, %dma_start3A_25] : memref<1000x64xf32, #tpu.memory_space<vmem>> -> memref<624x64xf32, #tpu.memory_space<vmem>>
      %dma_start3A_27 = arith.constant 0 : i32
      %dma_start3A_28 = tpu.memref_slice %arg10[%mul3A_12, %dma_start3A_27] : memref<10000x64xf32, #tpu.memory_space<vmem_shared>> -> memref<624x64xf32, #tpu.memory_space<vmem_shared>>
      tpu.enqueue_dma source(%dma_start3A_28 : memref<624x64xf32, #tpu.memory_space<vmem_shared>>) target(%dma_start3A_26 : memref<624x64xf32, #tpu.memory_space<vmem>>) target_semaphore(%run_scoped3A : memref<!tpu.dma_semaphore, #tpu.memory_space<semaphore_mem>>)
      %dma_wait3A = arith.constant 0 : i32
      %dma_wait3A_29 = arith.constant 0 : i32
      %dma_wait3A_30 = tpu.memref_slice %arg9[%dma_wait3A, %dma_wait3A_29] : memref<1000x64xf32, #tpu.memory_space<vmem>> -> memref<624x64xf32, #tpu.memory_space<vmem>>
      %dma_wait3A_31 = arith.constant 0 : i32
      %dma_wait3A_32 = tpu.memref_slice %arg10[%mul3A_12, %dma_wait3A_31] : memref<10000x64xf32, #tpu.memory_space<vmem_shared>> -> memref<624x64xf32, #tpu.memory_space<vmem_shared>>
      %dma_wait3A_33 = arith.constant 0 : i32
      %dma_wait3A_34 = arith.constant 0 : i32
      %dma_wait3A_35 = tpu.memref_slice %arg9[%dma_wait3A_33, %dma_wait3A_34] : memref<1000x64xf32, #tpu.memory_space<vmem>> -> memref<624x64xf32, #tpu.memory_space<vmem>>
      %dma_wait3A_36 = arith.constant 0 : i32
      %dma_wait3A_37 = tpu.memref_slice %arg10[%mul3A_12, %dma_wait3A_36] : memref<10000x64xf32, #tpu.memory_space<vmem_shared>> -> memref<624x64xf32, #tpu.memory_space<vmem_shared>>
      tpu.wait_dma2 semaphore(%run_scoped3A : memref<!tpu.dma_semaphore, #tpu.memory_space<semaphore_mem>>) src(%dma_wait3A_37 : memref<624x64xf32, #tpu.memory_space<vmem_shared>>) dst(%dma_wait3A_35 : memref<624x64xf32, #tpu.memory_space<vmem>>)
      tpu.yield
    }) : () -> ()
    %mul3A_13 = arith.constant 624 : i32
    %mul3A_14 = arith.muli %arg1, %mul3A_13 : i32
    "tpu.region"() ({
      %run_scoped3A = tpu.sem_alloc : memref<!tpu.dma_semaphore, #tpu.memory_space<semaphore_mem>>
      %dma_start3A = arith.constant 0 : i32
      %dma_start3A_20 = arith.constant 0 : i32
      %dma_start3A_21 = tpu.memref_slice %arg9[%dma_start3A, %dma_start3A_20] : memref<1000x64xf32, #tpu.memory_space<vmem>> -> memref<624x64xf32, #tpu.memory_space<vmem>>
      %dma_start3A_22 = arith.constant 0 : i32
      %dma_start3A_23 = tpu.memref_slice %arg6[%arg0, %mul3A_14, %dma_start3A_22] : memref<2x10000x64xf32, #tpu.memory_space<hbm>> -> memref<1x624x64xf32, #tpu.memory_space<hbm>>
      %dma_start3A_24 = tpu.memref_squeeze %dma_start3A_23 : memref<1x624x64xf32, #tpu.memory_space<hbm>> -> memref<624x64xf32, #tpu.memory_space<hbm>>
      %dma_start3A_25 = arith.constant 0 : i32
      %dma_start3A_26 = tpu.memref_slice %arg6[%arg0, %mul3A_14, %dma_start3A_25] : memref<2x10000x64xf32, #tpu.memory_space<hbm>> -> memref<1x624x64xf32, #tpu.memory_space<hbm>>
      %dma_start3A_27 = tpu.memref_squeeze %dma_start3A_26 : memref<1x624x64xf32, #tpu.memory_space<hbm>> -> memref<624x64xf32, #tpu.memory_space<hbm>>
      %dma_start3A_28 = arith.constant 0 : i32
      %dma_start3A_29 = arith.constant 0 : i32
      %dma_start3A_30 = tpu.memref_slice %arg9[%dma_start3A_28, %dma_start3A_29] : memref<1000x64xf32, #tpu.memory_space<vmem>> -> memref<624x64xf32, #tpu.memory_space<vmem>>
      tpu.enqueue_dma source(%dma_start3A_30 : memref<624x64xf32, #tpu.memory_space<vmem>>) target(%dma_start3A_27 : memref<624x64xf32, #tpu.memory_space<hbm>>) target_semaphore(%run_scoped3A : memref<!tpu.dma_semaphore, #tpu.memory_space<semaphore_mem>>)
      %dma_wait3A = arith.constant 0 : i32
      %dma_wait3A_31 = arith.constant 0 : i32
      %dma_wait3A_32 = tpu.memref_slice %arg9[%dma_wait3A, %dma_wait3A_31] : memref<1000x64xf32, #tpu.memory_space<vmem>> -> memref<624x64xf32, #tpu.memory_space<vmem>>
      %dma_wait3A_33 = arith.constant 0 : i32
      %dma_wait3A_34 = tpu.memref_slice %arg6[%arg0, %mul3A_14, %dma_wait3A_33] : memref<2x10000x64xf32, #tpu.memory_space<hbm>> -> memref<1x624x64xf32, #tpu.memory_space<hbm>>
      %dma_wait3A_35 = tpu.memref_squeeze %dma_wait3A_34 : memref<1x624x64xf32, #tpu.memory_space<hbm>> -> memref<624x64xf32, #tpu.memory_space<hbm>>
      %dma_wait3A_36 = arith.constant 0 : i32
      %dma_wait3A_37 = tpu.memref_slice %arg6[%arg0, %mul3A_14, %dma_wait3A_36] : memref<2x10000x64xf32, #tpu.memory_space<hbm>> -> memref<1x624x64xf32, #tpu.memory_space<hbm>>
      %dma_wait3A_38 = tpu.memref_squeeze %dma_wait3A_37 : memref<1x624x64xf32, #tpu.memory_space<hbm>> -> memref<624x64xf32, #tpu.memory_space<hbm>>
      %dma_wait3A_39 = arith.constant 0 : i32
      %dma_wait3A_40 = arith.constant 0 : i32
      %dma_wait3A_41 = tpu.memref_slice %arg9[%dma_wait3A_39, %dma_wait3A_40] : memref<1000x64xf32, #tpu.memory_space<vmem>> -> memref<624x64xf32, #tpu.memory_space<vmem>>
      tpu.wait_dma2 semaphore(%run_scoped3A : memref<!tpu.dma_semaphore, #tpu.memory_space<semaphore_mem>>) src(%dma_wait3A_41 : memref<624x64xf32, #tpu.memory_space<vmem>>) dst(%dma_wait3A_38 : memref<624x64xf32, #tpu.memory_space<hbm>>)
      tpu.yield
    }) : () -> ()
    %eq3A_15 = arith.constant 15 : i32
    %eq3A_16 = arith.cmpi eq, %arg1, %eq3A_15 : i32
    %convert_element_type3A_17 = arith.extui %eq3A_16 : i1 to i32
    %cond3A_18 = arith.constant 0 : i32
    %cond3A_19 = arith.cmpi ne, %convert_element_type3A_17, %cond3A_18 : i32
    scf.if %cond3A_19 {
      "tpu.region"() ({
        %run_scoped3A = tpu.sem_alloc : memref<!tpu.dma_semaphore, #tpu.memory_space<semaphore_mem>>
        %dma_start3A = arith.constant 624 : i32
        %dma_start3A_20 = arith.constant 0 : i32
        %dma_start3A_21 = tpu.memref_slice %arg9[%dma_start3A, %dma_start3A_20] : memref<1000x64xf32, #tpu.memory_space<vmem>> -> memref<16x64xf32, #tpu.memory_space<vmem>>
        %dma_start3A_22 = arith.constant 9984 : i32
        %dma_start3A_23 = arith.constant 0 : i32
        %dma_start3A_24 = tpu.memref_slice %arg10[%dma_start3A_22, %dma_start3A_23] : memref<10000x64xf32, #tpu.memory_space<vmem_shared>> -> memref<16x64xf32, #tpu.memory_space<vmem_shared>>
        %dma_start3A_25 = arith.constant 624 : i32
        %dma_start3A_26 = arith.constant 0 : i32
        %dma_start3A_27 = tpu.memref_slice %arg9[%dma_start3A_25, %dma_start3A_26] : memref<1000x64xf32, #tpu.memory_space<vmem>> -> memref<16x64xf32, #tpu.memory_space<vmem>>
        %dma_start3A_28 = arith.constant 9984 : i32
        %dma_start3A_29 = arith.constant 0 : i32
        %dma_start3A_30 = tpu.memref_slice %arg10[%dma_start3A_28, %dma_start3A_29] : memref<10000x64xf32, #tpu.memory_space<vmem_shared>> -> memref<16x64xf32, #tpu.memory_space<vmem_shared>>
        tpu.enqueue_dma source(%dma_start3A_30 : memref<16x64xf32, #tpu.memory_space<vmem_shared>>) target(%dma_start3A_27 : memref<16x64xf32, #tpu.memory_space<vmem>>) target_semaphore(%run_scoped3A : memref<!tpu.dma_semaphore, #tpu.memory_space<semaphore_mem>>)
        %dma_wait3A = arith.constant 624 : i32
        %dma_wait3A_31 = arith.constant 0 : i32
        %dma_wait3A_32 = tpu.memref_slice %arg9[%dma_wait3A, %dma_wait3A_31] : memref<1000x64xf32, #tpu.memory_space<vmem>> -> memref<16x64xf32, #tpu.memory_space<vmem>>
        %dma_wait3A_33 = arith.constant 9984 : i32
        %dma_wait3A_34 = arith.constant 0 : i32
        %dma_wait3A_35 = tpu.memref_slice %arg10[%dma_wait3A_33, %dma_wait3A_34] : memref<10000x64xf32, #tpu.memory_space<vmem_shared>> -> memref<16x64xf32, #tpu.memory_space<vmem_shared>>
        %dma_wait3A_36 = arith.constant 624 : i32
        %dma_wait3A_37 = arith.constant 0 : i32
        %dma_wait3A_38 = tpu.memref_slice %arg9[%dma_wait3A_36, %dma_wait3A_37] : memref<1000x64xf32, #tpu.memory_space<vmem>> -> memref<16x64xf32, #tpu.memory_space<vmem>>
        %dma_wait3A_39 = arith.constant 9984 : i32
        %dma_wait3A_40 = arith.constant 0 : i32
        %dma_wait3A_41 = tpu.memref_slice %arg10[%dma_wait3A_39, %dma_wait3A_40] : memref<10000x64xf32, #tpu.memory_space<vmem_shared>> -> memref<16x64xf32, #tpu.memory_space<vmem_shared>>
        tpu.wait_dma2 semaphore(%run_scoped3A : memref<!tpu.dma_semaphore, #tpu.memory_space<semaphore_mem>>) src(%dma_wait3A_41 : memref<16x64xf32, #tpu.memory_space<vmem_shared>>) dst(%dma_wait3A_38 : memref<16x64xf32, #tpu.memory_space<vmem>>)
        tpu.yield
      }) : () -> ()
      "tpu.region"() ({
        %run_scoped3A = tpu.sem_alloc : memref<!tpu.dma_semaphore, #tpu.memory_space<semaphore_mem>>
        %dma_start3A = arith.constant 624 : i32
        %dma_start3A_20 = arith.constant 0 : i32
        %dma_start3A_21 = tpu.memref_slice %arg9[%dma_start3A, %dma_start3A_20] : memref<1000x64xf32, #tpu.memory_space<vmem>> -> memref<16x64xf32, #tpu.memory_space<vmem>>
        %dma_start3A_22 = arith.constant 9984 : i32
        %dma_start3A_23 = arith.constant 0 : i32
        %dma_start3A_24 = tpu.memref_slice %arg6[%arg0, %dma_start3A_22, %dma_start3A_23] : memref<2x10000x64xf32, #tpu.memory_space<hbm>> -> memref<1x16x64xf32, #tpu.memory_space<hbm>>
        %dma_start3A_25 = tpu.memref_squeeze %dma_start3A_24 : memref<1x16x64xf32, #tpu.memory_space<hbm>> -> memref<16x64xf32, #tpu.memory_space<hbm>>
        %dma_start3A_26 = arith.constant 9984 : i32
        %dma_start3A_27 = arith.constant 0 : i32
        %dma_start3A_28 = tpu.memref_slice %arg6[%arg0, %dma_start3A_26, %dma_start3A_27] : memref<2x10000x64xf32, #tpu.memory_space<hbm>> -> memref<1x16x64xf32, #tpu.memory_space<hbm>>
        %dma_start3A_29 = tpu.memref_squeeze %dma_start3A_28 : memref<1x16x64xf32, #tpu.memory_space<hbm>> -> memref<16x64xf32, #tpu.memory_space<hbm>>
        %dma_start3A_30 = arith.constant 624 : i32
        %dma_start3A_31 = arith.constant 0 : i32
        %dma_start3A_32 = tpu.memref_slice %arg9[%dma_start3A_30, %dma_start3A_31] : memref<1000x64xf32, #tpu.memory_space<vmem>> -> memref<16x64xf32, #tpu.memory_space<vmem>>
        tpu.enqueue_dma source(%dma_start3A_32 : memref<16x64xf32, #tpu.memory_space<vmem>>) target(%dma_start3A_29 : memref<16x64xf32, #tpu.memory_space<hbm>>) target_semaphore(%run_scoped3A : memref<!tpu.dma_semaphore, #tpu.memory_space<semaphore_mem>>)
        %dma_wait3A = arith.constant 624 : i32
        %dma_wait3A_33 = arith.constant 0 : i32
        %dma_wait3A_34 = tpu.memref_slice %arg9[%dma_wait3A, %dma_wait3A_33] : memref<1000x64xf32, #tpu.memory_space<vmem>> -> memref<16x64xf32, #tpu.memory_space<vmem>>
        %dma_wait3A_35 = arith.constant 9984 : i32
        %dma_wait3A_36 = arith.constant 0 : i32
        %dma_wait3A_37 = tpu.memref_slice %arg6[%arg0, %dma_wait3A_35, %dma_wait3A_36] : memref<2x10000x64xf32, #tpu.memory_space<hbm>> -> memref<1x16x64xf32, #tpu.memory_space<hbm>>
        %dma_wait3A_38 = tpu.memref_squeeze %dma_wait3A_37 : memref<1x16x64xf32, #tpu.memory_space<hbm>> -> memref<16x64xf32, #tpu.memory_space<hbm>>
        %dma_wait3A_39 = arith.constant 9984 : i32
        %dma_wait3A_40 = arith.constant 0 : i32
        %dma_wait3A_41 = tpu.memref_slice %arg6[%arg0, %dma_wait3A_39, %dma_wait3A_40] : memref<2x10000x64xf32, #tpu.memory_space<hbm>> -> memref<1x16x64xf32, #tpu.memory_space<hbm>>
        %dma_wait3A_42 = tpu.memref_squeeze %dma_wait3A_41 : memref<1x16x64xf32, #tpu.memory_space<hbm>> -> memref<16x64xf32, #tpu.memory_space<hbm>>
        %dma_wait3A_43 = arith.constant 624 : i32
        %dma_wait3A_44 = arith.constant 0 : i32
        %dma_wait3A_45 = tpu.memref_slice %arg9[%dma_wait3A_43, %dma_wait3A_44] : memref<1000x64xf32, #tpu.memory_space<vmem>> -> memref<16x64xf32, #tpu.memory_space<vmem>>
        tpu.wait_dma2 semaphore(%run_scoped3A : memref<!tpu.dma_semaphore, #tpu.memory_space<semaphore_mem>>) src(%dma_wait3A_45 : memref<16x64xf32, #tpu.memory_space<vmem>>) dst(%dma_wait3A_42 : memref<16x64xf32, #tpu.memory_space<hbm>>)
        tpu.yield
      }) : () -> ()
    } else {
    }
    return
  }
}

#map = affine_map<(d0, d1) -> (0)>
#map1 = affine_map<(d0, d1) -> (0, 0)>
module attributes {stable_mosaic.version = 14 : i64} {
  func.func @_sc_degcnt(%arg0: i32, %arg1: i32, %arg2: memref<320000xi32, #tpu.memory_space<hbm>>, %arg3: memref<10000xi32, #tpu.memory_space<hbm>>, %arg4: memref<1000xf32, #tpu.memory_space<hbm>>, %arg5: memref<10240xf32, #tpu.memory_space<hbm>>, %arg6: memref<2x10240xf32, #tpu.memory_space<hbm>>, %arg7: memref<2x512xf32, #tpu.memory_space<hbm>>, %arg8: memref<1000xi32, #tpu.memory_space<vmem>>, %arg9: memref<312xi32, #tpu.memory_space<vmem>>, %arg10: memref<16xi32, #tpu.memory_space<vmem>>, %arg11: memref<1000xf32, #tpu.memory_space<vmem>>, %arg12: memref<640xf32, #tpu.memory_space<vmem>>, %arg13: memref<10240xf32, #tpu.memory_space<vmem_shared>>, %arg14: memref<512xf32, #tpu.memory_space<vmem_shared>>) attributes {dimension_semantics = [#tpu.dimension_semantics<core_parallel>, #tpu.dimension_semantics<subcore_parallel>], iteration_bounds = array<i64: 2, 16>, scalar_prefetch = 0 : i64, scratch_operands = 7 : i64, tpu.core_type = #tpu.core_type<sc_vector_subcore>, window_params = [{transform_indices = #map}, {transform_indices = #map}, {transform_indices = #map}, {transform_indices = #map}, {transform_indices = #map1}, {transform_indices = #map1}]} {
    %mul3A = arith.constant 16 : i32
    %mul3A_0 = arith.muli %arg0, %mul3A : i32
    %add3A = arith.addi %mul3A_0, %arg1 : i32
    "tpu.region"() ({
      %run_scoped3A = tpu.sem_alloc : memref<!tpu.dma_semaphore, #tpu.memory_space<semaphore_mem>>
      %dma_start3A = arith.constant 0 : i32
      %dma_start3A_23 = tpu.memref_slice %arg5[%dma_start3A] : memref<10240xf32, #tpu.memory_space<hbm>> -> memref<640xf32, #tpu.memory_space<hbm>>
      %dma_start3A_24 = arith.constant 0 : i32
      %dma_start3A_25 = tpu.memref_slice %arg5[%dma_start3A_24] : memref<10240xf32, #tpu.memory_space<hbm>> -> memref<640xf32, #tpu.memory_space<hbm>>
      tpu.enqueue_dma source(%dma_start3A_25 : memref<640xf32, #tpu.memory_space<hbm>>) target(%arg12 : memref<640xf32, #tpu.memory_space<vmem>>) target_semaphore(%run_scoped3A : memref<!tpu.dma_semaphore, #tpu.memory_space<semaphore_mem>>)
      %dma_wait3A = arith.constant 0 : i32
      %dma_wait3A_26 = tpu.memref_slice %arg5[%dma_wait3A] : memref<10240xf32, #tpu.memory_space<hbm>> -> memref<640xf32, #tpu.memory_space<hbm>>
      %dma_wait3A_27 = arith.constant 0 : i32
      %dma_wait3A_28 = tpu.memref_slice %arg5[%dma_wait3A_27] : memref<10240xf32, #tpu.memory_space<hbm>> -> memref<640xf32, #tpu.memory_space<hbm>>
      tpu.wait_dma2 semaphore(%run_scoped3A : memref<!tpu.dma_semaphore, #tpu.memory_space<semaphore_mem>>) src(%dma_wait3A_28 : memref<640xf32, #tpu.memory_space<hbm>>) dst(%arg12 : memref<640xf32, #tpu.memory_space<vmem>>)
      tpu.yield
    }) : () -> ()
    %mul3A_1 = arith.constant 640 : i32
    %mul3A_2 = arith.muli %arg1, %mul3A_1 : i32
    "tpu.region"() ({
      %run_scoped3A = tpu.sem_alloc : memref<!tpu.dma_semaphore, #tpu.memory_space<semaphore_mem>>
      %dma_start3A = tpu.memref_slice %arg13[%mul3A_2] : memref<10240xf32, #tpu.memory_space<vmem_shared>> -> memref<640xf32, #tpu.memory_space<vmem_shared>>
      %dma_start3A_23 = tpu.memref_slice %arg13[%mul3A_2] : memref<10240xf32, #tpu.memory_space<vmem_shared>> -> memref<640xf32, #tpu.memory_space<vmem_shared>>
      tpu.enqueue_dma source(%arg12 : memref<640xf32, #tpu.memory_space<vmem>>) target(%dma_start3A_23 : memref<640xf32, #tpu.memory_space<vmem_shared>>) target_semaphore(%run_scoped3A : memref<!tpu.dma_semaphore, #tpu.memory_space<semaphore_mem>>)
      %dma_wait3A = tpu.memref_slice %arg13[%mul3A_2] : memref<10240xf32, #tpu.memory_space<vmem_shared>> -> memref<640xf32, #tpu.memory_space<vmem_shared>>
      %dma_wait3A_24 = tpu.memref_slice %arg13[%mul3A_2] : memref<10240xf32, #tpu.memory_space<vmem_shared>> -> memref<640xf32, #tpu.memory_space<vmem_shared>>
      tpu.wait_dma2 semaphore(%run_scoped3A : memref<!tpu.dma_semaphore, #tpu.memory_space<semaphore_mem>>) src(%arg12 : memref<640xf32, #tpu.memory_space<vmem>>) dst(%dma_wait3A_24 : memref<640xf32, #tpu.memory_space<vmem_shared>>)
      tpu.yield
    }) : () -> ()
    %mul3A_3 = arith.constant 32 : i32
    %mul3A_4 = arith.muli %arg1, %mul3A_3 : i32
    "tpu.region"() ({
      %run_scoped3A = tpu.sem_alloc : memref<!tpu.dma_semaphore, #tpu.memory_space<semaphore_mem>>
      %dma_start3A = arith.constant 0 : i32
      %dma_start3A_23 = tpu.memref_slice %arg12[%dma_start3A] : memref<640xf32, #tpu.memory_space<vmem>> -> memref<32xf32, #tpu.memory_space<vmem>>
      %dma_start3A_24 = tpu.memref_slice %arg14[%mul3A_4] : memref<512xf32, #tpu.memory_space<vmem_shared>> -> memref<32xf32, #tpu.memory_space<vmem_shared>>
      %dma_start3A_25 = tpu.memref_slice %arg14[%mul3A_4] : memref<512xf32, #tpu.memory_space<vmem_shared>> -> memref<32xf32, #tpu.memory_space<vmem_shared>>
      %dma_start3A_26 = arith.constant 0 : i32
      %dma_start3A_27 = tpu.memref_slice %arg12[%dma_start3A_26] : memref<640xf32, #tpu.memory_space<vmem>> -> memref<32xf32, #tpu.memory_space<vmem>>
      tpu.enqueue_dma source(%dma_start3A_27 : memref<32xf32, #tpu.memory_space<vmem>>) target(%dma_start3A_25 : memref<32xf32, #tpu.memory_space<vmem_shared>>) target_semaphore(%run_scoped3A : memref<!tpu.dma_semaphore, #tpu.memory_space<semaphore_mem>>)
      %dma_wait3A = arith.constant 0 : i32
      %dma_wait3A_28 = tpu.memref_slice %arg12[%dma_wait3A] : memref<640xf32, #tpu.memory_space<vmem>> -> memref<32xf32, #tpu.memory_space<vmem>>
      %dma_wait3A_29 = tpu.memref_slice %arg14[%mul3A_4] : memref<512xf32, #tpu.memory_space<vmem_shared>> -> memref<32xf32, #tpu.memory_space<vmem_shared>>
      %dma_wait3A_30 = tpu.memref_slice %arg14[%mul3A_4] : memref<512xf32, #tpu.memory_space<vmem_shared>> -> memref<32xf32, #tpu.memory_space<vmem_shared>>
      %dma_wait3A_31 = arith.constant 0 : i32
      %dma_wait3A_32 = tpu.memref_slice %arg12[%dma_wait3A_31] : memref<640xf32, #tpu.memory_space<vmem>> -> memref<32xf32, #tpu.memory_space<vmem>>
      tpu.wait_dma2 semaphore(%run_scoped3A : memref<!tpu.dma_semaphore, #tpu.memory_space<semaphore_mem>>) src(%dma_wait3A_32 : memref<32xf32, #tpu.memory_space<vmem>>) dst(%dma_wait3A_30 : memref<32xf32, #tpu.memory_space<vmem_shared>>)
      tpu.yield
    }) : () -> ()
    "tpu.region"() ({
      %run_scoped3A = tpu.sem_alloc : memref<!tpu.dma_semaphore, #tpu.memory_space<semaphore_mem>>
      tpu.enqueue_dma source(%arg4 : memref<1000xf32, #tpu.memory_space<hbm>>) target(%arg11 : memref<1000xf32, #tpu.memory_space<vmem>>) target_semaphore(%run_scoped3A : memref<!tpu.dma_semaphore, #tpu.memory_space<semaphore_mem>>)
      tpu.wait_dma2 semaphore(%run_scoped3A : memref<!tpu.dma_semaphore, #tpu.memory_space<semaphore_mem>>) src(%arg4 : memref<1000xf32, #tpu.memory_space<hbm>>) dst(%arg11 : memref<1000xf32, #tpu.memory_space<vmem>>)
      tpu.yield
    }) : () -> ()
    %barrier3A = arith.constant 0 : index
    tpu.barrier barrier_id(%barrier3A)
    %scan3A = arith.constant 0 : i32
    %scan3A_5 = arith.constant 0 : i32
    %scan3A_6 = arith.constant 10 : i32
    %scan3A_7 = arith.addi %scan3A_5, %scan3A_6 : i32
    %scan3A_8 = arith.constant 1 : i32
    scf.for %scan3A_23 = %scan3A_5 to %scan3A_7 step %scan3A_8  : i32 {
      %mul3A_24 = arith.constant 160000 : i32
      %mul3A_25 = arith.muli %arg0, %mul3A_24 : i32
      %mul3A_26 = arith.constant 10000 : i32
      %mul3A_27 = arith.muli %arg1, %mul3A_26 : i32
      %add3A_28 = arith.addi %mul3A_25, %mul3A_27 : i32
      %mul3A_29 = arith.constant 1000 : i32
      %mul3A_30 = arith.muli %scan3A_23, %mul3A_29 : i32
      %add3A_31 = arith.addi %add3A_28, %mul3A_30 : i32
      "tpu.region"() ({
        %run_scoped3A = tpu.sem_alloc : memref<!tpu.dma_semaphore, #tpu.memory_space<semaphore_mem>>
        %dma_start3A = tpu.memref_slice %arg2[%add3A_31] : memref<320000xi32, #tpu.memory_space<hbm>> -> memref<1000xi32, #tpu.memory_space<hbm>>
        %dma_start3A_32 = tpu.memref_slice %arg2[%add3A_31] : memref<320000xi32, #tpu.memory_space<hbm>> -> memref<1000xi32, #tpu.memory_space<hbm>>
        tpu.enqueue_dma source(%dma_start3A_32 : memref<1000xi32, #tpu.memory_space<hbm>>) target(%arg8 : memref<1000xi32, #tpu.memory_space<vmem>>) target_semaphore(%run_scoped3A : memref<!tpu.dma_semaphore, #tpu.memory_space<semaphore_mem>>)
        %dma_wait3A = tpu.memref_slice %arg2[%add3A_31] : memref<320000xi32, #tpu.memory_space<hbm>> -> memref<1000xi32, #tpu.memory_space<hbm>>
        %dma_wait3A_33 = tpu.memref_slice %arg2[%add3A_31] : memref<320000xi32, #tpu.memory_space<hbm>> -> memref<1000xi32, #tpu.memory_space<hbm>>
        tpu.wait_dma2 semaphore(%run_scoped3A : memref<!tpu.dma_semaphore, #tpu.memory_space<semaphore_mem>>) src(%dma_wait3A_33 : memref<1000xi32, #tpu.memory_space<hbm>>) dst(%arg8 : memref<1000xi32, #tpu.memory_space<vmem>>)
        tpu.yield
      }) : () -> ()
      "tpu.region"() ({
        %run_scoped3A = tpu.sem_alloc : memref<!tpu.dma_semaphore, #tpu.memory_space<semaphore_mem>>
        %dma_start3A = arith.constant 0 : i32
        %dma_start3A_32 = tpu.memref_slice %arg13[%dma_start3A] : memref<10240xf32, #tpu.memory_space<vmem_shared>> -> memref<10240xf32, #tpu.memory_space<vmem_shared>>
        tpu.enqueue_indirect_dma source(%arg11 : memref<1000xf32, #tpu.memory_space<vmem>>) target(%dma_start3A_32 : memref<10240xf32, #tpu.memory_space<vmem_shared>>) offsets(%arg8 : memref<1000xi32, #tpu.memory_space<vmem>>) semaphore(%run_scoped3A : memref<!tpu.dma_semaphore, #tpu.memory_space<semaphore_mem>>) {add = true}
        %dma_wait3A = arith.constant 0 : i32
        %dma_wait3A_33 = tpu.memref_slice %arg13[%dma_wait3A] : memref<10240xf32, #tpu.memory_space<vmem_shared>> -> memref<10240xf32, #tpu.memory_space<vmem_shared>>
        tpu.wait_indirect_dma semaphore(%run_scoped3A : memref<!tpu.dma_semaphore, #tpu.memory_space<semaphore_mem>>) src(%arg11 : memref<1000xf32, #tpu.memory_space<vmem>>) dst(%dma_wait3A_33 : memref<10240xf32, #tpu.memory_space<vmem_shared>>)
        tpu.yield
      }) : () -> ()
    }
    %scan3A_9 = arith.constant 10 : i32
    %mul3A_10 = arith.constant 312 : i32
    %mul3A_11 = arith.muli %add3A, %mul3A_10 : i32
    "tpu.region"() ({
      %run_scoped3A = tpu.sem_alloc : memref<!tpu.dma_semaphore, #tpu.memory_space<semaphore_mem>>
      %dma_start3A = tpu.memref_slice %arg3[%mul3A_11] : memref<10000xi32, #tpu.memory_space<hbm>> -> memref<312xi32, #tpu.memory_space<hbm>>
      %dma_start3A_23 = tpu.memref_slice %arg3[%mul3A_11] : memref<10000xi32, #tpu.memory_space<hbm>> -> memref<312xi32, #tpu.memory_space<hbm>>
      tpu.enqueue_dma source(%dma_start3A_23 : memref<312xi32, #tpu.memory_space<hbm>>) target(%arg9 : memref<312xi32, #tpu.memory_space<vmem>>) target_semaphore(%run_scoped3A : memref<!tpu.dma_semaphore, #tpu.memory_space<semaphore_mem>>)
      %dma_wait3A = tpu.memref_slice %arg3[%mul3A_11] : memref<10000xi32, #tpu.memory_space<hbm>> -> memref<312xi32, #tpu.memory_space<hbm>>
      %dma_wait3A_24 = tpu.memref_slice %arg3[%mul3A_11] : memref<10000xi32, #tpu.memory_space<hbm>> -> memref<312xi32, #tpu.memory_space<hbm>>
      tpu.wait_dma2 semaphore(%run_scoped3A : memref<!tpu.dma_semaphore, #tpu.memory_space<semaphore_mem>>) src(%dma_wait3A_24 : memref<312xi32, #tpu.memory_space<hbm>>) dst(%arg9 : memref<312xi32, #tpu.memory_space<vmem>>)
      tpu.yield
    }) : () -> ()
    "tpu.region"() ({
      %run_scoped3A = tpu.sem_alloc : memref<!tpu.dma_semaphore, #tpu.memory_space<semaphore_mem>>
      %dma_start3A = arith.constant 0 : i32
      %dma_start3A_23 = tpu.memref_slice %arg11[%dma_start3A] : memref<1000xf32, #tpu.memory_space<vmem>> -> memref<312xf32, #tpu.memory_space<vmem>>
      %dma_start3A_24 = arith.constant 0 : i32
      %dma_start3A_25 = tpu.memref_slice %arg14[%dma_start3A_24] : memref<512xf32, #tpu.memory_space<vmem_shared>> -> memref<512xf32, #tpu.memory_space<vmem_shared>>
      tpu.enqueue_indirect_dma source(%dma_start3A_23 : memref<312xf32, #tpu.memory_space<vmem>>) target(%dma_start3A_25 : memref<512xf32, #tpu.memory_space<vmem_shared>>) offsets(%arg9 : memref<312xi32, #tpu.memory_space<vmem>>) semaphore(%run_scoped3A : memref<!tpu.dma_semaphore, #tpu.memory_space<semaphore_mem>>) {add = true}
      %dma_wait3A = arith.constant 0 : i32
      %dma_wait3A_26 = tpu.memref_slice %arg11[%dma_wait3A] : memref<1000xf32, #tpu.memory_space<vmem>> -> memref<312xf32, #tpu.memory_space<vmem>>
      %dma_wait3A_27 = arith.constant 0 : i32
      %dma_wait3A_28 = tpu.memref_slice %arg14[%dma_wait3A_27] : memref<512xf32, #tpu.memory_space<vmem_shared>> -> memref<512xf32, #tpu.memory_space<vmem_shared>>
      tpu.wait_indirect_dma semaphore(%run_scoped3A : memref<!tpu.dma_semaphore, #tpu.memory_space<semaphore_mem>>) src(%dma_wait3A_26 : memref<312xf32, #tpu.memory_space<vmem>>) dst(%dma_wait3A_28 : memref<512xf32, #tpu.memory_space<vmem_shared>>)
      tpu.yield
    }) : () -> ()
    %eq3A = arith.constant 31 : i32
    %eq3A_12 = arith.cmpi eq, %add3A, %eq3A : i32
    %convert_element_type3A = arith.extui %eq3A_12 : i1 to i32
    %cond3A = arith.constant 0 : i32
    %cond3A_13 = arith.cmpi ne, %convert_element_type3A, %cond3A : i32
    scf.if %cond3A_13 {
      "tpu.region"() ({
        %run_scoped3A = tpu.sem_alloc : memref<!tpu.dma_semaphore, #tpu.memory_space<semaphore_mem>>
        %dma_start3A = arith.constant 9984 : i32
        %dma_start3A_23 = tpu.memref_slice %arg3[%dma_start3A] : memref<10000xi32, #tpu.memory_space<hbm>> -> memref<16xi32, #tpu.memory_space<hbm>>
        %dma_start3A_24 = arith.constant 9984 : i32
        %dma_start3A_25 = tpu.memref_slice %arg3[%dma_start3A_24] : memref<10000xi32, #tpu.memory_space<hbm>> -> memref<16xi32, #tpu.memory_space<hbm>>
        tpu.enqueue_dma source(%dma_start3A_25 : memref<16xi32, #tpu.memory_space<hbm>>) target(%arg10 : memref<16xi32, #tpu.memory_space<vmem>>) target_semaphore(%run_scoped3A : memref<!tpu.dma_semaphore, #tpu.memory_space<semaphore_mem>>)
        %dma_wait3A = arith.constant 9984 : i32
        %dma_wait3A_26 = tpu.memref_slice %arg3[%dma_wait3A] : memref<10000xi32, #tpu.memory_space<hbm>> -> memref<16xi32, #tpu.memory_space<hbm>>
        %dma_wait3A_27 = arith.constant 9984 : i32
        %dma_wait3A_28 = tpu.memref_slice %arg3[%dma_wait3A_27] : memref<10000xi32, #tpu.memory_space<hbm>> -> memref<16xi32, #tpu.memory_space<hbm>>
        tpu.wait_dma2 semaphore(%run_scoped3A : memref<!tpu.dma_semaphore, #tpu.memory_space<semaphore_mem>>) src(%dma_wait3A_28 : memref<16xi32, #tpu.memory_space<hbm>>) dst(%arg10 : memref<16xi32, #tpu.memory_space<vmem>>)
        tpu.yield
      }) : () -> ()
      "tpu.region"() ({
        %run_scoped3A = tpu.sem_alloc : memref<!tpu.dma_semaphore, #tpu.memory_space<semaphore_mem>>
        %dma_start3A = arith.constant 0 : i32
        %dma_start3A_23 = tpu.memref_slice %arg11[%dma_start3A] : memref<1000xf32, #tpu.memory_space<vmem>> -> memref<16xf32, #tpu.memory_space<vmem>>
        %dma_start3A_24 = arith.constant 0 : i32
        %dma_start3A_25 = tpu.memref_slice %arg14[%dma_start3A_24] : memref<512xf32, #tpu.memory_space<vmem_shared>> -> memref<512xf32, #tpu.memory_space<vmem_shared>>
        tpu.enqueue_indirect_dma source(%dma_start3A_23 : memref<16xf32, #tpu.memory_space<vmem>>) target(%dma_start3A_25 : memref<512xf32, #tpu.memory_space<vmem_shared>>) offsets(%arg10 : memref<16xi32, #tpu.memory_space<vmem>>) semaphore(%run_scoped3A : memref<!tpu.dma_semaphore, #tpu.memory_space<semaphore_mem>>) {add = true}
        %dma_wait3A = arith.constant 0 : i32
        %dma_wait3A_26 = tpu.memref_slice %arg11[%dma_wait3A] : memref<1000xf32, #tpu.memory_space<vmem>> -> memref<16xf32, #tpu.memory_space<vmem>>
        %dma_wait3A_27 = arith.constant 0 : i32
        %dma_wait3A_28 = tpu.memref_slice %arg14[%dma_wait3A_27] : memref<512xf32, #tpu.memory_space<vmem_shared>> -> memref<512xf32, #tpu.memory_space<vmem_shared>>
        tpu.wait_indirect_dma semaphore(%run_scoped3A : memref<!tpu.dma_semaphore, #tpu.memory_space<semaphore_mem>>) src(%dma_wait3A_26 : memref<16xf32, #tpu.memory_space<vmem>>) dst(%dma_wait3A_28 : memref<512xf32, #tpu.memory_space<vmem_shared>>)
        tpu.yield
      }) : () -> ()
    } else {
    }
    %barrier3A_14 = arith.constant 0 : index
    tpu.barrier barrier_id(%barrier3A_14)
    %mul3A_15 = arith.constant 640 : i32
    %mul3A_16 = arith.muli %arg1, %mul3A_15 : i32
    "tpu.region"() ({
      %run_scoped3A = tpu.sem_alloc : memref<!tpu.dma_semaphore, #tpu.memory_space<semaphore_mem>>
      %dma_start3A = tpu.memref_slice %arg13[%mul3A_16] : memref<10240xf32, #tpu.memory_space<vmem_shared>> -> memref<640xf32, #tpu.memory_space<vmem_shared>>
      %dma_start3A_23 = tpu.memref_slice %arg13[%mul3A_16] : memref<10240xf32, #tpu.memory_space<vmem_shared>> -> memref<640xf32, #tpu.memory_space<vmem_shared>>
      tpu.enqueue_dma source(%dma_start3A_23 : memref<640xf32, #tpu.memory_space<vmem_shared>>) target(%arg12 : memref<640xf32, #tpu.memory_space<vmem>>) target_semaphore(%run_scoped3A : memref<!tpu.dma_semaphore, #tpu.memory_space<semaphore_mem>>)
      %dma_wait3A = tpu.memref_slice %arg13[%mul3A_16] : memref<10240xf32, #tpu.memory_space<vmem_shared>> -> memref<640xf32, #tpu.memory_space<vmem_shared>>
      %dma_wait3A_24 = tpu.memref_slice %arg13[%mul3A_16] : memref<10240xf32, #tpu.memory_space<vmem_shared>> -> memref<640xf32, #tpu.memory_space<vmem_shared>>
      tpu.wait_dma2 semaphore(%run_scoped3A : memref<!tpu.dma_semaphore, #tpu.memory_space<semaphore_mem>>) src(%dma_wait3A_24 : memref<640xf32, #tpu.memory_space<vmem_shared>>) dst(%arg12 : memref<640xf32, #tpu.memory_space<vmem>>)
      tpu.yield
    }) : () -> ()
    %mul3A_17 = arith.constant 640 : i32
    %mul3A_18 = arith.muli %arg1, %mul3A_17 : i32
    "tpu.region"() ({
      %run_scoped3A = tpu.sem_alloc : memref<!tpu.dma_semaphore, #tpu.memory_space<semaphore_mem>>
      %dma_start3A = tpu.memref_slice %arg6[%arg0, %mul3A_18] : memref<2x10240xf32, #tpu.memory_space<hbm>> -> memref<1x640xf32, #tpu.memory_space<hbm>>
      %dma_start3A_23 = tpu.memref_squeeze %dma_start3A : memref<1x640xf32, #tpu.memory_space<hbm>> -> memref<640xf32, #tpu.memory_space<hbm>>
      %dma_start3A_24 = tpu.memref_slice %arg6[%arg0, %mul3A_18] : memref<2x10240xf32, #tpu.memory_space<hbm>> -> memref<1x640xf32, #tpu.memory_space<hbm>>
      %dma_start3A_25 = tpu.memref_squeeze %dma_start3A_24 : memref<1x640xf32, #tpu.memory_space<hbm>> -> memref<640xf32, #tpu.memory_space<hbm>>
      tpu.enqueue_dma source(%arg12 : memref<640xf32, #tpu.memory_space<vmem>>) target(%dma_start3A_25 : memref<640xf32, #tpu.memory_space<hbm>>) target_semaphore(%run_scoped3A : memref<!tpu.dma_semaphore, #tpu.memory_space<semaphore_mem>>)
      %dma_wait3A = tpu.memref_slice %arg6[%arg0, %mul3A_18] : memref<2x10240xf32, #tpu.memory_space<hbm>> -> memref<1x640xf32, #tpu.memory_space<hbm>>
      %dma_wait3A_26 = tpu.memref_squeeze %dma_wait3A : memref<1x640xf32, #tpu.memory_space<hbm>> -> memref<640xf32, #tpu.memory_space<hbm>>
      %dma_wait3A_27 = tpu.memref_slice %arg6[%arg0, %mul3A_18] : memref<2x10240xf32, #tpu.memory_space<hbm>> -> memref<1x640xf32, #tpu.memory_space<hbm>>
      %dma_wait3A_28 = tpu.memref_squeeze %dma_wait3A_27 : memref<1x640xf32, #tpu.memory_space<hbm>> -> memref<640xf32, #tpu.memory_space<hbm>>
      tpu.wait_dma2 semaphore(%run_scoped3A : memref<!tpu.dma_semaphore, #tpu.memory_space<semaphore_mem>>) src(%arg12 : memref<640xf32, #tpu.memory_space<vmem>>) dst(%dma_wait3A_28 : memref<640xf32, #tpu.memory_space<hbm>>)
      tpu.yield
    }) : () -> ()
    %mul3A_19 = arith.constant 32 : i32
    %mul3A_20 = arith.muli %arg1, %mul3A_19 : i32
    "tpu.region"() ({
      %run_scoped3A = tpu.sem_alloc : memref<!tpu.dma_semaphore, #tpu.memory_space<semaphore_mem>>
      %dma_start3A = arith.constant 0 : i32
      %dma_start3A_23 = tpu.memref_slice %arg12[%dma_start3A] : memref<640xf32, #tpu.memory_space<vmem>> -> memref<32xf32, #tpu.memory_space<vmem>>
      %dma_start3A_24 = tpu.memref_slice %arg14[%mul3A_20] : memref<512xf32, #tpu.memory_space<vmem_shared>> -> memref<32xf32, #tpu.memory_space<vmem_shared>>
      %dma_start3A_25 = arith.constant 0 : i32
      %dma_start3A_26 = tpu.memref_slice %arg12[%dma_start3A_25] : memref<640xf32, #tpu.memory_space<vmem>> -> memref<32xf32, #tpu.memory_space<vmem>>
      %dma_start3A_27 = tpu.memref_slice %arg14[%mul3A_20] : memref<512xf32, #tpu.memory_space<vmem_shared>> -> memref<32xf32, #tpu.memory_space<vmem_shared>>
      tpu.enqueue_dma source(%dma_start3A_27 : memref<32xf32, #tpu.memory_space<vmem_shared>>) target(%dma_start3A_26 : memref<32xf32, #tpu.memory_space<vmem>>) target_semaphore(%run_scoped3A : memref<!tpu.dma_semaphore, #tpu.memory_space<semaphore_mem>>)
      %dma_wait3A = arith.constant 0 : i32
      %dma_wait3A_28 = tpu.memref_slice %arg12[%dma_wait3A] : memref<640xf32, #tpu.memory_space<vmem>> -> memref<32xf32, #tpu.memory_space<vmem>>
      %dma_wait3A_29 = tpu.memref_slice %arg14[%mul3A_20] : memref<512xf32, #tpu.memory_space<vmem_shared>> -> memref<32xf32, #tpu.memory_space<vmem_shared>>
      %dma_wait3A_30 = arith.constant 0 : i32
      %dma_wait3A_31 = tpu.memref_slice %arg12[%dma_wait3A_30] : memref<640xf32, #tpu.memory_space<vmem>> -> memref<32xf32, #tpu.memory_space<vmem>>
      %dma_wait3A_32 = tpu.memref_slice %arg14[%mul3A_20] : memref<512xf32, #tpu.memory_space<vmem_shared>> -> memref<32xf32, #tpu.memory_space<vmem_shared>>
      tpu.wait_dma2 semaphore(%run_scoped3A : memref<!tpu.dma_semaphore, #tpu.memory_space<semaphore_mem>>) src(%dma_wait3A_32 : memref<32xf32, #tpu.memory_space<vmem_shared>>) dst(%dma_wait3A_31 : memref<32xf32, #tpu.memory_space<vmem>>)
      tpu.yield
    }) : () -> ()
    %mul3A_21 = arith.constant 32 : i32
    %mul3A_22 = arith.muli %arg1, %mul3A_21 : i32
    "tpu.region"() ({
      %run_scoped3A = tpu.sem_alloc : memref<!tpu.dma_semaphore, #tpu.memory_space<semaphore_mem>>
      %dma_start3A = arith.constant 0 : i32
      %dma_start3A_23 = tpu.memref_slice %arg12[%dma_start3A] : memref<640xf32, #tpu.memory_space<vmem>> -> memref<32xf32, #tpu.memory_space<vmem>>
      %dma_start3A_24 = tpu.memref_slice %arg7[%arg0, %mul3A_22] : memref<2x512xf32, #tpu.memory_space<hbm>> -> memref<1x32xf32, #tpu.memory_space<hbm>>
      %dma_start3A_25 = tpu.memref_squeeze %dma_start3A_24 : memref<1x32xf32, #tpu.memory_space<hbm>> -> memref<32xf32, #tpu.memory_space<hbm>>
      %dma_start3A_26 = tpu.memref_slice %arg7[%arg0, %mul3A_22] : memref<2x512xf32, #tpu.memory_space<hbm>> -> memref<1x32xf32, #tpu.memory_space<hbm>>
      %dma_start3A_27 = tpu.memref_squeeze %dma_start3A_26 : memref<1x32xf32, #tpu.memory_space<hbm>> -> memref<32xf32, #tpu.memory_space<hbm>>
      %dma_start3A_28 = arith.constant 0 : i32
      %dma_start3A_29 = tpu.memref_slice %arg12[%dma_start3A_28] : memref<640xf32, #tpu.memory_space<vmem>> -> memref<32xf32, #tpu.memory_space<vmem>>
      tpu.enqueue_dma source(%dma_start3A_29 : memref<32xf32, #tpu.memory_space<vmem>>) target(%dma_start3A_27 : memref<32xf32, #tpu.memory_space<hbm>>) target_semaphore(%run_scoped3A : memref<!tpu.dma_semaphore, #tpu.memory_space<semaphore_mem>>)
      %dma_wait3A = arith.constant 0 : i32
      %dma_wait3A_30 = tpu.memref_slice %arg12[%dma_wait3A] : memref<640xf32, #tpu.memory_space<vmem>> -> memref<32xf32, #tpu.memory_space<vmem>>
      %dma_wait3A_31 = tpu.memref_slice %arg7[%arg0, %mul3A_22] : memref<2x512xf32, #tpu.memory_space<hbm>> -> memref<1x32xf32, #tpu.memory_space<hbm>>
      %dma_wait3A_32 = tpu.memref_squeeze %dma_wait3A_31 : memref<1x32xf32, #tpu.memory_space<hbm>> -> memref<32xf32, #tpu.memory_space<hbm>>
      %dma_wait3A_33 = tpu.memref_slice %arg7[%arg0, %mul3A_22] : memref<2x512xf32, #tpu.memory_space<hbm>> -> memref<1x32xf32, #tpu.memory_space<hbm>>
      %dma_wait3A_34 = tpu.memref_squeeze %dma_wait3A_33 : memref<1x32xf32, #tpu.memory_space<hbm>> -> memref<32xf32, #tpu.memory_space<hbm>>
      %dma_wait3A_35 = arith.constant 0 : i32
      %dma_wait3A_36 = tpu.memref_slice %arg12[%dma_wait3A_35] : memref<640xf32, #tpu.memory_space<vmem>> -> memref<32xf32, #tpu.memory_space<vmem>>
      tpu.wait_dma2 semaphore(%run_scoped3A : memref<!tpu.dma_semaphore, #tpu.memory_space<semaphore_mem>>) src(%dma_wait3A_36 : memref<32xf32, #tpu.memory_space<vmem>>) dst(%dma_wait3A_34 : memref<32xf32, #tpu.memory_space<hbm>>)
      tpu.yield
    }) : () -> ()
    return
  }
}

#map = affine_map<(d0, d1) -> (0, 0)>
#map1 = affine_map<(d0, d1) -> (0)>
#map2 = affine_map<(d0, d1) -> (0, 0, 0)>
module attributes {stable_mosaic.version = 14 : i64} {
  func.func @_sc_prop(%arg0: i32, %arg1: i32, %arg2: memref<10000x64xf32, #tpu.memory_space<hbm>>, %arg3: memref<320000xi32, #tpu.memory_space<hbm>>, %arg4: memref<320000xi32, #tpu.memory_space<hbm>>, %arg5: memref<10000x64xf32, #tpu.memory_space<hbm>>, %arg6: memref<2x10000x64xf32, #tpu.memory_space<hbm>>, %arg7: memref<1000xi32, #tpu.memory_space<vmem>>, %arg8: memref<1000xi32, #tpu.memory_space<vmem>>, %arg9: memref<1000x64xf32, #tpu.memory_space<vmem>>, %arg10: memref<10000x64xf32, #tpu.memory_space<vmem_shared>>) attributes {dimension_semantics = [#tpu.dimension_semantics<core_parallel>, #tpu.dimension_semantics<subcore_parallel>], iteration_bounds = array<i64: 2, 16>, scalar_prefetch = 0 : i64, scratch_operands = 4 : i64, tpu.core_type = #tpu.core_type<sc_vector_subcore>, window_params = [{transform_indices = #map}, {transform_indices = #map1}, {transform_indices = #map1}, {transform_indices = #map}, {transform_indices = #map2}]} {
    %mul3A = arith.constant 624 : i32
    %mul3A_0 = arith.muli %arg1, %mul3A : i32
    "tpu.region"() ({
      %run_scoped3A = tpu.sem_alloc : memref<!tpu.dma_semaphore, #tpu.memory_space<semaphore_mem>>
      %dma_start3A = arith.constant 0 : i32
      %dma_start3A_20 = arith.constant 0 : i32
      %dma_start3A_21 = tpu.memref_slice %arg9[%dma_start3A, %dma_start3A_20] : memref<1000x64xf32, #tpu.memory_space<vmem>> -> memref<624x64xf32, #tpu.memory_space<vmem>>
      %dma_start3A_22 = arith.constant 0 : i32
      %dma_start3A_23 = tpu.memref_slice %arg5[%mul3A_0, %dma_start3A_22] : memref<10000x64xf32, #tpu.memory_space<hbm>> -> memref<624x64xf32, #tpu.memory_space<hbm>>
      %dma_start3A_24 = arith.constant 0 : i32
      %dma_start3A_25 = arith.constant 0 : i32
      %dma_start3A_26 = tpu.memref_slice %arg9[%dma_start3A_24, %dma_start3A_25] : memref<1000x64xf32, #tpu.memory_space<vmem>> -> memref<624x64xf32, #tpu.memory_space<vmem>>
      %dma_start3A_27 = arith.constant 0 : i32
      %dma_start3A_28 = tpu.memref_slice %arg5[%mul3A_0, %dma_start3A_27] : memref<10000x64xf32, #tpu.memory_space<hbm>> -> memref<624x64xf32, #tpu.memory_space<hbm>>
      tpu.enqueue_dma source(%dma_start3A_28 : memref<624x64xf32, #tpu.memory_space<hbm>>) target(%dma_start3A_26 : memref<624x64xf32, #tpu.memory_space<vmem>>) target_semaphore(%run_scoped3A : memref<!tpu.dma_semaphore, #tpu.memory_space<semaphore_mem>>)
      %dma_wait3A = arith.constant 0 : i32
      %dma_wait3A_29 = arith.constant 0 : i32
      %dma_wait3A_30 = tpu.memref_slice %arg9[%dma_wait3A, %dma_wait3A_29] : memref<1000x64xf32, #tpu.memory_space<vmem>> -> memref<624x64xf32, #tpu.memory_space<vmem>>
      %dma_wait3A_31 = arith.constant 0 : i32
      %dma_wait3A_32 = tpu.memref_slice %arg5[%mul3A_0, %dma_wait3A_31] : memref<10000x64xf32, #tpu.memory_space<hbm>> -> memref<624x64xf32, #tpu.memory_space<hbm>>
      %dma_wait3A_33 = arith.constant 0 : i32
      %dma_wait3A_34 = arith.constant 0 : i32
      %dma_wait3A_35 = tpu.memref_slice %arg9[%dma_wait3A_33, %dma_wait3A_34] : memref<1000x64xf32, #tpu.memory_space<vmem>> -> memref<624x64xf32, #tpu.memory_space<vmem>>
      %dma_wait3A_36 = arith.constant 0 : i32
      %dma_wait3A_37 = tpu.memref_slice %arg5[%mul3A_0, %dma_wait3A_36] : memref<10000x64xf32, #tpu.memory_space<hbm>> -> memref<624x64xf32, #tpu.memory_space<hbm>>
      tpu.wait_dma2 semaphore(%run_scoped3A : memref<!tpu.dma_semaphore, #tpu.memory_space<semaphore_mem>>) src(%dma_wait3A_37 : memref<624x64xf32, #tpu.memory_space<hbm>>) dst(%dma_wait3A_35 : memref<624x64xf32, #tpu.memory_space<vmem>>)
      tpu.yield
    }) : () -> ()
    %mul3A_1 = arith.constant 624 : i32
    %mul3A_2 = arith.muli %arg1, %mul3A_1 : i32
    "tpu.region"() ({
      %run_scoped3A = tpu.sem_alloc : memref<!tpu.dma_semaphore, #tpu.memory_space<semaphore_mem>>
      %dma_start3A = arith.constant 0 : i32
      %dma_start3A_20 = arith.constant 0 : i32
      %dma_start3A_21 = tpu.memref_slice %arg9[%dma_start3A, %dma_start3A_20] : memref<1000x64xf32, #tpu.memory_space<vmem>> -> memref<624x64xf32, #tpu.memory_space<vmem>>
      %dma_start3A_22 = arith.constant 0 : i32
      %dma_start3A_23 = tpu.memref_slice %arg10[%mul3A_2, %dma_start3A_22] : memref<10000x64xf32, #tpu.memory_space<vmem_shared>> -> memref<624x64xf32, #tpu.memory_space<vmem_shared>>
      %dma_start3A_24 = arith.constant 0 : i32
      %dma_start3A_25 = tpu.memref_slice %arg10[%mul3A_2, %dma_start3A_24] : memref<10000x64xf32, #tpu.memory_space<vmem_shared>> -> memref<624x64xf32, #tpu.memory_space<vmem_shared>>
      %dma_start3A_26 = arith.constant 0 : i32
      %dma_start3A_27 = arith.constant 0 : i32
      %dma_start3A_28 = tpu.memref_slice %arg9[%dma_start3A_26, %dma_start3A_27] : memref<1000x64xf32, #tpu.memory_space<vmem>> -> memref<624x64xf32, #tpu.memory_space<vmem>>
      tpu.enqueue_dma source(%dma_start3A_28 : memref<624x64xf32, #tpu.memory_space<vmem>>) target(%dma_start3A_25 : memref<624x64xf32, #tpu.memory_space<vmem_shared>>) target_semaphore(%run_scoped3A : memref<!tpu.dma_semaphore, #tpu.memory_space<semaphore_mem>>)
      %dma_wait3A = arith.constant 0 : i32
      %dma_wait3A_29 = arith.constant 0 : i32
      %dma_wait3A_30 = tpu.memref_slice %arg9[%dma_wait3A, %dma_wait3A_29] : memref<1000x64xf32, #tpu.memory_space<vmem>> -> memref<624x64xf32, #tpu.memory_space<vmem>>
      %dma_wait3A_31 = arith.constant 0 : i32
      %dma_wait3A_32 = tpu.memref_slice %arg10[%mul3A_2, %dma_wait3A_31] : memref<10000x64xf32, #tpu.memory_space<vmem_shared>> -> memref<624x64xf32, #tpu.memory_space<vmem_shared>>
      %dma_wait3A_33 = arith.constant 0 : i32
      %dma_wait3A_34 = tpu.memref_slice %arg10[%mul3A_2, %dma_wait3A_33] : memref<10000x64xf32, #tpu.memory_space<vmem_shared>> -> memref<624x64xf32, #tpu.memory_space<vmem_shared>>
      %dma_wait3A_35 = arith.constant 0 : i32
      %dma_wait3A_36 = arith.constant 0 : i32
      %dma_wait3A_37 = tpu.memref_slice %arg9[%dma_wait3A_35, %dma_wait3A_36] : memref<1000x64xf32, #tpu.memory_space<vmem>> -> memref<624x64xf32, #tpu.memory_space<vmem>>
      tpu.wait_dma2 semaphore(%run_scoped3A : memref<!tpu.dma_semaphore, #tpu.memory_space<semaphore_mem>>) src(%dma_wait3A_37 : memref<624x64xf32, #tpu.memory_space<vmem>>) dst(%dma_wait3A_34 : memref<624x64xf32, #tpu.memory_space<vmem_shared>>)
      tpu.yield
    }) : () -> ()
    %eq3A = arith.constant 15 : i32
    %eq3A_3 = arith.cmpi eq, %arg1, %eq3A : i32
    %convert_element_type3A = arith.extui %eq3A_3 : i1 to i32
    %cond3A = arith.constant 0 : i32
    %cond3A_4 = arith.cmpi ne, %convert_element_type3A, %cond3A : i32
    scf.if %cond3A_4 {
      "tpu.region"() ({
        %run_scoped3A = tpu.sem_alloc : memref<!tpu.dma_semaphore, #tpu.memory_space<semaphore_mem>>
        %dma_start3A = arith.constant 624 : i32
        %dma_start3A_20 = arith.constant 0 : i32
        %dma_start3A_21 = tpu.memref_slice %arg9[%dma_start3A, %dma_start3A_20] : memref<1000x64xf32, #tpu.memory_space<vmem>> -> memref<16x64xf32, #tpu.memory_space<vmem>>
        %dma_start3A_22 = arith.constant 9984 : i32
        %dma_start3A_23 = arith.constant 0 : i32
        %dma_start3A_24 = tpu.memref_slice %arg5[%dma_start3A_22, %dma_start3A_23] : memref<10000x64xf32, #tpu.memory_space<hbm>> -> memref<16x64xf32, #tpu.memory_space<hbm>>
        %dma_start3A_25 = arith.constant 624 : i32
        %dma_start3A_26 = arith.constant 0 : i32
        %dma_start3A_27 = tpu.memref_slice %arg9[%dma_start3A_25, %dma_start3A_26] : memref<1000x64xf32, #tpu.memory_space<vmem>> -> memref<16x64xf32, #tpu.memory_space<vmem>>
        %dma_start3A_28 = arith.constant 9984 : i32
        %dma_start3A_29 = arith.constant 0 : i32
        %dma_start3A_30 = tpu.memref_slice %arg5[%dma_start3A_28, %dma_start3A_29] : memref<10000x64xf32, #tpu.memory_space<hbm>> -> memref<16x64xf32, #tpu.memory_space<hbm>>
        tpu.enqueue_dma source(%dma_start3A_30 : memref<16x64xf32, #tpu.memory_space<hbm>>) target(%dma_start3A_27 : memref<16x64xf32, #tpu.memory_space<vmem>>) target_semaphore(%run_scoped3A : memref<!tpu.dma_semaphore, #tpu.memory_space<semaphore_mem>>)
        %dma_wait3A = arith.constant 624 : i32
        %dma_wait3A_31 = arith.constant 0 : i32
        %dma_wait3A_32 = tpu.memref_slice %arg9[%dma_wait3A, %dma_wait3A_31] : memref<1000x64xf32, #tpu.memory_space<vmem>> -> memref<16x64xf32, #tpu.memory_space<vmem>>
        %dma_wait3A_33 = arith.constant 9984 : i32
        %dma_wait3A_34 = arith.constant 0 : i32
        %dma_wait3A_35 = tpu.memref_slice %arg5[%dma_wait3A_33, %dma_wait3A_34] : memref<10000x64xf32, #tpu.memory_space<hbm>> -> memref<16x64xf32, #tpu.memory_space<hbm>>
        %dma_wait3A_36 = arith.constant 624 : i32
        %dma_wait3A_37 = arith.constant 0 : i32
        %dma_wait3A_38 = tpu.memref_slice %arg9[%dma_wait3A_36, %dma_wait3A_37] : memref<1000x64xf32, #tpu.memory_space<vmem>> -> memref<16x64xf32, #tpu.memory_space<vmem>>
        %dma_wait3A_39 = arith.constant 9984 : i32
        %dma_wait3A_40 = arith.constant 0 : i32
        %dma_wait3A_41 = tpu.memref_slice %arg5[%dma_wait3A_39, %dma_wait3A_40] : memref<10000x64xf32, #tpu.memory_space<hbm>> -> memref<16x64xf32, #tpu.memory_space<hbm>>
        tpu.wait_dma2 semaphore(%run_scoped3A : memref<!tpu.dma_semaphore, #tpu.memory_space<semaphore_mem>>) src(%dma_wait3A_41 : memref<16x64xf32, #tpu.memory_space<hbm>>) dst(%dma_wait3A_38 : memref<16x64xf32, #tpu.memory_space<vmem>>)
        tpu.yield
      }) : () -> ()
      "tpu.region"() ({
        %run_scoped3A = tpu.sem_alloc : memref<!tpu.dma_semaphore, #tpu.memory_space<semaphore_mem>>
        %dma_start3A = arith.constant 624 : i32
        %dma_start3A_20 = arith.constant 0 : i32
        %dma_start3A_21 = tpu.memref_slice %arg9[%dma_start3A, %dma_start3A_20] : memref<1000x64xf32, #tpu.memory_space<vmem>> -> memref<16x64xf32, #tpu.memory_space<vmem>>
        %dma_start3A_22 = arith.constant 9984 : i32
        %dma_start3A_23 = arith.constant 0 : i32
        %dma_start3A_24 = tpu.memref_slice %arg10[%dma_start3A_22, %dma_start3A_23] : memref<10000x64xf32, #tpu.memory_space<vmem_shared>> -> memref<16x64xf32, #tpu.memory_space<vmem_shared>>
        %dma_start3A_25 = arith.constant 9984 : i32
        %dma_start3A_26 = arith.constant 0 : i32
        %dma_start3A_27 = tpu.memref_slice %arg10[%dma_start3A_25, %dma_start3A_26] : memref<10000x64xf32, #tpu.memory_space<vmem_shared>> -> memref<16x64xf32, #tpu.memory_space<vmem_shared>>
        %dma_start3A_28 = arith.constant 624 : i32
        %dma_start3A_29 = arith.constant 0 : i32
        %dma_start3A_30 = tpu.memref_slice %arg9[%dma_start3A_28, %dma_start3A_29] : memref<1000x64xf32, #tpu.memory_space<vmem>> -> memref<16x64xf32, #tpu.memory_space<vmem>>
        tpu.enqueue_dma source(%dma_start3A_30 : memref<16x64xf32, #tpu.memory_space<vmem>>) target(%dma_start3A_27 : memref<16x64xf32, #tpu.memory_space<vmem_shared>>) target_semaphore(%run_scoped3A : memref<!tpu.dma_semaphore, #tpu.memory_space<semaphore_mem>>)
        %dma_wait3A = arith.constant 624 : i32
        %dma_wait3A_31 = arith.constant 0 : i32
        %dma_wait3A_32 = tpu.memref_slice %arg9[%dma_wait3A, %dma_wait3A_31] : memref<1000x64xf32, #tpu.memory_space<vmem>> -> memref<16x64xf32, #tpu.memory_space<vmem>>
        %dma_wait3A_33 = arith.constant 9984 : i32
        %dma_wait3A_34 = arith.constant 0 : i32
        %dma_wait3A_35 = tpu.memref_slice %arg10[%dma_wait3A_33, %dma_wait3A_34] : memref<10000x64xf32, #tpu.memory_space<vmem_shared>> -> memref<16x64xf32, #tpu.memory_space<vmem_shared>>
        %dma_wait3A_36 = arith.constant 9984 : i32
        %dma_wait3A_37 = arith.constant 0 : i32
        %dma_wait3A_38 = tpu.memref_slice %arg10[%dma_wait3A_36, %dma_wait3A_37] : memref<10000x64xf32, #tpu.memory_space<vmem_shared>> -> memref<16x64xf32, #tpu.memory_space<vmem_shared>>
        %dma_wait3A_39 = arith.constant 624 : i32
        %dma_wait3A_40 = arith.constant 0 : i32
        %dma_wait3A_41 = tpu.memref_slice %arg9[%dma_wait3A_39, %dma_wait3A_40] : memref<1000x64xf32, #tpu.memory_space<vmem>> -> memref<16x64xf32, #tpu.memory_space<vmem>>
        tpu.wait_dma2 semaphore(%run_scoped3A : memref<!tpu.dma_semaphore, #tpu.memory_space<semaphore_mem>>) src(%dma_wait3A_41 : memref<16x64xf32, #tpu.memory_space<vmem>>) dst(%dma_wait3A_38 : memref<16x64xf32, #tpu.memory_space<vmem_shared>>)
        tpu.yield
      }) : () -> ()
    } else {
    }
    %barrier3A = arith.constant 0 : index
    tpu.barrier barrier_id(%barrier3A)
    %scan3A = arith.constant 0 : i32
    %scan3A_5 = arith.constant 0 : i32
    %scan3A_6 = arith.constant 10 : i32
    %scan3A_7 = arith.addi %scan3A_5, %scan3A_6 : i32
    %scan3A_8 = arith.constant 1 : i32
    scf.for %scan3A_20 = %scan3A_5 to %scan3A_7 step %scan3A_8  : i32 {
      %mul3A_21 = arith.constant 160000 : i32
      %mul3A_22 = arith.muli %arg0, %mul3A_21 : i32
      %mul3A_23 = arith.constant 10000 : i32
      %mul3A_24 = arith.muli %arg1, %mul3A_23 : i32
      %add3A = arith.addi %mul3A_22, %mul3A_24 : i32
      %mul3A_25 = arith.constant 1000 : i32
      %mul3A_26 = arith.muli %scan3A_20, %mul3A_25 : i32
      %add3A_27 = arith.addi %add3A, %mul3A_26 : i32
      "tpu.region"() ({
        %run_scoped3A = tpu.sem_alloc : memref<!tpu.dma_semaphore, #tpu.memory_space<semaphore_mem>>
        %dma_start3A = tpu.memref_slice %arg3[%add3A_27] : memref<320000xi32, #tpu.memory_space<hbm>> -> memref<1000xi32, #tpu.memory_space<hbm>>
        %dma_start3A_28 = tpu.memref_slice %arg3[%add3A_27] : memref<320000xi32, #tpu.memory_space<hbm>> -> memref<1000xi32, #tpu.memory_space<hbm>>
        tpu.enqueue_dma source(%dma_start3A_28 : memref<1000xi32, #tpu.memory_space<hbm>>) target(%arg7 : memref<1000xi32, #tpu.memory_space<vmem>>) target_semaphore(%run_scoped3A : memref<!tpu.dma_semaphore, #tpu.memory_space<semaphore_mem>>)
        %dma_wait3A = tpu.memref_slice %arg3[%add3A_27] : memref<320000xi32, #tpu.memory_space<hbm>> -> memref<1000xi32, #tpu.memory_space<hbm>>
        %dma_wait3A_29 = tpu.memref_slice %arg3[%add3A_27] : memref<320000xi32, #tpu.memory_space<hbm>> -> memref<1000xi32, #tpu.memory_space<hbm>>
        tpu.wait_dma2 semaphore(%run_scoped3A : memref<!tpu.dma_semaphore, #tpu.memory_space<semaphore_mem>>) src(%dma_wait3A_29 : memref<1000xi32, #tpu.memory_space<hbm>>) dst(%arg7 : memref<1000xi32, #tpu.memory_space<vmem>>)
        tpu.yield
      }) : () -> ()
      "tpu.region"() ({
        %run_scoped3A = tpu.sem_alloc : memref<!tpu.dma_semaphore, #tpu.memory_space<semaphore_mem>>
        %dma_start3A = tpu.memref_slice %arg4[%add3A_27] : memref<320000xi32, #tpu.memory_space<hbm>> -> memref<1000xi32, #tpu.memory_space<hbm>>
        %dma_start3A_28 = tpu.memref_slice %arg4[%add3A_27] : memref<320000xi32, #tpu.memory_space<hbm>> -> memref<1000xi32, #tpu.memory_space<hbm>>
        tpu.enqueue_dma source(%dma_start3A_28 : memref<1000xi32, #tpu.memory_space<hbm>>) target(%arg8 : memref<1000xi32, #tpu.memory_space<vmem>>) target_semaphore(%run_scoped3A : memref<!tpu.dma_semaphore, #tpu.memory_space<semaphore_mem>>)
        %dma_wait3A = tpu.memref_slice %arg4[%add3A_27] : memref<320000xi32, #tpu.memory_space<hbm>> -> memref<1000xi32, #tpu.memory_space<hbm>>
        %dma_wait3A_29 = tpu.memref_slice %arg4[%add3A_27] : memref<320000xi32, #tpu.memory_space<hbm>> -> memref<1000xi32, #tpu.memory_space<hbm>>
        tpu.wait_dma2 semaphore(%run_scoped3A : memref<!tpu.dma_semaphore, #tpu.memory_space<semaphore_mem>>) src(%dma_wait3A_29 : memref<1000xi32, #tpu.memory_space<hbm>>) dst(%arg8 : memref<1000xi32, #tpu.memory_space<vmem>>)
        tpu.yield
      }) : () -> ()
      "tpu.region"() ({
        %run_scoped3A = tpu.sem_alloc : memref<!tpu.dma_semaphore, #tpu.memory_space<semaphore_mem>>
        %dma_start3A = arith.constant 0 : i32
        %dma_start3A_28 = arith.constant 0 : i32
        %dma_start3A_29 = tpu.memref_slice %arg2[%dma_start3A, %dma_start3A_28] : memref<10000x64xf32, #tpu.memory_space<hbm>> -> memref<10000x64xf32, #tpu.memory_space<hbm>>
        tpu.enqueue_indirect_dma source(%dma_start3A_29 : memref<10000x64xf32, #tpu.memory_space<hbm>>) target(%arg9 : memref<1000x64xf32, #tpu.memory_space<vmem>>) offsets(%arg7 : memref<1000xi32, #tpu.memory_space<vmem>>) semaphore(%run_scoped3A : memref<!tpu.dma_semaphore, #tpu.memory_space<semaphore_mem>>)
        %dma_wait3A = arith.constant 0 : i32
        %dma_wait3A_30 = arith.constant 0 : i32
        %dma_wait3A_31 = tpu.memref_slice %arg2[%dma_wait3A, %dma_wait3A_30] : memref<10000x64xf32, #tpu.memory_space<hbm>> -> memref<10000x64xf32, #tpu.memory_space<hbm>>
        tpu.wait_indirect_dma semaphore(%run_scoped3A : memref<!tpu.dma_semaphore, #tpu.memory_space<semaphore_mem>>) src(%dma_wait3A_31 : memref<10000x64xf32, #tpu.memory_space<hbm>>) dst(%arg9 : memref<1000x64xf32, #tpu.memory_space<vmem>>)
        tpu.yield
      }) : () -> ()
      "tpu.region"() ({
        %run_scoped3A = tpu.sem_alloc : memref<!tpu.dma_semaphore, #tpu.memory_space<semaphore_mem>>
        %dma_start3A = arith.constant 0 : i32
        %dma_start3A_28 = arith.constant 0 : i32
        %dma_start3A_29 = tpu.memref_slice %arg10[%dma_start3A, %dma_start3A_28] : memref<10000x64xf32, #tpu.memory_space<vmem_shared>> -> memref<10000x64xf32, #tpu.memory_space<vmem_shared>>
        tpu.enqueue_indirect_dma source(%arg9 : memref<1000x64xf32, #tpu.memory_space<vmem>>) target(%dma_start3A_29 : memref<10000x64xf32, #tpu.memory_space<vmem_shared>>) offsets(%arg8 : memref<1000xi32, #tpu.memory_space<vmem>>) semaphore(%run_scoped3A : memref<!tpu.dma_semaphore, #tpu.memory_space<semaphore_mem>>) {add = true}
        %dma_wait3A = arith.constant 0 : i32
        %dma_wait3A_30 = arith.constant 0 : i32
        %dma_wait3A_31 = tpu.memref_slice %arg10[%dma_wait3A, %dma_wait3A_30] : memref<10000x64xf32, #tpu.memory_space<vmem_shared>> -> memref<10000x64xf32, #tpu.memory_space<vmem_shared>>
        tpu.wait_indirect_dma semaphore(%run_scoped3A : memref<!tpu.dma_semaphore, #tpu.memory_space<semaphore_mem>>) src(%arg9 : memref<1000x64xf32, #tpu.memory_space<vmem>>) dst(%dma_wait3A_31 : memref<10000x64xf32, #tpu.memory_space<vmem_shared>>)
        tpu.yield
      }) : () -> ()
    }
    %scan3A_9 = arith.constant 10 : i32
    %barrier3A_10 = arith.constant 0 : index
    tpu.barrier barrier_id(%barrier3A_10)
    %mul3A_11 = arith.constant 624 : i32
    %mul3A_12 = arith.muli %arg1, %mul3A_11 : i32
    "tpu.region"() ({
      %run_scoped3A = tpu.sem_alloc : memref<!tpu.dma_semaphore, #tpu.memory_space<semaphore_mem>>
      %dma_start3A = arith.constant 0 : i32
      %dma_start3A_20 = arith.constant 0 : i32
      %dma_start3A_21 = tpu.memref_slice %arg9[%dma_start3A, %dma_start3A_20] : memref<1000x64xf32, #tpu.memory_space<vmem>> -> memref<624x64xf32, #tpu.memory_space<vmem>>
      %dma_start3A_22 = arith.constant 0 : i32
      %dma_start3A_23 = tpu.memref_slice %arg10[%mul3A_12, %dma_start3A_22] : memref<10000x64xf32, #tpu.memory_space<vmem_shared>> -> memref<624x64xf32, #tpu.memory_space<vmem_shared>>
      %dma_start3A_24 = arith.constant 0 : i32
      %dma_start3A_25 = arith.constant 0 : i32
      %dma_start3A_26 = tpu.memref_slice %arg9[%dma_start3A_24, %dma_start3A_25] : memref<1000x64xf32, #tpu.memory_space<vmem>> -> memref<624x64xf32, #tpu.memory_space<vmem>>
      %dma_start3A_27 = arith.constant 0 : i32
      %dma_start3A_28 = tpu.memref_slice %arg10[%mul3A_12, %dma_start3A_27] : memref<10000x64xf32, #tpu.memory_space<vmem_shared>> -> memref<624x64xf32, #tpu.memory_space<vmem_shared>>
      tpu.enqueue_dma source(%dma_start3A_28 : memref<624x64xf32, #tpu.memory_space<vmem_shared>>) target(%dma_start3A_26 : memref<624x64xf32, #tpu.memory_space<vmem>>) target_semaphore(%run_scoped3A : memref<!tpu.dma_semaphore, #tpu.memory_space<semaphore_mem>>)
      %dma_wait3A = arith.constant 0 : i32
      %dma_wait3A_29 = arith.constant 0 : i32
      %dma_wait3A_30 = tpu.memref_slice %arg9[%dma_wait3A, %dma_wait3A_29] : memref<1000x64xf32, #tpu.memory_space<vmem>> -> memref<624x64xf32, #tpu.memory_space<vmem>>
      %dma_wait3A_31 = arith.constant 0 : i32
      %dma_wait3A_32 = tpu.memref_slice %arg10[%mul3A_12, %dma_wait3A_31] : memref<10000x64xf32, #tpu.memory_space<vmem_shared>> -> memref<624x64xf32, #tpu.memory_space<vmem_shared>>
      %dma_wait3A_33 = arith.constant 0 : i32
      %dma_wait3A_34 = arith.constant 0 : i32
      %dma_wait3A_35 = tpu.memref_slice %arg9[%dma_wait3A_33, %dma_wait3A_34] : memref<1000x64xf32, #tpu.memory_space<vmem>> -> memref<624x64xf32, #tpu.memory_space<vmem>>
      %dma_wait3A_36 = arith.constant 0 : i32
      %dma_wait3A_37 = tpu.memref_slice %arg10[%mul3A_12, %dma_wait3A_36] : memref<10000x64xf32, #tpu.memory_space<vmem_shared>> -> memref<624x64xf32, #tpu.memory_space<vmem_shared>>
      tpu.wait_dma2 semaphore(%run_scoped3A : memref<!tpu.dma_semaphore, #tpu.memory_space<semaphore_mem>>) src(%dma_wait3A_37 : memref<624x64xf32, #tpu.memory_space<vmem_shared>>) dst(%dma_wait3A_35 : memref<624x64xf32, #tpu.memory_space<vmem>>)
      tpu.yield
    }) : () -> ()
    %mul3A_13 = arith.constant 624 : i32
    %mul3A_14 = arith.muli %arg1, %mul3A_13 : i32
    "tpu.region"() ({
      %run_scoped3A = tpu.sem_alloc : memref<!tpu.dma_semaphore, #tpu.memory_space<semaphore_mem>>
      %dma_start3A = arith.constant 0 : i32
      %dma_start3A_20 = arith.constant 0 : i32
      %dma_start3A_21 = tpu.memref_slice %arg9[%dma_start3A, %dma_start3A_20] : memref<1000x64xf32, #tpu.memory_space<vmem>> -> memref<624x64xf32, #tpu.memory_space<vmem>>
      %dma_start3A_22 = arith.constant 0 : i32
      %dma_start3A_23 = tpu.memref_slice %arg6[%arg0, %mul3A_14, %dma_start3A_22] : memref<2x10000x64xf32, #tpu.memory_space<hbm>> -> memref<1x624x64xf32, #tpu.memory_space<hbm>>
      %dma_start3A_24 = tpu.memref_squeeze %dma_start3A_23 : memref<1x624x64xf32, #tpu.memory_space<hbm>> -> memref<624x64xf32, #tpu.memory_space<hbm>>
      %dma_start3A_25 = arith.constant 0 : i32
      %dma_start3A_26 = tpu.memref_slice %arg6[%arg0, %mul3A_14, %dma_start3A_25] : memref<2x10000x64xf32, #tpu.memory_space<hbm>> -> memref<1x624x64xf32, #tpu.memory_space<hbm>>
      %dma_start3A_27 = tpu.memref_squeeze %dma_start3A_26 : memref<1x624x64xf32, #tpu.memory_space<hbm>> -> memref<624x64xf32, #tpu.memory_space<hbm>>
      %dma_start3A_28 = arith.constant 0 : i32
      %dma_start3A_29 = arith.constant 0 : i32
      %dma_start3A_30 = tpu.memref_slice %arg9[%dma_start3A_28, %dma_start3A_29] : memref<1000x64xf32, #tpu.memory_space<vmem>> -> memref<624x64xf32, #tpu.memory_space<vmem>>
      tpu.enqueue_dma source(%dma_start3A_30 : memref<624x64xf32, #tpu.memory_space<vmem>>) target(%dma_start3A_27 : memref<624x64xf32, #tpu.memory_space<hbm>>) target_semaphore(%run_scoped3A : memref<!tpu.dma_semaphore, #tpu.memory_space<semaphore_mem>>)
      %dma_wait3A = arith.constant 0 : i32
      %dma_wait3A_31 = arith.constant 0 : i32
      %dma_wait3A_32 = tpu.memref_slice %arg9[%dma_wait3A, %dma_wait3A_31] : memref<1000x64xf32, #tpu.memory_space<vmem>> -> memref<624x64xf32, #tpu.memory_space<vmem>>
      %dma_wait3A_33 = arith.constant 0 : i32
      %dma_wait3A_34 = tpu.memref_slice %arg6[%arg0, %mul3A_14, %dma_wait3A_33] : memref<2x10000x64xf32, #tpu.memory_space<hbm>> -> memref<1x624x64xf32, #tpu.memory_space<hbm>>
      %dma_wait3A_35 = tpu.memref_squeeze %dma_wait3A_34 : memref<1x624x64xf32, #tpu.memory_space<hbm>> -> memref<624x64xf32, #tpu.memory_space<hbm>>
      %dma_wait3A_36 = arith.constant 0 : i32
      %dma_wait3A_37 = tpu.memref_slice %arg6[%arg0, %mul3A_14, %dma_wait3A_36] : memref<2x10000x64xf32, #tpu.memory_space<hbm>> -> memref<1x624x64xf32, #tpu.memory_space<hbm>>
      %dma_wait3A_38 = tpu.memref_squeeze %dma_wait3A_37 : memref<1x624x64xf32, #tpu.memory_space<hbm>> -> memref<624x64xf32, #tpu.memory_space<hbm>>
      %dma_wait3A_39 = arith.constant 0 : i32
      %dma_wait3A_40 = arith.constant 0 : i32
      %dma_wait3A_41 = tpu.memref_slice %arg9[%dma_wait3A_39, %dma_wait3A_40] : memref<1000x64xf32, #tpu.memory_space<vmem>> -> memref<624x64xf32, #tpu.memory_space<vmem>>
      tpu.wait_dma2 semaphore(%run_scoped3A : memref<!tpu.dma_semaphore, #tpu.memory_space<semaphore_mem>>) src(%dma_wait3A_41 : memref<624x64xf32, #tpu.memory_space<vmem>>) dst(%dma_wait3A_38 : memref<624x64xf32, #tpu.memory_space<hbm>>)
      tpu.yield
    }) : () -> ()
    %eq3A_15 = arith.constant 15 : i32
    %eq3A_16 = arith.cmpi eq, %arg1, %eq3A_15 : i32
    %convert_element_type3A_17 = arith.extui %eq3A_16 : i1 to i32
    %cond3A_18 = arith.constant 0 : i32
    %cond3A_19 = arith.cmpi ne, %convert_element_type3A_17, %cond3A_18 : i32
    scf.if %cond3A_19 {
      "tpu.region"() ({
        %run_scoped3A = tpu.sem_alloc : memref<!tpu.dma_semaphore, #tpu.memory_space<semaphore_mem>>
        %dma_start3A = arith.constant 624 : i32
        %dma_start3A_20 = arith.constant 0 : i32
        %dma_start3A_21 = tpu.memref_slice %arg9[%dma_start3A, %dma_start3A_20] : memref<1000x64xf32, #tpu.memory_space<vmem>> -> memref<16x64xf32, #tpu.memory_space<vmem>>
        %dma_start3A_22 = arith.constant 9984 : i32
        %dma_start3A_23 = arith.constant 0 : i32
        %dma_start3A_24 = tpu.memref_slice %arg10[%dma_start3A_22, %dma_start3A_23] : memref<10000x64xf32, #tpu.memory_space<vmem_shared>> -> memref<16x64xf32, #tpu.memory_space<vmem_shared>>
        %dma_start3A_25 = arith.constant 624 : i32
        %dma_start3A_26 = arith.constant 0 : i32
        %dma_start3A_27 = tpu.memref_slice %arg9[%dma_start3A_25, %dma_start3A_26] : memref<1000x64xf32, #tpu.memory_space<vmem>> -> memref<16x64xf32, #tpu.memory_space<vmem>>
        %dma_start3A_28 = arith.constant 9984 : i32
        %dma_start3A_29 = arith.constant 0 : i32
        %dma_start3A_30 = tpu.memref_slice %arg10[%dma_start3A_28, %dma_start3A_29] : memref<10000x64xf32, #tpu.memory_space<vmem_shared>> -> memref<16x64xf32, #tpu.memory_space<vmem_shared>>
        tpu.enqueue_dma source(%dma_start3A_30 : memref<16x64xf32, #tpu.memory_space<vmem_shared>>) target(%dma_start3A_27 : memref<16x64xf32, #tpu.memory_space<vmem>>) target_semaphore(%run_scoped3A : memref<!tpu.dma_semaphore, #tpu.memory_space<semaphore_mem>>)
        %dma_wait3A = arith.constant 624 : i32
        %dma_wait3A_31 = arith.constant 0 : i32
        %dma_wait3A_32 = tpu.memref_slice %arg9[%dma_wait3A, %dma_wait3A_31] : memref<1000x64xf32, #tpu.memory_space<vmem>> -> memref<16x64xf32, #tpu.memory_space<vmem>>
        %dma_wait3A_33 = arith.constant 9984 : i32
        %dma_wait3A_34 = arith.constant 0 : i32
        %dma_wait3A_35 = tpu.memref_slice %arg10[%dma_wait3A_33, %dma_wait3A_34] : memref<10000x64xf32, #tpu.memory_space<vmem_shared>> -> memref<16x64xf32, #tpu.memory_space<vmem_shared>>
        %dma_wait3A_36 = arith.constant 624 : i32
        %dma_wait3A_37 = arith.constant 0 : i32
        %dma_wait3A_38 = tpu.memref_slice %arg9[%dma_wait3A_36, %dma_wait3A_37] : memref<1000x64xf32, #tpu.memory_space<vmem>> -> memref<16x64xf32, #tpu.memory_space<vmem>>
        %dma_wait3A_39 = arith.constant 9984 : i32
        %dma_wait3A_40 = arith.constant 0 : i32
        %dma_wait3A_41 = tpu.memref_slice %arg10[%dma_wait3A_39, %dma_wait3A_40] : memref<10000x64xf32, #tpu.memory_space<vmem_shared>> -> memref<16x64xf32, #tpu.memory_space<vmem_shared>>
        tpu.wait_dma2 semaphore(%run_scoped3A : memref<!tpu.dma_semaphore, #tpu.memory_space<semaphore_mem>>) src(%dma_wait3A_41 : memref<16x64xf32, #tpu.memory_space<vmem_shared>>) dst(%dma_wait3A_38 : memref<16x64xf32, #tpu.memory_space<vmem>>)
        tpu.yield
      }) : () -> ()
      "tpu.region"() ({
        %run_scoped3A = tpu.sem_alloc : memref<!tpu.dma_semaphore, #tpu.memory_space<semaphore_mem>>
        %dma_start3A = arith.constant 624 : i32
        %dma_start3A_20 = arith.constant 0 : i32
        %dma_start3A_21 = tpu.memref_slice %arg9[%dma_start3A, %dma_start3A_20] : memref<1000x64xf32, #tpu.memory_space<vmem>> -> memref<16x64xf32, #tpu.memory_space<vmem>>
        %dma_start3A_22 = arith.constant 9984 : i32
        %dma_start3A_23 = arith.constant 0 : i32
        %dma_start3A_24 = tpu.memref_slice %arg6[%arg0, %dma_start3A_22, %dma_start3A_23] : memref<2x10000x64xf32, #tpu.memory_space<hbm>> -> memref<1x16x64xf32, #tpu.memory_space<hbm>>
        %dma_start3A_25 = tpu.memref_squeeze %dma_start3A_24 : memref<1x16x64xf32, #tpu.memory_space<hbm>> -> memref<16x64xf32, #tpu.memory_space<hbm>>
        %dma_start3A_26 = arith.constant 9984 : i32
        %dma_start3A_27 = arith.constant 0 : i32
        %dma_start3A_28 = tpu.memref_slice %arg6[%arg0, %dma_start3A_26, %dma_start3A_27] : memref<2x10000x64xf32, #tpu.memory_space<hbm>> -> memref<1x16x64xf32, #tpu.memory_space<hbm>>
        %dma_start3A_29 = tpu.memref_squeeze %dma_start3A_28 : memref<1x16x64xf32, #tpu.memory_space<hbm>> -> memref<16x64xf32, #tpu.memory_space<hbm>>
        %dma_start3A_30 = arith.constant 624 : i32
        %dma_start3A_31 = arith.constant 0 : i32
        %dma_start3A_32 = tpu.memref_slice %arg9[%dma_start3A_30, %dma_start3A_31] : memref<1000x64xf32, #tpu.memory_space<vmem>> -> memref<16x64xf32, #tpu.memory_space<vmem>>
        tpu.enqueue_dma source(%dma_start3A_32 : memref<16x64xf32, #tpu.memory_space<vmem>>) target(%dma_start3A_29 : memref<16x64xf32, #tpu.memory_space<hbm>>) target_semaphore(%run_scoped3A : memref<!tpu.dma_semaphore, #tpu.memory_space<semaphore_mem>>)
        %dma_wait3A = arith.constant 624 : i32
        %dma_wait3A_33 = arith.constant 0 : i32
        %dma_wait3A_34 = tpu.memref_slice %arg9[%dma_wait3A, %dma_wait3A_33] : memref<1000x64xf32, #tpu.memory_space<vmem>> -> memref<16x64xf32, #tpu.memory_space<vmem>>
        %dma_wait3A_35 = arith.constant 9984 : i32
        %dma_wait3A_36 = arith.constant 0 : i32
        %dma_wait3A_37 = tpu.memref_slice %arg6[%arg0, %dma_wait3A_35, %dma_wait3A_36] : memref<2x10000x64xf32, #tpu.memory_space<hbm>> -> memref<1x16x64xf32, #tpu.memory_space<hbm>>
        %dma_wait3A_38 = tpu.memref_squeeze %dma_wait3A_37 : memref<1x16x64xf32, #tpu.memory_space<hbm>> -> memref<16x64xf32, #tpu.memory_space<hbm>>
        %dma_wait3A_39 = arith.constant 9984 : i32
        %dma_wait3A_40 = arith.constant 0 : i32
        %dma_wait3A_41 = tpu.memref_slice %arg6[%arg0, %dma_wait3A_39, %dma_wait3A_40] : memref<2x10000x64xf32, #tpu.memory_space<hbm>> -> memref<1x16x64xf32, #tpu.memory_space<hbm>>
        %dma_wait3A_42 = tpu.memref_squeeze %dma_wait3A_41 : memref<1x16x64xf32, #tpu.memory_space<hbm>> -> memref<16x64xf32, #tpu.memory_space<hbm>>
        %dma_wait3A_43 = arith.constant 624 : i32
        %dma_wait3A_44 = arith.constant 0 : i32
        %dma_wait3A_45 = tpu.memref_slice %arg9[%dma_wait3A_43, %dma_wait3A_44] : memref<1000x64xf32, #tpu.memory_space<vmem>> -> memref<16x64xf32, #tpu.memory_space<vmem>>
        tpu.wait_dma2 semaphore(%run_scoped3A : memref<!tpu.dma_semaphore, #tpu.memory_space<semaphore_mem>>) src(%dma_wait3A_45 : memref<16x64xf32, #tpu.memory_space<vmem>>) dst(%dma_wait3A_42 : memref<16x64xf32, #tpu.memory_space<hbm>>)
        tpu.yield
      }) : () -> ()
    } else {
    }
    return
  }
}

#map = affine_map<(d0, d1) -> (0, 0)>
#map1 = affine_map<(d0, d1) -> (0)>
#map2 = affine_map<(d0, d1) -> (0, 0, 0)>
module attributes {stable_mosaic.version = 14 : i64} {
  func.func @_sc_pool(%arg0: i32, %arg1: i32, %arg2: memref<10000x192xf32, #tpu.memory_space<hbm>>, %arg3: memref<10000xi32, #tpu.memory_space<hbm>>, %arg4: memref<512x192xf32, #tpu.memory_space<hbm>>, %arg5: memref<2x512x192xf32, #tpu.memory_space<hbm>>, %arg6: memref<312xi32, #tpu.memory_space<vmem>>, %arg7: memref<16xi32, #tpu.memory_space<vmem>>, %arg8: memref<312x192xf32, #tpu.memory_space<vmem>>, %arg9: memref<16x192xf32, #tpu.memory_space<vmem>>, %arg10: memref<512x192xf32, #tpu.memory_space<vmem_shared>>) attributes {dimension_semantics = [#tpu.dimension_semantics<core_parallel>, #tpu.dimension_semantics<subcore_parallel>], iteration_bounds = array<i64: 2, 16>, scalar_prefetch = 0 : i64, scratch_operands = 5 : i64, tpu.core_type = #tpu.core_type<sc_vector_subcore>, window_params = [{transform_indices = #map}, {transform_indices = #map1}, {transform_indices = #map}, {transform_indices = #map2}]} {
    %mul3A = arith.constant 16 : i32
    %mul3A_0 = arith.muli %arg0, %mul3A : i32
    %add3A = arith.addi %mul3A_0, %arg1 : i32
    %mul3A_1 = arith.constant 32 : i32
    %mul3A_2 = arith.muli %arg1, %mul3A_1 : i32
    "tpu.region"() ({
      %run_scoped3A = tpu.sem_alloc : memref<!tpu.dma_semaphore, #tpu.memory_space<semaphore_mem>>
      %dma_start3A = arith.constant 0 : i32
      %dma_start3A_16 = arith.constant 0 : i32
      %dma_start3A_17 = tpu.memref_slice %arg8[%dma_start3A, %dma_start3A_16] : memref<312x192xf32, #tpu.memory_space<vmem>> -> memref<32x192xf32, #tpu.memory_space<vmem>>
      %dma_start3A_18 = arith.constant 0 : i32
      %dma_start3A_19 = tpu.memref_slice %arg4[%mul3A_2, %dma_start3A_18] : memref<512x192xf32, #tpu.memory_space<hbm>> -> memref<32x192xf32, #tpu.memory_space<hbm>>
      %dma_start3A_20 = arith.constant 0 : i32
      %dma_start3A_21 = arith.constant 0 : i32
      %dma_start3A_22 = tpu.memref_slice %arg8[%dma_start3A_20, %dma_start3A_21] : memref<312x192xf32, #tpu.memory_space<vmem>> -> memref<32x192xf32, #tpu.memory_space<vmem>>
      %dma_start3A_23 = arith.constant 0 : i32
      %dma_start3A_24 = tpu.memref_slice %arg4[%mul3A_2, %dma_start3A_23] : memref<512x192xf32, #tpu.memory_space<hbm>> -> memref<32x192xf32, #tpu.memory_space<hbm>>
      tpu.enqueue_dma source(%dma_start3A_24 : memref<32x192xf32, #tpu.memory_space<hbm>>) target(%dma_start3A_22 : memref<32x192xf32, #tpu.memory_space<vmem>>) target_semaphore(%run_scoped3A : memref<!tpu.dma_semaphore, #tpu.memory_space<semaphore_mem>>)
      %dma_wait3A = arith.constant 0 : i32
      %dma_wait3A_25 = arith.constant 0 : i32
      %dma_wait3A_26 = tpu.memref_slice %arg8[%dma_wait3A, %dma_wait3A_25] : memref<312x192xf32, #tpu.memory_space<vmem>> -> memref<32x192xf32, #tpu.memory_space<vmem>>
      %dma_wait3A_27 = arith.constant 0 : i32
      %dma_wait3A_28 = tpu.memref_slice %arg4[%mul3A_2, %dma_wait3A_27] : memref<512x192xf32, #tpu.memory_space<hbm>> -> memref<32x192xf32, #tpu.memory_space<hbm>>
      %dma_wait3A_29 = arith.constant 0 : i32
      %dma_wait3A_30 = arith.constant 0 : i32
      %dma_wait3A_31 = tpu.memref_slice %arg8[%dma_wait3A_29, %dma_wait3A_30] : memref<312x192xf32, #tpu.memory_space<vmem>> -> memref<32x192xf32, #tpu.memory_space<vmem>>
      %dma_wait3A_32 = arith.constant 0 : i32
      %dma_wait3A_33 = tpu.memref_slice %arg4[%mul3A_2, %dma_wait3A_32] : memref<512x192xf32, #tpu.memory_space<hbm>> -> memref<32x192xf32, #tpu.memory_space<hbm>>
      tpu.wait_dma2 semaphore(%run_scoped3A : memref<!tpu.dma_semaphore, #tpu.memory_space<semaphore_mem>>) src(%dma_wait3A_33 : memref<32x192xf32, #tpu.memory_space<hbm>>) dst(%dma_wait3A_31 : memref<32x192xf32, #tpu.memory_space<vmem>>)
      tpu.yield
    }) : () -> ()
    %mul3A_3 = arith.constant 32 : i32
    %mul3A_4 = arith.muli %arg1, %mul3A_3 : i32
    "tpu.region"() ({
      %run_scoped3A = tpu.sem_alloc : memref<!tpu.dma_semaphore, #tpu.memory_space<semaphore_mem>>
      %dma_start3A = arith.constant 0 : i32
      %dma_start3A_16 = arith.constant 0 : i32
      %dma_start3A_17 = tpu.memref_slice %arg8[%dma_start3A, %dma_start3A_16] : memref<312x192xf32, #tpu.memory_space<vmem>> -> memref<32x192xf32, #tpu.memory_space<vmem>>
      %dma_start3A_18 = arith.constant 0 : i32
      %dma_start3A_19 = tpu.memref_slice %arg10[%mul3A_4, %dma_start3A_18] : memref<512x192xf32, #tpu.memory_space<vmem_shared>> -> memref<32x192xf32, #tpu.memory_space<vmem_shared>>
      %dma_start3A_20 = arith.constant 0 : i32
      %dma_start3A_21 = tpu.memref_slice %arg10[%mul3A_4, %dma_start3A_20] : memref<512x192xf32, #tpu.memory_space<vmem_shared>> -> memref<32x192xf32, #tpu.memory_space<vmem_shared>>
      %dma_start3A_22 = arith.constant 0 : i32
      %dma_start3A_23 = arith.constant 0 : i32
      %dma_start3A_24 = tpu.memref_slice %arg8[%dma_start3A_22, %dma_start3A_23] : memref<312x192xf32, #tpu.memory_space<vmem>> -> memref<32x192xf32, #tpu.memory_space<vmem>>
      tpu.enqueue_dma source(%dma_start3A_24 : memref<32x192xf32, #tpu.memory_space<vmem>>) target(%dma_start3A_21 : memref<32x192xf32, #tpu.memory_space<vmem_shared>>) target_semaphore(%run_scoped3A : memref<!tpu.dma_semaphore, #tpu.memory_space<semaphore_mem>>)
      %dma_wait3A = arith.constant 0 : i32
      %dma_wait3A_25 = arith.constant 0 : i32
      %dma_wait3A_26 = tpu.memref_slice %arg8[%dma_wait3A, %dma_wait3A_25] : memref<312x192xf32, #tpu.memory_space<vmem>> -> memref<32x192xf32, #tpu.memory_space<vmem>>
      %dma_wait3A_27 = arith.constant 0 : i32
      %dma_wait3A_28 = tpu.memref_slice %arg10[%mul3A_4, %dma_wait3A_27] : memref<512x192xf32, #tpu.memory_space<vmem_shared>> -> memref<32x192xf32, #tpu.memory_space<vmem_shared>>
      %dma_wait3A_29 = arith.constant 0 : i32
      %dma_wait3A_30 = tpu.memref_slice %arg10[%mul3A_4, %dma_wait3A_29] : memref<512x192xf32, #tpu.memory_space<vmem_shared>> -> memref<32x192xf32, #tpu.memory_space<vmem_shared>>
      %dma_wait3A_31 = arith.constant 0 : i32
      %dma_wait3A_32 = arith.constant 0 : i32
      %dma_wait3A_33 = tpu.memref_slice %arg8[%dma_wait3A_31, %dma_wait3A_32] : memref<312x192xf32, #tpu.memory_space<vmem>> -> memref<32x192xf32, #tpu.memory_space<vmem>>
      tpu.wait_dma2 semaphore(%run_scoped3A : memref<!tpu.dma_semaphore, #tpu.memory_space<semaphore_mem>>) src(%dma_wait3A_33 : memref<32x192xf32, #tpu.memory_space<vmem>>) dst(%dma_wait3A_30 : memref<32x192xf32, #tpu.memory_space<vmem_shared>>)
      tpu.yield
    }) : () -> ()
    %barrier3A = arith.constant 0 : index
    tpu.barrier barrier_id(%barrier3A)
    %mul3A_5 = arith.constant 312 : i32
    %mul3A_6 = arith.muli %add3A, %mul3A_5 : i32
    "tpu.region"() ({
      %run_scoped3A = tpu.sem_alloc : memref<!tpu.dma_semaphore, #tpu.memory_space<semaphore_mem>>
      %dma_start3A = tpu.memref_slice %arg3[%mul3A_6] : memref<10000xi32, #tpu.memory_space<hbm>> -> memref<312xi32, #tpu.memory_space<hbm>>
      %dma_start3A_16 = tpu.memref_slice %arg3[%mul3A_6] : memref<10000xi32, #tpu.memory_space<hbm>> -> memref<312xi32, #tpu.memory_space<hbm>>
      tpu.enqueue_dma source(%dma_start3A_16 : memref<312xi32, #tpu.memory_space<hbm>>) target(%arg6 : memref<312xi32, #tpu.memory_space<vmem>>) target_semaphore(%run_scoped3A : memref<!tpu.dma_semaphore, #tpu.memory_space<semaphore_mem>>)
      %dma_wait3A = tpu.memref_slice %arg3[%mul3A_6] : memref<10000xi32, #tpu.memory_space<hbm>> -> memref<312xi32, #tpu.memory_space<hbm>>
      %dma_wait3A_17 = tpu.memref_slice %arg3[%mul3A_6] : memref<10000xi32, #tpu.memory_space<hbm>> -> memref<312xi32, #tpu.memory_space<hbm>>
      tpu.wait_dma2 semaphore(%run_scoped3A : memref<!tpu.dma_semaphore, #tpu.memory_space<semaphore_mem>>) src(%dma_wait3A_17 : memref<312xi32, #tpu.memory_space<hbm>>) dst(%arg6 : memref<312xi32, #tpu.memory_space<vmem>>)
      tpu.yield
    }) : () -> ()
    %mul3A_7 = arith.constant 312 : i32
    %mul3A_8 = arith.muli %add3A, %mul3A_7 : i32
    "tpu.region"() ({
      %run_scoped3A = tpu.sem_alloc : memref<!tpu.dma_semaphore, #tpu.memory_space<semaphore_mem>>
      %dma_start3A = arith.constant 0 : i32
      %dma_start3A_16 = tpu.memref_slice %arg2[%mul3A_8, %dma_start3A] : memref<10000x192xf32, #tpu.memory_space<hbm>> -> memref<312x192xf32, #tpu.memory_space<hbm>>
      %dma_start3A_17 = arith.constant 0 : i32
      %dma_start3A_18 = tpu.memref_slice %arg2[%mul3A_8, %dma_start3A_17] : memref<10000x192xf32, #tpu.memory_space<hbm>> -> memref<312x192xf32, #tpu.memory_space<hbm>>
      tpu.enqueue_dma source(%dma_start3A_18 : memref<312x192xf32, #tpu.memory_space<hbm>>) target(%arg8 : memref<312x192xf32, #tpu.memory_space<vmem>>) target_semaphore(%run_scoped3A : memref<!tpu.dma_semaphore, #tpu.memory_space<semaphore_mem>>)
      %dma_wait3A = arith.constant 0 : i32
      %dma_wait3A_19 = tpu.memref_slice %arg2[%mul3A_8, %dma_wait3A] : memref<10000x192xf32, #tpu.memory_space<hbm>> -> memref<312x192xf32, #tpu.memory_space<hbm>>
      %dma_wait3A_20 = arith.constant 0 : i32
      %dma_wait3A_21 = tpu.memref_slice %arg2[%mul3A_8, %dma_wait3A_20] : memref<10000x192xf32, #tpu.memory_space<hbm>> -> memref<312x192xf32, #tpu.memory_space<hbm>>
      tpu.wait_dma2 semaphore(%run_scoped3A : memref<!tpu.dma_semaphore, #tpu.memory_space<semaphore_mem>>) src(%dma_wait3A_21 : memref<312x192xf32, #tpu.memory_space<hbm>>) dst(%arg8 : memref<312x192xf32, #tpu.memory_space<vmem>>)
      tpu.yield
    }) : () -> ()
    "tpu.region"() ({
      %run_scoped3A = tpu.sem_alloc : memref<!tpu.dma_semaphore, #tpu.memory_space<semaphore_mem>>
      %dma_start3A = arith.constant 0 : i32
      %dma_start3A_16 = arith.constant 0 : i32
      %dma_start3A_17 = tpu.memref_slice %arg10[%dma_start3A, %dma_start3A_16] : memref<512x192xf32, #tpu.memory_space<vmem_shared>> -> memref<512x192xf32, #tpu.memory_space<vmem_shared>>
      tpu.enqueue_indirect_dma source(%arg8 : memref<312x192xf32, #tpu.memory_space<vmem>>) target(%dma_start3A_17 : memref<512x192xf32, #tpu.memory_space<vmem_shared>>) offsets(%arg6 : memref<312xi32, #tpu.memory_space<vmem>>) semaphore(%run_scoped3A : memref<!tpu.dma_semaphore, #tpu.memory_space<semaphore_mem>>) {add = true}
      %dma_wait3A = arith.constant 0 : i32
      %dma_wait3A_18 = arith.constant 0 : i32
      %dma_wait3A_19 = tpu.memref_slice %arg10[%dma_wait3A, %dma_wait3A_18] : memref<512x192xf32, #tpu.memory_space<vmem_shared>> -> memref<512x192xf32, #tpu.memory_space<vmem_shared>>
      tpu.wait_indirect_dma semaphore(%run_scoped3A : memref<!tpu.dma_semaphore, #tpu.memory_space<semaphore_mem>>) src(%arg8 : memref<312x192xf32, #tpu.memory_space<vmem>>) dst(%dma_wait3A_19 : memref<512x192xf32, #tpu.memory_space<vmem_shared>>)
      tpu.yield
    }) : () -> ()
    %eq3A = arith.constant 31 : i32
    %eq3A_9 = arith.cmpi eq, %add3A, %eq3A : i32
    %convert_element_type3A = arith.extui %eq3A_9 : i1 to i32
    %cond3A = arith.constant 0 : i32
    %cond3A_10 = arith.cmpi ne, %convert_element_type3A, %cond3A : i32
    scf.if %cond3A_10 {
      "tpu.region"() ({
        %run_scoped3A = tpu.sem_alloc : memref<!tpu.dma_semaphore, #tpu.memory_space<semaphore_mem>>
        %dma_start3A = arith.constant 9984 : i32
        %dma_start3A_16 = tpu.memref_slice %arg3[%dma_start3A] : memref<10000xi32, #tpu.memory_space<hbm>> -> memref<16xi32, #tpu.memory_space<hbm>>
        %dma_start3A_17 = arith.constant 9984 : i32
        %dma_start3A_18 = tpu.memref_slice %arg3[%dma_start3A_17] : memref<10000xi32, #tpu.memory_space<hbm>> -> memref<16xi32, #tpu.memory_space<hbm>>
        tpu.enqueue_dma source(%dma_start3A_18 : memref<16xi32, #tpu.memory_space<hbm>>) target(%arg7 : memref<16xi32, #tpu.memory_space<vmem>>) target_semaphore(%run_scoped3A : memref<!tpu.dma_semaphore, #tpu.memory_space<semaphore_mem>>)
        %dma_wait3A = arith.constant 9984 : i32
        %dma_wait3A_19 = tpu.memref_slice %arg3[%dma_wait3A] : memref<10000xi32, #tpu.memory_space<hbm>> -> memref<16xi32, #tpu.memory_space<hbm>>
        %dma_wait3A_20 = arith.constant 9984 : i32
        %dma_wait3A_21 = tpu.memref_slice %arg3[%dma_wait3A_20] : memref<10000xi32, #tpu.memory_space<hbm>> -> memref<16xi32, #tpu.memory_space<hbm>>
        tpu.wait_dma2 semaphore(%run_scoped3A : memref<!tpu.dma_semaphore, #tpu.memory_space<semaphore_mem>>) src(%dma_wait3A_21 : memref<16xi32, #tpu.memory_space<hbm>>) dst(%arg7 : memref<16xi32, #tpu.memory_space<vmem>>)
        tpu.yield
      }) : () -> ()
      "tpu.region"() ({
        %run_scoped3A = tpu.sem_alloc : memref<!tpu.dma_semaphore, #tpu.memory_space<semaphore_mem>>
        %dma_start3A = arith.constant 9984 : i32
        %dma_start3A_16 = arith.constant 0 : i32
        %dma_start3A_17 = tpu.memref_slice %arg2[%dma_start3A, %dma_start3A_16] : memref<10000x192xf32, #tpu.memory_space<hbm>> -> memref<16x192xf32, #tpu.memory_space<hbm>>
        %dma_start3A_18 = arith.constant 9984 : i32
        %dma_start3A_19 = arith.constant 0 : i32
        %dma_start3A_20 = tpu.memref_slice %arg2[%dma_start3A_18, %dma_start3A_19] : memref<10000x192xf32, #tpu.memory_space<hbm>> -> memref<16x192xf32, #tpu.memory_space<hbm>>
        tpu.enqueue_dma source(%dma_start3A_20 : memref<16x192xf32, #tpu.memory_space<hbm>>) target(%arg9 : memref<16x192xf32, #tpu.memory_space<vmem>>) target_semaphore(%run_scoped3A : memref<!tpu.dma_semaphore, #tpu.memory_space<semaphore_mem>>)
        %dma_wait3A = arith.constant 9984 : i32
        %dma_wait3A_21 = arith.constant 0 : i32
        %dma_wait3A_22 = tpu.memref_slice %arg2[%dma_wait3A, %dma_wait3A_21] : memref<10000x192xf32, #tpu.memory_space<hbm>> -> memref<16x192xf32, #tpu.memory_space<hbm>>
        %dma_wait3A_23 = arith.constant 9984 : i32
        %dma_wait3A_24 = arith.constant 0 : i32
        %dma_wait3A_25 = tpu.memref_slice %arg2[%dma_wait3A_23, %dma_wait3A_24] : memref<10000x192xf32, #tpu.memory_space<hbm>> -> memref<16x192xf32, #tpu.memory_space<hbm>>
        tpu.wait_dma2 semaphore(%run_scoped3A : memref<!tpu.dma_semaphore, #tpu.memory_space<semaphore_mem>>) src(%dma_wait3A_25 : memref<16x192xf32, #tpu.memory_space<hbm>>) dst(%arg9 : memref<16x192xf32, #tpu.memory_space<vmem>>)
        tpu.yield
      }) : () -> ()
      "tpu.region"() ({
        %run_scoped3A = tpu.sem_alloc : memref<!tpu.dma_semaphore, #tpu.memory_space<semaphore_mem>>
        %dma_start3A = arith.constant 0 : i32
        %dma_start3A_16 = arith.constant 0 : i32
        %dma_start3A_17 = tpu.memref_slice %arg10[%dma_start3A, %dma_start3A_16] : memref<512x192xf32, #tpu.memory_space<vmem_shared>> -> memref<512x192xf32, #tpu.memory_space<vmem_shared>>
        tpu.enqueue_indirect_dma source(%arg9 : memref<16x192xf32, #tpu.memory_space<vmem>>) target(%dma_start3A_17 : memref<512x192xf32, #tpu.memory_space<vmem_shared>>) offsets(%arg7 : memref<16xi32, #tpu.memory_space<vmem>>) semaphore(%run_scoped3A : memref<!tpu.dma_semaphore, #tpu.memory_space<semaphore_mem>>) {add = true}
        %dma_wait3A = arith.constant 0 : i32
        %dma_wait3A_18 = arith.constant 0 : i32
        %dma_wait3A_19 = tpu.memref_slice %arg10[%dma_wait3A, %dma_wait3A_18] : memref<512x192xf32, #tpu.memory_space<vmem_shared>> -> memref<512x192xf32, #tpu.memory_space<vmem_shared>>
        tpu.wait_indirect_dma semaphore(%run_scoped3A : memref<!tpu.dma_semaphore, #tpu.memory_space<semaphore_mem>>) src(%arg9 : memref<16x192xf32, #tpu.memory_space<vmem>>) dst(%dma_wait3A_19 : memref<512x192xf32, #tpu.memory_space<vmem_shared>>)
        tpu.yield
      }) : () -> ()
    } else {
    }
    %barrier3A_11 = arith.constant 0 : index
    tpu.barrier barrier_id(%barrier3A_11)
    %mul3A_12 = arith.constant 32 : i32
    %mul3A_13 = arith.muli %arg1, %mul3A_12 : i32
    "tpu.region"() ({
      %run_scoped3A = tpu.sem_alloc : memref<!tpu.dma_semaphore, #tpu.memory_space<semaphore_mem>>
      %dma_start3A = arith.constant 0 : i32
      %dma_start3A_16 = arith.constant 0 : i32
      %dma_start3A_17 = tpu.memref_slice %arg8[%dma_start3A, %dma_start3A_16] : memref<312x192xf32, #tpu.memory_space<vmem>> -> memref<32x192xf32, #tpu.memory_space<vmem>>
      %dma_start3A_18 = arith.constant 0 : i32
      %dma_start3A_19 = tpu.memref_slice %arg10[%mul3A_13, %dma_start3A_18] : memref<512x192xf32, #tpu.memory_space<vmem_shared>> -> memref<32x192xf32, #tpu.memory_space<vmem_shared>>
      %dma_start3A_20 = arith.constant 0 : i32
      %dma_start3A_21 = arith.constant 0 : i32
      %dma_start3A_22 = tpu.memref_slice %arg8[%dma_start3A_20, %dma_start3A_21] : memref<312x192xf32, #tpu.memory_space<vmem>> -> memref<32x192xf32, #tpu.memory_space<vmem>>
      %dma_start3A_23 = arith.constant 0 : i32
      %dma_start3A_24 = tpu.memref_slice %arg10[%mul3A_13, %dma_start3A_23] : memref<512x192xf32, #tpu.memory_space<vmem_shared>> -> memref<32x192xf32, #tpu.memory_space<vmem_shared>>
      tpu.enqueue_dma source(%dma_start3A_24 : memref<32x192xf32, #tpu.memory_space<vmem_shared>>) target(%dma_start3A_22 : memref<32x192xf32, #tpu.memory_space<vmem>>) target_semaphore(%run_scoped3A : memref<!tpu.dma_semaphore, #tpu.memory_space<semaphore_mem>>)
      %dma_wait3A = arith.constant 0 : i32
      %dma_wait3A_25 = arith.constant 0 : i32
      %dma_wait3A_26 = tpu.memref_slice %arg8[%dma_wait3A, %dma_wait3A_25] : memref<312x192xf32, #tpu.memory_space<vmem>> -> memref<32x192xf32, #tpu.memory_space<vmem>>
      %dma_wait3A_27 = arith.constant 0 : i32
      %dma_wait3A_28 = tpu.memref_slice %arg10[%mul3A_13, %dma_wait3A_27] : memref<512x192xf32, #tpu.memory_space<vmem_shared>> -> memref<32x192xf32, #tpu.memory_space<vmem_shared>>
      %dma_wait3A_29 = arith.constant 0 : i32
      %dma_wait3A_30 = arith.constant 0 : i32
      %dma_wait3A_31 = tpu.memref_slice %arg8[%dma_wait3A_29, %dma_wait3A_30] : memref<312x192xf32, #tpu.memory_space<vmem>> -> memref<32x192xf32, #tpu.memory_space<vmem>>
      %dma_wait3A_32 = arith.constant 0 : i32
      %dma_wait3A_33 = tpu.memref_slice %arg10[%mul3A_13, %dma_wait3A_32] : memref<512x192xf32, #tpu.memory_space<vmem_shared>> -> memref<32x192xf32, #tpu.memory_space<vmem_shared>>
      tpu.wait_dma2 semaphore(%run_scoped3A : memref<!tpu.dma_semaphore, #tpu.memory_space<semaphore_mem>>) src(%dma_wait3A_33 : memref<32x192xf32, #tpu.memory_space<vmem_shared>>) dst(%dma_wait3A_31 : memref<32x192xf32, #tpu.memory_space<vmem>>)
      tpu.yield
    }) : () -> ()
    %mul3A_14 = arith.constant 32 : i32
    %mul3A_15 = arith.muli %arg1, %mul3A_14 : i32
    "tpu.region"() ({
      %run_scoped3A = tpu.sem_alloc : memref<!tpu.dma_semaphore, #tpu.memory_space<semaphore_mem>>
      %dma_start3A = arith.constant 0 : i32
      %dma_start3A_16 = arith.constant 0 : i32
      %dma_start3A_17 = tpu.memref_slice %arg8[%dma_start3A, %dma_start3A_16] : memref<312x192xf32, #tpu.memory_space<vmem>> -> memref<32x192xf32, #tpu.memory_space<vmem>>
      %dma_start3A_18 = arith.constant 0 : i32
      %dma_start3A_19 = tpu.memref_slice %arg5[%arg0, %mul3A_15, %dma_start3A_18] : memref<2x512x192xf32, #tpu.memory_space<hbm>> -> memref<1x32x192xf32, #tpu.memory_space<hbm>>
      %dma_start3A_20 = tpu.memref_squeeze %dma_start3A_19 : memref<1x32x192xf32, #tpu.memory_space<hbm>> -> memref<32x192xf32, #tpu.memory_space<hbm>>
      %dma_start3A_21 = arith.constant 0 : i32
      %dma_start3A_22 = tpu.memref_slice %arg5[%arg0, %mul3A_15, %dma_start3A_21] : memref<2x512x192xf32, #tpu.memory_space<hbm>> -> memref<1x32x192xf32, #tpu.memory_space<hbm>>
      %dma_start3A_23 = tpu.memref_squeeze %dma_start3A_22 : memref<1x32x192xf32, #tpu.memory_space<hbm>> -> memref<32x192xf32, #tpu.memory_space<hbm>>
      %dma_start3A_24 = arith.constant 0 : i32
      %dma_start3A_25 = arith.constant 0 : i32
      %dma_start3A_26 = tpu.memref_slice %arg8[%dma_start3A_24, %dma_start3A_25] : memref<312x192xf32, #tpu.memory_space<vmem>> -> memref<32x192xf32, #tpu.memory_space<vmem>>
      tpu.enqueue_dma source(%dma_start3A_26 : memref<32x192xf32, #tpu.memory_space<vmem>>) target(%dma_start3A_23 : memref<32x192xf32, #tpu.memory_space<hbm>>) target_semaphore(%run_scoped3A : memref<!tpu.dma_semaphore, #tpu.memory_space<semaphore_mem>>)
      %dma_wait3A = arith.constant 0 : i32
      %dma_wait3A_27 = arith.constant 0 : i32
      %dma_wait3A_28 = tpu.memref_slice %arg8[%dma_wait3A, %dma_wait3A_27] : memref<312x192xf32, #tpu.memory_space<vmem>> -> memref<32x192xf32, #tpu.memory_space<vmem>>
      %dma_wait3A_29 = arith.constant 0 : i32
      %dma_wait3A_30 = tpu.memref_slice %arg5[%arg0, %mul3A_15, %dma_wait3A_29] : memref<2x512x192xf32, #tpu.memory_space<hbm>> -> memref<1x32x192xf32, #tpu.memory_space<hbm>>
      %dma_wait3A_31 = tpu.memref_squeeze %dma_wait3A_30 : memref<1x32x192xf32, #tpu.memory_space<hbm>> -> memref<32x192xf32, #tpu.memory_space<hbm>>
      %dma_wait3A_32 = arith.constant 0 : i32
      %dma_wait3A_33 = tpu.memref_slice %arg5[%arg0, %mul3A_15, %dma_wait3A_32] : memref<2x512x192xf32, #tpu.memory_space<hbm>> -> memref<1x32x192xf32, #tpu.memory_space<hbm>>
      %dma_wait3A_34 = tpu.memref_squeeze %dma_wait3A_33 : memref<1x32x192xf32, #tpu.memory_space<hbm>> -> memref<32x192xf32, #tpu.memory_space<hbm>>
      %dma_wait3A_35 = arith.constant 0 : i32
      %dma_wait3A_36 = arith.constant 0 : i32
      %dma_wait3A_37 = tpu.memref_slice %arg8[%dma_wait3A_35, %dma_wait3A_36] : memref<312x192xf32, #tpu.memory_space<vmem>> -> memref<32x192xf32, #tpu.memory_space<vmem>>
      tpu.wait_dma2 semaphore(%run_scoped3A : memref<!tpu.dma_semaphore, #tpu.memory_space<semaphore_mem>>) src(%dma_wait3A_37 : memref<32x192xf32, #tpu.memory_space<vmem>>) dst(%dma_wait3A_34 : memref<32x192xf32, #tpu.memory_space<hbm>>)
      tpu.yield
    }) : () -> ()
    return
  }
}

module attributes {stable_mosaic.version = 14 : i64} {
  func.func @body(%arg0: i32, %arg1: memref<2000x128xf32, #tpu.memory_space<vmem>>, %arg2: memref<2x2000x1xf32, #tpu.memory_space<vmem>>, %arg3: memref<128x128xf32, #tpu.memory_space<vmem>>, %arg4: memref<2000x1xf32, #tpu.memory_space<vmem>>, %arg5: memref<2000x64xf32, #tpu.memory_space<vmem>>, %arg6: memref<2000x64xf32, #tpu.memory_space<vmem>>) attributes {dimension_semantics = [#tpu.dimension_semantics<arbitrary>], iteration_bounds = array<i64: 5>, scalar_prefetch = 0 : i64, scratch_operands = 0 : i64, tpu.core_type = #tpu.core_type<tc>, window_params = [{transform_indices = @transform_0, window_bounds = array<i64: 2000, 128>}, {transform_indices = @transform_1, window_bounds = array<i64: 2, 2000, 1>}, {pipeline_mode = #tpu.pipeline_mode<synchronous>, transform_indices = @transform_2, window_bounds = array<i64: 128, 128>}, {transform_indices = @transform_3, window_bounds = array<i64: 2000, 1>}, {transform_indices = @transform_4, window_bounds = array<i64: 2000, 64>}, {transform_indices = @transform_5, window_bounds = array<i64: 2000, 64>}]} {
    %get3A = arith.constant 0 : index
    %get3A_0 = arith.constant 0 : index
    %get3A_1 = arith.constant 0 : index
    %get3A_2 = vector.load %arg2[%get3A, %get3A_0, %get3A_1] : memref<2x2000x1xf32, #tpu.memory_space<vmem>>, vector<1x2000x1xf32>
    %get3A_3 = vector.shape_cast %get3A_2 : vector<1x2000x1xf32> to vector<2000x1xf32>
    %get3A_4 = arith.constant 1 : index
    %get3A_5 = arith.constant 0 : index
    %get3A_6 = arith.constant 0 : index
    %get3A_7 = vector.load %arg2[%get3A_4, %get3A_5, %get3A_6] : memref<2x2000x1xf32, #tpu.memory_space<vmem>>, vector<1x2000x1xf32>
    %get3A_8 = vector.shape_cast %get3A_7 : vector<1x2000x1xf32> to vector<2000x1xf32>
    %add3A = arith.addf %get3A_3, %get3A_8 : vector<2000x1xf32>
    %gt3A = arith.constant 0.000000e+00 : f32
    %gt3A_9 = vector.broadcast %gt3A : f32 to vector<2000x1xf32>
    %gt3A_10 = arith.cmpf ogt, %add3A, %gt3A_9 : vector<2000x1xf32>
    %max3A = arith.constant 1.000000e+00 : f32
    %max3A_11 = vector.broadcast %max3A : f32 to vector<2000x1xf32>
    %max3A_12 = arith.maximumf %add3A, %max3A_11 : vector<2000x1xf32>
    %rsqrt3A = math.rsqrt %max3A_12 : vector<2000x1xf32>
    %jit3A = arith.constant 0.000000e+00 : f32
    %broadcast_in_dim3A = vector.broadcast %jit3A : f32 to vector<2000x1xf32>
    %select_n3A = arith.select %gt3A_10, %rsqrt3A, %broadcast_in_dim3A : vector<2000x1xi1>, vector<2000x1xf32>
    %get3A_13 = arith.constant 0 : index
    %get3A_14 = arith.constant 0 : index
    %get3A_15 = vector.load %arg1[%get3A_13, %get3A_14] : memref<2000x128xf32, #tpu.memory_space<vmem>>, vector<2000x128xf32>
    %get3A_16 = arith.constant 0 : index
    %get3A_17 = arith.constant 0 : index
    %get3A_18 = vector.load %arg3[%get3A_16, %get3A_17] : memref<128x128xf32, #tpu.memory_space<vmem>>, vector<128x128xf32>
    %dot_general3A = arith.constant dense<0.000000e+00> : vector<2000x128xf32>
    %dot_general3A_19 = tpu.matmul %get3A_15, %get3A_18, %dot_general3A {dimension_numbers = #tpu.dot_dimension_numbers<[1], [0], [0], [1], [0, 0, 1, 1], [], []>, transpose_lhs_hint = false} : vector<2000x128xf32>, vector<128x128xf32>, vector<2000x128xf32> -> vector<2000x128xf32>
    %swap3A = arith.constant 0 : index
    %swap3A_20 = arith.constant 0 : index
    %swap3A_21 = vector.load %arg4[%swap3A, %swap3A_20] : memref<2000x1xf32, #tpu.memory_space<vmem>>, vector<2000x1xf32>
    tpu.vector_store %arg4[%swap3A, %swap3A_20], %select_n3A {strides = array<i32>} : memref<2000x1xf32, #tpu.memory_space<vmem>>, vector<2000x1xf32>,
    %slice3A = vector.extract_strided_slice %dot_general3A_19 {offsets = [0, 0], sizes = [2000, 64], strides = [1, 1]} : vector<2000x128xf32> to vector<2000x64xf32>
    %swap3A_22 = arith.constant 0 : index
    %swap3A_23 = arith.constant 0 : index
    %swap3A_24 = vector.load %arg5[%swap3A_22, %swap3A_23] : memref<2000x64xf32, #tpu.memory_space<vmem>>, vector<2000x64xf32>
    tpu.vector_store %arg5[%swap3A_22, %swap3A_23], %slice3A {strides = array<i32>} : memref<2000x64xf32, #tpu.memory_space<vmem>>, vector<2000x64xf32>,
    %slice3A_25 = vector.extract_strided_slice %dot_general3A_19 {offsets = [0, 64], sizes = [2000, 64], strides = [1, 1]} : vector<2000x128xf32> to vector<2000x64xf32>
    %mul3A = vector.broadcast %select_n3A : vector<2000x1xf32> to vector<2000x64xf32>
    %mul3A_26 = arith.mulf %mul3A, %slice3A_25 : vector<2000x64xf32>
    %swap3A_27 = arith.constant 0 : index
    %swap3A_28 = arith.constant 0 : index
    %swap3A_29 = vector.load %arg6[%swap3A_27, %swap3A_28] : memref<2000x64xf32, #tpu.memory_space<vmem>>, vector<2000x64xf32>
    tpu.vector_store %arg6[%swap3A_27, %swap3A_28], %mul3A_26 {strides = array<i32>} : memref<2000x64xf32, #tpu.memory_space<vmem>>, vector<2000x64xf32>,
    return
  }
  func.func @transform_0(%arg0: i32) -> (i32, i32) {
    %c0_i32 = arith.constant 0 : i32
    %c0_i32_0 = arith.constant 0 : i32
    return %arg0, %c0_i32 : i32, i32
  }
  func.func @transform_1(%arg0: i32) -> (i32, i32, i32) {
    %c0_i32 = arith.constant 0 : i32
    %c0_i32_0 = arith.constant 0 : i32
    %c0_i32_1 = arith.constant 0 : i32
    return %c0_i32, %arg0, %c0_i32_0 : i32, i32, i32
  }
  func.func @transform_2(%arg0: i32) -> (i32, i32) {
    %c0_i32 = arith.constant 0 : i32
    %c0_i32_0 = arith.constant 0 : i32
    %c0_i32_1 = arith.constant 0 : i32
    return %c0_i32, %c0_i32_0 : i32, i32
  }
  func.func @transform_3(%arg0: i32) -> (i32, i32) {
    %c0_i32 = arith.constant 0 : i32
    %c0_i32_0 = arith.constant 0 : i32
    return %arg0, %c0_i32 : i32, i32
  }
  func.func @transform_4(%arg0: i32) -> (i32, i32) {
    %c0_i32 = arith.constant 0 : i32
    %c0_i32_0 = arith.constant 0 : i32
    return %arg0, %c0_i32 : i32, i32
  }
  func.func @transform_5(%arg0: i32) -> (i32, i32) {
    %c0_i32 = arith.constant 0 : i32
    %c0_i32_0 = arith.constant 0 : i32
    return %arg0, %c0_i32 : i32, i32
  }
}

module attributes {stable_mosaic.version = 14 : i64} {
  func.func @body(%arg0: i32, %arg1: memref<2000x64xf32, #tpu.memory_space<vmem>>, %arg2: memref<2x2000x64xf32, #tpu.memory_space<vmem>>, %arg3: memref<2000x1xf32, #tpu.memory_space<vmem>>, %arg4: memref<1x64xf32, #tpu.memory_space<vmem>>, %arg5: memref<1x64xf32, #tpu.memory_space<vmem>>, %arg6: memref<64x128xf32, #tpu.memory_space<vmem>>, %arg7: memref<2000x64xf32, #tpu.memory_space<vmem>>, %arg8: memref<2000x64xf32, #tpu.memory_space<vmem>>, %arg9: memref<2000x64xf32, #tpu.memory_space<vmem>>) attributes {dimension_semantics = [#tpu.dimension_semantics<arbitrary>], iteration_bounds = array<i64: 5>, scalar_prefetch = 0 : i64, scratch_operands = 0 : i64, tpu.core_type = #tpu.core_type<tc>, window_params = [{transform_indices = @transform_0, window_bounds = array<i64: 2000, 64>}, {transform_indices = @transform_1, window_bounds = array<i64: 2, 2000, 64>}, {transform_indices = @transform_2, window_bounds = array<i64: 2000, 1>}, {pipeline_mode = #tpu.pipeline_mode<synchronous>, transform_indices = @transform_3, window_bounds = array<i64: 1, 64>}, {pipeline_mode = #tpu.pipeline_mode<synchronous>, transform_indices = @transform_4, window_bounds = array<i64: 1, 64>}, {pipeline_mode = #tpu.pipeline_mode<synchronous>, transform_indices = @transform_5, window_bounds = array<i64: 64, 128>}, {transform_indices = @transform_6, window_bounds = array<i64: 2000, 64>}, {transform_indices = @transform_7, window_bounds = array<i64: 2000, 64>}, {transform_indices = @transform_8, window_bounds = array<i64: 2000, 64>}]} {
    %get3A = arith.constant 0 : index
    %get3A_0 = arith.constant 0 : index
    %get3A_1 = vector.load %arg3[%get3A, %get3A_0] : memref<2000x1xf32, #tpu.memory_space<vmem>>, vector<2000x1xf32>
    %get3A_2 = arith.constant 0 : index
    %get3A_3 = arith.constant 0 : index
    %get3A_4 = vector.load %arg1[%get3A_2, %get3A_3] : memref<2000x64xf32, #tpu.memory_space<vmem>>, vector<2000x64xf32>
    %get3A_5 = arith.constant 0 : index
    %get3A_6 = arith.constant 0 : index
    %get3A_7 = arith.constant 0 : index
    %get3A_8 = vector.load %arg2[%get3A_5, %get3A_6, %get3A_7] : memref<2x2000x64xf32, #tpu.memory_space<vmem>>, vector<1x2000x64xf32>
    %get3A_9 = vector.shape_cast %get3A_8 : vector<1x2000x64xf32> to vector<2000x64xf32>
    %get3A_10 = arith.constant 1 : index
    %get3A_11 = arith.constant 0 : index
    %get3A_12 = arith.constant 0 : index
    %get3A_13 = vector.load %arg2[%get3A_10, %get3A_11, %get3A_12] : memref<2x2000x64xf32, #tpu.memory_space<vmem>>, vector<1x2000x64xf32>
    %get3A_14 = vector.shape_cast %get3A_13 : vector<1x2000x64xf32> to vector<2000x64xf32>
    %add3A = arith.addf %get3A_9, %get3A_14 : vector<2000x64xf32>
    %mul3A = vector.broadcast %get3A_1 : vector<2000x1xf32> to vector<2000x64xf32>
    %mul3A_15 = arith.mulf %mul3A, %add3A : vector<2000x64xf32>
    %sub3A = arith.subf %get3A_4, %mul3A_15 : vector<2000x64xf32>
    %get3A_16 = arith.constant 0 : index
    %get3A_17 = arith.constant 0 : index
    %get3A_18 = vector.load %arg4[%get3A_16, %get3A_17] : memref<1x64xf32, #tpu.memory_space<vmem>>, vector<1x64xf32>
    %mul3A_19 = arith.constant 0.999994993 : f32
    %mul3A_20 = vector.broadcast %mul3A_19 : f32 to vector<1x64xf32>
    %mul3A_21 = arith.mulf %get3A_18, %mul3A_20 : vector<1x64xf32>
    %mul3A_22 = vector.broadcast %mul3A_21 : vector<1x64xf32> to vector<2000x64xf32>
    %mul3A_23 = arith.mulf %mul3A_22, %sub3A : vector<2000x64xf32>
    %get3A_24 = arith.constant 0 : index
    %get3A_25 = arith.constant 0 : index
    %get3A_26 = vector.load %arg5[%get3A_24, %get3A_25] : memref<1x64xf32, #tpu.memory_space<vmem>>, vector<1x64xf32>
    %add3A_27 = vector.broadcast %get3A_26 : vector<1x64xf32> to vector<2000x64xf32>
    %add3A_28 = arith.addf %mul3A_23, %add3A_27 : vector<2000x64xf32>
    %max3A = arith.constant 0.000000e+00 : f32
    %max3A_29 = vector.broadcast %max3A : f32 to vector<2000x64xf32>
    %max3A_30 = arith.maximumf %add3A_28, %max3A_29 : vector<2000x64xf32>
    %get3A_31 = arith.constant 0 : index
    %get3A_32 = arith.constant 0 : index
    %get3A_33 = vector.load %arg6[%get3A_31, %get3A_32] : memref<64x128xf32, #tpu.memory_space<vmem>>, vector<64x128xf32>
    %dot_general3A = arith.constant dense<0.000000e+00> : vector<2000x128xf32>
    %dot_general3A_34 = tpu.matmul %max3A_30, %get3A_33, %dot_general3A {dimension_numbers = #tpu.dot_dimension_numbers<[1], [0], [0], [1], [0, 0, 1, 1], [], []>, transpose_lhs_hint = false} : vector<2000x64xf32>, vector<64x128xf32>, vector<2000x128xf32> -> vector<2000x128xf32>
    %swap3A = arith.constant 0 : index
    %swap3A_35 = arith.constant 0 : index
    %swap3A_36 = vector.load %arg7[%swap3A, %swap3A_35] : memref<2000x64xf32, #tpu.memory_space<vmem>>, vector<2000x64xf32>
    tpu.vector_store %arg7[%swap3A, %swap3A_35], %max3A_30 {strides = array<i32>} : memref<2000x64xf32, #tpu.memory_space<vmem>>, vector<2000x64xf32>,
    %slice3A = vector.extract_strided_slice %dot_general3A_34 {offsets = [0, 0], sizes = [2000, 64], strides = [1, 1]} : vector<2000x128xf32> to vector<2000x64xf32>
    %swap3A_37 = arith.constant 0 : index
    %swap3A_38 = arith.constant 0 : index
    %swap3A_39 = vector.load %arg8[%swap3A_37, %swap3A_38] : memref<2000x64xf32, #tpu.memory_space<vmem>>, vector<2000x64xf32>
    tpu.vector_store %arg8[%swap3A_37, %swap3A_38], %slice3A {strides = array<i32>} : memref<2000x64xf32, #tpu.memory_space<vmem>>, vector<2000x64xf32>,
    %slice3A_40 = vector.extract_strided_slice %dot_general3A_34 {offsets = [0, 64], sizes = [2000, 64], strides = [1, 1]} : vector<2000x128xf32> to vector<2000x64xf32>
    %mul3A_41 = vector.broadcast %get3A_1 : vector<2000x1xf32> to vector<2000x64xf32>
    %mul3A_42 = arith.mulf %mul3A_41, %slice3A_40 : vector<2000x64xf32>
    %swap3A_43 = arith.constant 0 : index
    %swap3A_44 = arith.constant 0 : index
    %swap3A_45 = vector.load %arg9[%swap3A_43, %swap3A_44] : memref<2000x64xf32, #tpu.memory_space<vmem>>, vector<2000x64xf32>
    tpu.vector_store %arg9[%swap3A_43, %swap3A_44], %mul3A_42 {strides = array<i32>} : memref<2000x64xf32, #tpu.memory_space<vmem>>, vector<2000x64xf32>,
    return
  }
  func.func @transform_0(%arg0: i32) -> (i32, i32) {
    %c0_i32 = arith.constant 0 : i32
    %c0_i32_0 = arith.constant 0 : i32
    return %arg0, %c0_i32 : i32, i32
  }
  func.func @transform_1(%arg0: i32) -> (i32, i32, i32) {
    %c0_i32 = arith.constant 0 : i32
    %c0_i32_0 = arith.constant 0 : i32
    %c0_i32_1 = arith.constant 0 : i32
    return %c0_i32, %arg0, %c0_i32_0 : i32, i32, i32
  }
  func.func @transform_2(%arg0: i32) -> (i32, i32) {
    %c0_i32 = arith.constant 0 : i32
    %c0_i32_0 = arith.constant 0 : i32
    return %arg0, %c0_i32 : i32, i32
  }
  func.func @transform_3(%arg0: i32) -> (i32, i32) {
    %c0_i32 = arith.constant 0 : i32
    %c0_i32_0 = arith.constant 0 : i32
    %c0_i32_1 = arith.constant 0 : i32
    return %c0_i32, %c0_i32_0 : i32, i32
  }
  func.func @transform_4(%arg0: i32) -> (i32, i32) {
    %c0_i32 = arith.constant 0 : i32
    %c0_i32_0 = arith.constant 0 : i32
    %c0_i32_1 = arith.constant 0 : i32
    return %c0_i32, %c0_i32_0 : i32, i32
  }
  func.func @transform_5(%arg0: i32) -> (i32, i32) {
    %c0_i32 = arith.constant 0 : i32
    %c0_i32_0 = arith.constant 0 : i32
    %c0_i32_1 = arith.constant 0 : i32
    return %c0_i32, %c0_i32_0 : i32, i32
  }
  func.func @transform_6(%arg0: i32) -> (i32, i32) {
    %c0_i32 = arith.constant 0 : i32
    %c0_i32_0 = arith.constant 0 : i32
    return %arg0, %c0_i32 : i32, i32
  }
  func.func @transform_7(%arg0: i32) -> (i32, i32) {
    %c0_i32 = arith.constant 0 : i32
    %c0_i32_0 = arith.constant 0 : i32
    return %arg0, %c0_i32 : i32, i32
  }
  func.func @transform_8(%arg0: i32) -> (i32, i32) {
    %c0_i32 = arith.constant 0 : i32
    %c0_i32_0 = arith.constant 0 : i32
    return %arg0, %c0_i32 : i32, i32
  }
}

module attributes {stable_mosaic.version = 14 : i64} {
  func.func @body(%arg0: i32, %arg1: memref<2000x64xf32, #tpu.memory_space<vmem>>, %arg2: memref<2x2000x64xf32, #tpu.memory_space<vmem>>, %arg3: memref<2000x1xf32, #tpu.memory_space<vmem>>, %arg4: memref<1x64xf32, #tpu.memory_space<vmem>>, %arg5: memref<1x64xf32, #tpu.memory_space<vmem>>, %arg6: memref<64x128xf32, #tpu.memory_space<vmem>>, %arg7: memref<2000x64xf32, #tpu.memory_space<vmem>>, %arg8: memref<2000x64xf32, #tpu.memory_space<vmem>>, %arg9: memref<2000x64xf32, #tpu.memory_space<vmem>>) attributes {dimension_semantics = [#tpu.dimension_semantics<arbitrary>], iteration_bounds = array<i64: 5>, scalar_prefetch = 0 : i64, scratch_operands = 0 : i64, tpu.core_type = #tpu.core_type<tc>, window_params = [{transform_indices = @transform_0, window_bounds = array<i64: 2000, 64>}, {transform_indices = @transform_1, window_bounds = array<i64: 2, 2000, 64>}, {transform_indices = @transform_2, window_bounds = array<i64: 2000, 1>}, {pipeline_mode = #tpu.pipeline_mode<synchronous>, transform_indices = @transform_3, window_bounds = array<i64: 1, 64>}, {pipeline_mode = #tpu.pipeline_mode<synchronous>, transform_indices = @transform_4, window_bounds = array<i64: 1, 64>}, {pipeline_mode = #tpu.pipeline_mode<synchronous>, transform_indices = @transform_5, window_bounds = array<i64: 64, 128>}, {transform_indices = @transform_6, window_bounds = array<i64: 2000, 64>}, {transform_indices = @transform_7, window_bounds = array<i64: 2000, 64>}, {transform_indices = @transform_8, window_bounds = array<i64: 2000, 64>}]} {
    %get3A = arith.constant 0 : index
    %get3A_0 = arith.constant 0 : index
    %get3A_1 = vector.load %arg3[%get3A, %get3A_0] : memref<2000x1xf32, #tpu.memory_space<vmem>>, vector<2000x1xf32>
    %get3A_2 = arith.constant 0 : index
    %get3A_3 = arith.constant 0 : index
    %get3A_4 = vector.load %arg1[%get3A_2, %get3A_3] : memref<2000x64xf32, #tpu.memory_space<vmem>>, vector<2000x64xf32>
    %get3A_5 = arith.constant 0 : index
    %get3A_6 = arith.constant 0 : index
    %get3A_7 = arith.constant 0 : index
    %get3A_8 = vector.load %arg2[%get3A_5, %get3A_6, %get3A_7] : memref<2x2000x64xf32, #tpu.memory_space<vmem>>, vector<1x2000x64xf32>
    %get3A_9 = vector.shape_cast %get3A_8 : vector<1x2000x64xf32> to vector<2000x64xf32>
    %get3A_10 = arith.constant 1 : index
    %get3A_11 = arith.constant 0 : index
    %get3A_12 = arith.constant 0 : index
    %get3A_13 = vector.load %arg2[%get3A_10, %get3A_11, %get3A_12] : memref<2x2000x64xf32, #tpu.memory_space<vmem>>, vector<1x2000x64xf32>
    %get3A_14 = vector.shape_cast %get3A_13 : vector<1x2000x64xf32> to vector<2000x64xf32>
    %add3A = arith.addf %get3A_9, %get3A_14 : vector<2000x64xf32>
    %mul3A = vector.broadcast %get3A_1 : vector<2000x1xf32> to vector<2000x64xf32>
    %mul3A_15 = arith.mulf %mul3A, %add3A : vector<2000x64xf32>
    %sub3A = arith.subf %get3A_4, %mul3A_15 : vector<2000x64xf32>
    %get3A_16 = arith.constant 0 : index
    %get3A_17 = arith.constant 0 : index
    %get3A_18 = vector.load %arg4[%get3A_16, %get3A_17] : memref<1x64xf32, #tpu.memory_space<vmem>>, vector<1x64xf32>
    %mul3A_19 = arith.constant 0.999994993 : f32
    %mul3A_20 = vector.broadcast %mul3A_19 : f32 to vector<1x64xf32>
    %mul3A_21 = arith.mulf %get3A_18, %mul3A_20 : vector<1x64xf32>
    %max3A = arith.constant 0.000000e+00 : f32
    %max3A_22 = vector.broadcast %max3A : f32 to vector<2000x64xf32>
    %max3A_23 = arith.maximumf %sub3A, %max3A_22 : vector<2000x64xf32>
    %mul3A_24 = vector.broadcast %mul3A_21 : vector<1x64xf32> to vector<2000x64xf32>
    %mul3A_25 = arith.mulf %mul3A_24, %max3A_23 : vector<2000x64xf32>
    %get3A_26 = arith.constant 0 : index
    %get3A_27 = arith.constant 0 : index
    %get3A_28 = vector.load %arg5[%get3A_26, %get3A_27] : memref<1x64xf32, #tpu.memory_space<vmem>>, vector<1x64xf32>
    %add3A_29 = vector.broadcast %get3A_28 : vector<1x64xf32> to vector<2000x64xf32>
    %add3A_30 = arith.addf %mul3A_25, %add3A_29 : vector<2000x64xf32>
    %get3A_31 = arith.constant 0 : index
    %get3A_32 = arith.constant 0 : index
    %get3A_33 = vector.load %arg6[%get3A_31, %get3A_32] : memref<64x128xf32, #tpu.memory_space<vmem>>, vector<64x128xf32>
    %dot_general3A = arith.constant dense<0.000000e+00> : vector<2000x128xf32>
    %dot_general3A_34 = tpu.matmul %add3A_30, %get3A_33, %dot_general3A {dimension_numbers = #tpu.dot_dimension_numbers<[1], [0], [0], [1], [0, 0, 1, 1], [], []>, transpose_lhs_hint = false} : vector<2000x64xf32>, vector<64x128xf32>, vector<2000x128xf32> -> vector<2000x128xf32>
    %swap3A = arith.constant 0 : index
    %swap3A_35 = arith.constant 0 : index
    %swap3A_36 = vector.load %arg7[%swap3A, %swap3A_35] : memref<2000x64xf32, #tpu.memory_space<vmem>>, vector<2000x64xf32>
    tpu.vector_store %arg7[%swap3A, %swap3A_35], %add3A_30 {strides = array<i32>} : memref<2000x64xf32, #tpu.memory_space<vmem>>, vector<2000x64xf32>,
    %slice3A = vector.extract_strided_slice %dot_general3A_34 {offsets = [0, 0], sizes = [2000, 64], strides = [1, 1]} : vector<2000x128xf32> to vector<2000x64xf32>
    %swap3A_37 = arith.constant 0 : index
    %swap3A_38 = arith.constant 0 : index
    %swap3A_39 = vector.load %arg8[%swap3A_37, %swap3A_38] : memref<2000x64xf32, #tpu.memory_space<vmem>>, vector<2000x64xf32>
    tpu.vector_store %arg8[%swap3A_37, %swap3A_38], %slice3A {strides = array<i32>} : memref<2000x64xf32, #tpu.memory_space<vmem>>, vector<2000x64xf32>,
    %slice3A_40 = vector.extract_strided_slice %dot_general3A_34 {offsets = [0, 64], sizes = [2000, 64], strides = [1, 1]} : vector<2000x128xf32> to vector<2000x64xf32>
    %mul3A_41 = vector.broadcast %get3A_1 : vector<2000x1xf32> to vector<2000x64xf32>
    %mul3A_42 = arith.mulf %mul3A_41, %slice3A_40 : vector<2000x64xf32>
    %swap3A_43 = arith.constant 0 : index
    %swap3A_44 = arith.constant 0 : index
    %swap3A_45 = vector.load %arg9[%swap3A_43, %swap3A_44] : memref<2000x64xf32, #tpu.memory_space<vmem>>, vector<2000x64xf32>
    tpu.vector_store %arg9[%swap3A_43, %swap3A_44], %mul3A_42 {strides = array<i32>} : memref<2000x64xf32, #tpu.memory_space<vmem>>, vector<2000x64xf32>,
    return
  }
  func.func @transform_0(%arg0: i32) -> (i32, i32) {
    %c0_i32 = arith.constant 0 : i32
    %c0_i32_0 = arith.constant 0 : i32
    return %arg0, %c0_i32 : i32, i32
  }
  func.func @transform_1(%arg0: i32) -> (i32, i32, i32) {
    %c0_i32 = arith.constant 0 : i32
    %c0_i32_0 = arith.constant 0 : i32
    %c0_i32_1 = arith.constant 0 : i32
    return %c0_i32, %arg0, %c0_i32_0 : i32, i32, i32
  }
  func.func @transform_2(%arg0: i32) -> (i32, i32) {
    %c0_i32 = arith.constant 0 : i32
    %c0_i32_0 = arith.constant 0 : i32
    return %arg0, %c0_i32 : i32, i32
  }
  func.func @transform_3(%arg0: i32) -> (i32, i32) {
    %c0_i32 = arith.constant 0 : i32
    %c0_i32_0 = arith.constant 0 : i32
    %c0_i32_1 = arith.constant 0 : i32
    return %c0_i32, %c0_i32_0 : i32, i32
  }
  func.func @transform_4(%arg0: i32) -> (i32, i32) {
    %c0_i32 = arith.constant 0 : i32
    %c0_i32_0 = arith.constant 0 : i32
    %c0_i32_1 = arith.constant 0 : i32
    return %c0_i32, %c0_i32_0 : i32, i32
  }
  func.func @transform_5(%arg0: i32) -> (i32, i32) {
    %c0_i32 = arith.constant 0 : i32
    %c0_i32_0 = arith.constant 0 : i32
    %c0_i32_1 = arith.constant 0 : i32
    return %c0_i32, %c0_i32_0 : i32, i32
  }
  func.func @transform_6(%arg0: i32) -> (i32, i32) {
    %c0_i32 = arith.constant 0 : i32
    %c0_i32_0 = arith.constant 0 : i32
    return %arg0, %c0_i32 : i32, i32
  }
  func.func @transform_7(%arg0: i32) -> (i32, i32) {
    %c0_i32 = arith.constant 0 : i32
    %c0_i32_0 = arith.constant 0 : i32
    return %arg0, %c0_i32 : i32, i32
  }
  func.func @transform_8(%arg0: i32) -> (i32, i32) {
    %c0_i32 = arith.constant 0 : i32
    %c0_i32_0 = arith.constant 0 : i32
    return %arg0, %c0_i32 : i32, i32
  }
}

module attributes {stable_mosaic.version = 14 : i64} {
  func.func @body(%arg0: i32, %arg1: memref<2000x64xf32, #tpu.memory_space<vmem>>, %arg2: memref<2x2000x64xf32, #tpu.memory_space<vmem>>, %arg3: memref<2000x1xf32, #tpu.memory_space<vmem>>, %arg4: memref<1x64xf32, #tpu.memory_space<vmem>>, %arg5: memref<1x64xf32, #tpu.memory_space<vmem>>, %arg6: memref<2000x64xf32, #tpu.memory_space<vmem>>, %arg7: memref<2000x64xf32, #tpu.memory_space<vmem>>, %arg8: memref<2000x192xf32, #tpu.memory_space<vmem>>) attributes {dimension_semantics = [#tpu.dimension_semantics<arbitrary>], iteration_bounds = array<i64: 5>, scalar_prefetch = 0 : i64, scratch_operands = 0 : i64, tpu.core_type = #tpu.core_type<tc>, window_params = [{transform_indices = @transform_0, window_bounds = array<i64: 2000, 64>}, {transform_indices = @transform_1, window_bounds = array<i64: 2, 2000, 64>}, {transform_indices = @transform_2, window_bounds = array<i64: 2000, 1>}, {pipeline_mode = #tpu.pipeline_mode<synchronous>, transform_indices = @transform_3, window_bounds = array<i64: 1, 64>}, {pipeline_mode = #tpu.pipeline_mode<synchronous>, transform_indices = @transform_4, window_bounds = array<i64: 1, 64>}, {transform_indices = @transform_5, window_bounds = array<i64: 2000, 64>}, {transform_indices = @transform_6, window_bounds = array<i64: 2000, 64>}, {transform_indices = @transform_7, window_bounds = array<i64: 2000, 192>}]} {
    %get3A = arith.constant 0 : index
    %get3A_0 = arith.constant 0 : index
    %get3A_1 = vector.load %arg1[%get3A, %get3A_0] : memref<2000x64xf32, #tpu.memory_space<vmem>>, vector<2000x64xf32>
    %get3A_2 = arith.constant 0 : index
    %get3A_3 = arith.constant 0 : index
    %get3A_4 = vector.load %arg3[%get3A_2, %get3A_3] : memref<2000x1xf32, #tpu.memory_space<vmem>>, vector<2000x1xf32>
    %get3A_5 = arith.constant 0 : index
    %get3A_6 = arith.constant 0 : index
    %get3A_7 = arith.constant 0 : index
    %get3A_8 = vector.load %arg2[%get3A_5, %get3A_6, %get3A_7] : memref<2x2000x64xf32, #tpu.memory_space<vmem>>, vector<1x2000x64xf32>
    %get3A_9 = vector.shape_cast %get3A_8 : vector<1x2000x64xf32> to vector<2000x64xf32>
    %get3A_10 = arith.constant 1 : index
    %get3A_11 = arith.constant 0 : index
    %get3A_12 = arith.constant 0 : index
    %get3A_13 = vector.load %arg2[%get3A_10, %get3A_11, %get3A_12] : memref<2x2000x64xf32, #tpu.memory_space<vmem>>, vector<1x2000x64xf32>
    %get3A_14 = vector.shape_cast %get3A_13 : vector<1x2000x64xf32> to vector<2000x64xf32>
    %add3A = arith.addf %get3A_9, %get3A_14 : vector<2000x64xf32>
    %mul3A = vector.broadcast %get3A_4 : vector<2000x1xf32> to vector<2000x64xf32>
    %mul3A_15 = arith.mulf %mul3A, %add3A : vector<2000x64xf32>
    %sub3A = arith.subf %get3A_1, %mul3A_15 : vector<2000x64xf32>
    %get3A_16 = arith.constant 0 : index
    %get3A_17 = arith.constant 0 : index
    %get3A_18 = vector.load %arg4[%get3A_16, %get3A_17] : memref<1x64xf32, #tpu.memory_space<vmem>>, vector<1x64xf32>
    %mul3A_19 = arith.constant 0.999994993 : f32
    %mul3A_20 = vector.broadcast %mul3A_19 : f32 to vector<1x64xf32>
    %mul3A_21 = arith.mulf %get3A_18, %mul3A_20 : vector<1x64xf32>
    %max3A = arith.constant 0.000000e+00 : f32
    %max3A_22 = vector.broadcast %max3A : f32 to vector<2000x64xf32>
    %max3A_23 = arith.maximumf %sub3A, %max3A_22 : vector<2000x64xf32>
    %mul3A_24 = vector.broadcast %mul3A_21 : vector<1x64xf32> to vector<2000x64xf32>
    %mul3A_25 = arith.mulf %mul3A_24, %max3A_23 : vector<2000x64xf32>
    %get3A_26 = arith.constant 0 : index
    %get3A_27 = arith.constant 0 : index
    %get3A_28 = vector.load %arg5[%get3A_26, %get3A_27] : memref<1x64xf32, #tpu.memory_space<vmem>>, vector<1x64xf32>
    %add3A_29 = vector.broadcast %get3A_28 : vector<1x64xf32> to vector<2000x64xf32>
    %add3A_30 = arith.addf %mul3A_25, %add3A_29 : vector<2000x64xf32>
    %get3A_31 = arith.constant 0 : index
    %get3A_32 = arith.constant 0 : index
    %get3A_33 = vector.load %arg6[%get3A_31, %get3A_32] : memref<2000x64xf32, #tpu.memory_space<vmem>>, vector<2000x64xf32>
    %get3A_34 = arith.constant 0 : index
    %get3A_35 = arith.constant 0 : index
    %get3A_36 = vector.load %arg7[%get3A_34, %get3A_35] : memref<2000x64xf32, #tpu.memory_space<vmem>>, vector<2000x64xf32>
    %concatenate3A = tpu.concatenate %get3A_33, %get3A_36, %add3A_30 in 1 : vector<2000x64xf32>, vector<2000x64xf32>, vector<2000x64xf32> -> vector<2000x192xf32>
    %swap3A = arith.constant 0 : index
    %swap3A_37 = arith.constant 0 : index
    %swap3A_38 = vector.load %arg8[%swap3A, %swap3A_37] : memref<2000x192xf32, #tpu.memory_space<vmem>>, vector<2000x192xf32>
    tpu.vector_store %arg8[%swap3A, %swap3A_37], %concatenate3A {strides = array<i32>} : memref<2000x192xf32, #tpu.memory_space<vmem>>, vector<2000x192xf32>,
    return
  }
  func.func @transform_0(%arg0: i32) -> (i32, i32) {
    %c0_i32 = arith.constant 0 : i32
    %c0_i32_0 = arith.constant 0 : i32
    return %arg0, %c0_i32 : i32, i32
  }
  func.func @transform_1(%arg0: i32) -> (i32, i32, i32) {
    %c0_i32 = arith.constant 0 : i32
    %c0_i32_0 = arith.constant 0 : i32
    %c0_i32_1 = arith.constant 0 : i32
    return %c0_i32, %arg0, %c0_i32_0 : i32, i32, i32
  }
  func.func @transform_2(%arg0: i32) -> (i32, i32) {
    %c0_i32 = arith.constant 0 : i32
    %c0_i32_0 = arith.constant 0 : i32
    return %arg0, %c0_i32 : i32, i32
  }
  func.func @transform_3(%arg0: i32) -> (i32, i32) {
    %c0_i32 = arith.constant 0 : i32
    %c0_i32_0 = arith.constant 0 : i32
    %c0_i32_1 = arith.constant 0 : i32
    return %c0_i32, %c0_i32_0 : i32, i32
  }
  func.func @transform_4(%arg0: i32) -> (i32, i32) {
    %c0_i32 = arith.constant 0 : i32
    %c0_i32_0 = arith.constant 0 : i32
    %c0_i32_1 = arith.constant 0 : i32
    return %c0_i32, %c0_i32_0 : i32, i32
  }
  func.func @transform_5(%arg0: i32) -> (i32, i32) {
    %c0_i32 = arith.constant 0 : i32
    %c0_i32_0 = arith.constant 0 : i32
    return %arg0, %c0_i32 : i32, i32
  }
  func.func @transform_6(%arg0: i32) -> (i32, i32) {
    %c0_i32 = arith.constant 0 : i32
    %c0_i32_0 = arith.constant 0 : i32
    return %arg0, %c0_i32 : i32, i32
  }
  func.func @transform_7(%arg0: i32) -> (i32, i32) {
    %c0_i32 = arith.constant 0 : i32
    %c0_i32_0 = arith.constant 0 : i32
    return %arg0, %c0_i32 : i32, i32
  }
}

module attributes {stable_mosaic.version = 14 : i64} {
  func.func @body(%arg0: memref<2x512x192xf32, #tpu.memory_space<vmem>>, %arg1: memref<2x512x1xf32, #tpu.memory_space<vmem>>, %arg2: memref<192x256xf32, #tpu.memory_space<vmem>>, %arg3: memref<1x256xf32, #tpu.memory_space<vmem>>, %arg4: memref<1x256xf32, #tpu.memory_space<vmem>>, %arg5: memref<1x256xf32, #tpu.memory_space<vmem>>, %arg6: memref<256x2xf32, #tpu.memory_space<vmem>>, %arg7: memref<1x2xf32, #tpu.memory_space<vmem>>, %arg8: memref<512x192xf32, #tpu.memory_space<vmem>>, %arg9: memref<512x2xf32, #tpu.memory_space<vmem>>) attributes {dimension_semantics = [], scalar_prefetch = 0 : i64, scratch_operands = 0 : i64, tpu.core_type = #tpu.core_type<tc>} {
    %get3A = arith.constant 0 : index
    %get3A_0 = arith.constant 0 : index
    %get3A_1 = arith.constant 0 : index
    %get3A_2 = vector.load %arg0[%get3A, %get3A_0, %get3A_1] : memref<2x512x192xf32, #tpu.memory_space<vmem>>, vector<1x512x192xf32>
    %get3A_3 = vector.shape_cast %get3A_2 : vector<1x512x192xf32> to vector<512x192xf32>
    %get3A_4 = arith.constant 1 : index
    %get3A_5 = arith.constant 0 : index
    %get3A_6 = arith.constant 0 : index
    %get3A_7 = vector.load %arg0[%get3A_4, %get3A_5, %get3A_6] : memref<2x512x192xf32, #tpu.memory_space<vmem>>, vector<1x512x192xf32>
    %get3A_8 = vector.shape_cast %get3A_7 : vector<1x512x192xf32> to vector<512x192xf32>
    %add3A = arith.addf %get3A_3, %get3A_8 : vector<512x192xf32>
    %get3A_9 = arith.constant 0 : index
    %get3A_10 = arith.constant 0 : index
    %get3A_11 = arith.constant 0 : index
    %get3A_12 = vector.load %arg1[%get3A_9, %get3A_10, %get3A_11] : memref<2x512x1xf32, #tpu.memory_space<vmem>>, vector<1x512x1xf32>
    %get3A_13 = vector.shape_cast %get3A_12 : vector<1x512x1xf32> to vector<512x1xf32>
    %get3A_14 = arith.constant 1 : index
    %get3A_15 = arith.constant 0 : index
    %get3A_16 = arith.constant 0 : index
    %get3A_17 = vector.load %arg1[%get3A_14, %get3A_15, %get3A_16] : memref<2x512x1xf32, #tpu.memory_space<vmem>>, vector<1x512x1xf32>
    %get3A_18 = vector.shape_cast %get3A_17 : vector<1x512x1xf32> to vector<512x1xf32>
    %add3A_19 = arith.addf %get3A_13, %get3A_18 : vector<512x1xf32>
    %max3A = arith.constant 1.000000e+00 : f32
    %max3A_20 = vector.broadcast %max3A : f32 to vector<512x1xf32>
    %max3A_21 = arith.maximumf %add3A_19, %max3A_20 : vector<512x1xf32>
    %div3A = vector.broadcast %max3A_21 : vector<512x1xf32> to vector<512x192xf32>
    %div3A_22 = arith.divf %add3A, %div3A : vector<512x192xf32>
    %get3A_23 = arith.constant 0 : index
    %get3A_24 = arith.constant 0 : index
    %get3A_25 = vector.load %arg2[%get3A_23, %get3A_24] : memref<192x256xf32, #tpu.memory_space<vmem>>, vector<192x256xf32>
    %dot_general3A = arith.constant dense<0.000000e+00> : vector<512x256xf32>
    %dot_general3A_26 = tpu.matmul %div3A_22, %get3A_25, %dot_general3A {dimension_numbers = #tpu.dot_dimension_numbers<[1], [0], [0], [1], [0, 0, 1, 1], [], []>, transpose_lhs_hint = false} : vector<512x192xf32>, vector<192x256xf32>, vector<512x256xf32> -> vector<512x256xf32>
    %get3A_27 = arith.constant 0 : index
    %get3A_28 = arith.constant 0 : index
    %get3A_29 = vector.load %arg3[%get3A_27, %get3A_28] : memref<1x256xf32, #tpu.memory_space<vmem>>, vector<1x256xf32>
    %add3A_30 = vector.broadcast %get3A_29 : vector<1x256xf32> to vector<512x256xf32>
    %add3A_31 = arith.addf %dot_general3A_26, %add3A_30 : vector<512x256xf32>
    %max3A_32 = arith.constant 0.000000e+00 : f32
    %max3A_33 = vector.broadcast %max3A_32 : f32 to vector<512x256xf32>
    %max3A_34 = arith.maximumf %add3A_31, %max3A_33 : vector<512x256xf32>
    %get3A_35 = arith.constant 0 : index
    %get3A_36 = arith.constant 0 : index
    %get3A_37 = vector.load %arg4[%get3A_35, %get3A_36] : memref<1x256xf32, #tpu.memory_space<vmem>>, vector<1x256xf32>
    %mul3A = arith.constant 0.999994993 : f32
    %mul3A_38 = vector.broadcast %mul3A : f32 to vector<1x256xf32>
    %mul3A_39 = arith.mulf %get3A_37, %mul3A_38 : vector<1x256xf32>
    %mul3A_40 = vector.broadcast %mul3A_39 : vector<1x256xf32> to vector<512x256xf32>
    %mul3A_41 = arith.mulf %mul3A_40, %max3A_34 : vector<512x256xf32>
    %get3A_42 = arith.constant 0 : index
    %get3A_43 = arith.constant 0 : index
    %get3A_44 = vector.load %arg5[%get3A_42, %get3A_43] : memref<1x256xf32, #tpu.memory_space<vmem>>, vector<1x256xf32>
    %add3A_45 = vector.broadcast %get3A_44 : vector<1x256xf32> to vector<512x256xf32>
    %add3A_46 = arith.addf %mul3A_41, %add3A_45 : vector<512x256xf32>
    %get3A_47 = arith.constant 0 : index
    %get3A_48 = arith.constant 0 : index
    %get3A_49 = vector.load %arg6[%get3A_47, %get3A_48] : memref<256x2xf32, #tpu.memory_space<vmem>>, vector<256x2xf32>
    %dot_general3A_50 = arith.constant dense<0.000000e+00> : vector<512x2xf32>
    %dot_general3A_51 = tpu.matmul %add3A_46, %get3A_49, %dot_general3A_50 {dimension_numbers = #tpu.dot_dimension_numbers<[1], [0], [0], [1], [0, 0, 1, 1], [], []>, transpose_lhs_hint = false} : vector<512x256xf32>, vector<256x2xf32>, vector<512x2xf32> -> vector<512x2xf32>
    %get3A_52 = arith.constant 0 : index
    %get3A_53 = arith.constant 0 : index
    %get3A_54 = vector.load %arg7[%get3A_52, %get3A_53] : memref<1x2xf32, #tpu.memory_space<vmem>>, vector<1x2xf32>
    %add3A_55 = vector.broadcast %get3A_54 : vector<1x2xf32> to vector<512x2xf32>
    %add3A_56 = arith.addf %dot_general3A_51, %add3A_55 : vector<512x2xf32>
    %swap3A = arith.constant 0 : index
    %swap3A_57 = arith.constant 0 : index
    %swap3A_58 = vector.load %arg8[%swap3A, %swap3A_57] : memref<512x192xf32, #tpu.memory_space<vmem>>, vector<512x192xf32>
    tpu.vector_store %arg8[%swap3A, %swap3A_57], %div3A_22 {strides = array<i32>} : memref<512x192xf32, #tpu.memory_space<vmem>>, vector<512x192xf32>,
    %swap3A_59 = arith.constant 0 : index
    %swap3A_60 = arith.constant 0 : index
    %swap3A_61 = vector.load %arg9[%swap3A_59, %swap3A_60] : memref<512x2xf32, #tpu.memory_space<vmem>>, vector<512x2xf32>
    tpu.vector_store %arg9[%swap3A_59, %swap3A_60], %add3A_56 {strides = array<i32>} : memref<512x2xf32, #tpu.memory_space<vmem>>, vector<512x2xf32>,
    return
  }
}

</mosaic_0001>

<sc_bundles>
// kernel: kernel.12.cloned.1.call-start
scs
__scs_entry_jumppad:
0x0: {  	(pc) =	sbr.rel $0x88, $3  }
0x1: {  	(tag) =	ssettag $0x0;
	lr =	simm.s32 $0x1  }
0x2: {  	[smem:$0x3F8C] =	sst lr;
	_ =	strace $0xD0000000  }
0x3: {  	_ = 	snop  }
0x4: {  	_ = 	snop  }
0x5: {  	_ = 	snop  }
0x6: {  	_ = 	snop  }
0x7: {  	_ = 	snop  }
__scs_overlays_trampoline_lowered:
0x8: {  	[smem:$0x3F9B] =	sst s0  }
0x9: {  	[smem:$0x3F9C] =	sst s1  }
0xa: {  	[smem:$0x3F9D] =	sst s2  }
0xb: {  	[smem:$0x3F9E] =	sst s3  }
0xc: {  	[smem:$0x3F9F] =	sst s4  }
0xd: {  	[smem:$0x3FA0] =	sst s5  }
0xe: {  	[smem:$0x3FA1] =	sst s6  }
0xf: {  	[smem:$0x3FA2] =	sst s7  }
0x10: {  	[smem:$0x3FA3] =	sst s8  }
0x11: {  	[smem:$0x3FA4] =	sst s9;
	s0 =	simm.s32 @!p0 $0x0  }
0x12: {  	s1 =	sld [smem:$0x3F8A];
	s0 =	simm.s32 @p0 $0x1  }
0x13: {  	[smem:$0x3FA5] =	sst s0;
	s0 =	simm.s32 @!p1 $0x0  }
0x14: {  	s2 =	sld [smem:$0x3F89];
	s0 =	simm.s32 @p1 $0x1  }
0x15: {  	[smem:$0x3FA6] =	sst s0;
	s0 =	simm.s32 @!p2 $0x0  }
0x16: {  	s3 =	sld [smem:$0x3FDB];
	s0 =	simm.s32 @p2 $0x1  }
0x17: {  	s4 =	simm.s32 $0x1BF5;
	[smem:$0x3FA8] =	sst s0  }
0x18: {  	s0 =	sld [smem:$0x3F8B];
	_ =	swait.ge [sflag:s4], $0x0  }
0x19: {  	s7 =	sld [smem:$0x3F8C]  }
0x1a: {  	s8 =	sadd.s32 $0xFFFFE003, lr  }
0x1b: {  	s9 =	sadd.s32 $0xFFFFFEF7, lr;
	s5 =	simm.s32 $0xFFFFFFFF;
	p2 =	slt.u32 s8, $0xFFFFF086  }
0x1c: {  	p1 =	slt.u32 s9, $0xF7A;
	s5 =	simm.s32 @!p2 $0x0  }
0x1d: {  	s5 =	simm.s32 @p1 $0x1;
	p0 =	seq.s32 s7, s2  }
0x1e: {  	s7 =	smul.u32 @!p0 $0xF7A, s2;
	p2 =	seq.s32 @!p0 s5, $0x0  }
0x1f: {  	s9 =	smul.u32 $0xF7A, s1;
	s8 =	simm.s32 @!p0 $0x1BF5;
	p2 =	por !p2, p0  }
0x20: {  	[sflag:s8] =	ssyncset.s32 @!p0 $0xFFFFF086;
	s6 =	sadd.s32 @!p0 s3, s7;
	s7 =	simm.s32 @!p0 $0x108  }
0x21: {  	s3 =	sadd.s32 s3, s9;
	s6 =	sadd.s32 @!p0 $0x88, s6;
	s7 =	simm.s32 @p2 $0x1082  }
0x22: {  	[simem:s7], [sflag:s8] =	dma.local @!p0 [hbm:s6], $0xF7A  }
0x23: {  	s9 =	sor.u32 $0xD0000000, s2;
	s6 =	simm.s32 $0x108;
	_ =	swait.ge @!p0 [sflag:s8], $0x0  }
0x24: {  	s3 =	sadd.s32 $0x88, s3;
	s6 =	simm.s32 @!p1 $0x1082;
	[sflag:s4] =	ssyncset.s32 $0xFFFFF086  }
0x25: {  	[simem:s6], [sflag:s4] =	dma.local [hbm:s3], $0xF7A  }
0x26: {  	[smem:$0x3F8C] =	sst s1;
	(tag) =	ssettag s2;
	_ =	strace s9  }
0x27: {  	s1 =	sld [smem:$0x3F9C]  }
0x28: {  	s2 =	sld [smem:$0x3F9D]  }
0x29: {  	s4 =	sld [smem:$0x3F9F]  }
0x2a: {  	p0 =	seq.s32 s5, $0x0;
	s5 =	sld [smem:$0x3FA0]  }
0x2b: {  	s6 =	sld [smem:$0x3FA1]  }
0x2c: {  	s7 =	sld [smem:$0x3FA2]  }
0x2d: {  	s3 =	simm.s32 $0x108;
	s8 =	sld [smem:$0x3FA3]  }
0x2e: {  	s3 =	simm.s32 @!p0 $0x1082;
	s9 =	sld [smem:$0x3FA4]  }
0x2f: {  	lr =	sadd.s32 s0, s3;
	s0 =	sld [smem:$0x3F9B]  }
0x30: {  	s3 =	sld [smem:$0x3F9E]  }
0x31: {  	[smem:$0x3FA7] =	sst s10  }
0x32: {  	s10 =	sld [smem:$0x3FA5];
	_ =	sdelay $0x3  }
0x33: {  	p0 =	seq.s32 s10, $0x1;
	s10 =	sld [smem:$0x3FA7];
	_ =	sdelay $0x3  }
0x34: {  	[smem:$0x3FA7] =	sst s10  }
0x35: {  	s10 =	sld [smem:$0x3FA6];
	_ =	sdelay $0x3  }
0x36: {  	p1 =	seq.s32 s10, $0x1;
	s10 =	sld [smem:$0x3FA7];
	_ =	sdelay $0x3  }
0x37: {  	[smem:$0x3FA7] =	sst s10  }
0x38: {  	s10 =	sld [smem:$0x3FA8]  }
0x39: {  	_ = 	snop;
	(pc) =	sbr.ind lr, $3  }
0x3a: {  	_ = 	snop  }
0x3b: {  	_ = 	snop  }
0x3c: {  	p2 =	seq.s32 s10, $0x1;
	s10 =	sld [smem:$0x3FA7]  }
0x3d: {  	_ =	shalt  }
0x3e: {  	_ =	shalt  }
0x3f: {  	_ =	shalt  }
0x40: {  	_ =	shalt  }
0x41: {  	_ =	shalt  }
0x42: {  	_ =	shalt  }
0x43: {  	_ =	shalt  }
0x44: {  	_ =	shalt  }
0x45: {  	_ =	shalt  }
0x46: {  	_ =	shalt  }
0x47: {  	_ =	shalt  }
0x48: {  	_ =	shalt  }
0x49: {  	_ =	shalt  }
0x4a: {  	_ =	shalt  }
0x4b: {  	_ =	shalt  }
0x4c: {  	_ =	shalt  }
0x4d: {  	_ =	shalt  }
0x4e: {  	_ =	shalt  }
0x4f: {  	_ =	shalt  }
0x50: {  	_ =	shalt  }
0x51: {  	_ =	shalt  }
0x52: {  	_ =	shalt  }
0x53: {  	_ =	shalt  }
0x54: {  	_ =	shalt  }
0x55: {  	_ =	shalt  }
0x56: {  	_ =	shalt  }
0x57: {  	_ =	shalt  }
0x58: {  	_ =	shalt  }
0x59: {  	_ =	shalt  }
0x5a: {  	_ =	shalt  }
0x5b: {  	_ =	shalt  }
0x5c: {  	_ =	shalt  }
0x5d: {  	_ =	shalt  }
0x5e: {  	_ =	shalt  }
0x5f: {  	_ =	shalt  }
0x60: {  	_ =	shalt  }
0x61: {  	_ =	shalt  }
0x62: {  	_ =	shalt  }
0x63: {  	_ =	shalt  }
0x64: {  	_ =	shalt  }
0x65: {  	_ =	shalt  }
0x66: {  	_ =	shalt  }
0x67: {  	_ =	shalt  }
0x68: {  	_ =	shalt  }
0x69: {  	_ =	shalt  }
0x6a: {  	_ =	shalt  }
0x6b: {  	_ =	shalt  }
0x6c: {  	_ =	shalt  }
0x6d: {  	_ =	shalt  }
0x6e: {  	_ =	shalt  }
0x6f: {  	_ =	shalt  }
0x70: {  	_ =	shalt  }
0x71: {  	_ =	shalt  }
0x72: {  	_ =	shalt  }
0x73: {  	_ =	shalt  }
0x74: {  	_ =	shalt  }
0x75: {  	_ =	shalt  }
0x76: {  	_ =	shalt  }
0x77: {  	_ =	shalt  }
0x78: {  	_ =	shalt  }
0x79: {  	_ =	shalt  }
0x7a: {  	_ =	shalt  }
0x7b: {  	_ =	shalt  }
0x7c: {  	_ =	shalt  }
0x7d: {  	_ =	shalt  }
0x7e: {  	_ =	shalt  }
0x7f: {  	_ =	shalt  }
0x80: {  	_ =	shalt  }
0x81: {  	_ =	shalt  }
0x82: {  	_ =	shalt  }
0x83: {  	_ =	shalt  }
0x84: {  	_ =	shalt  }
0x85: {  	_ =	shalt  }
0x86: {  	_ =	shalt  }
0x87: {  	_ =	shalt  }
.Lfunc_end0:
.L_simem_size_0:
called_computation_lowered:
.L_overlay_start_0:
0x88: {  	s2 =	sld [smem:$0x3FD9]  }
0x89: {  	s3 =	sld [smem:$0x3FFE];
	_ =	sdelay $0x1  }
0x8a: {  	s1 =	srdreg.scid  }
0x8b: {  	s0 =	sand.u32 $0x1, s1  }
0x8c: {  	s14 =	sshll.u32 s0, $0xA;
	s2 =	sadd.s32 s3, s2  }
0x8d: {  	s2 =	sadd.s32 s2, s14  }
0x8e: {  	[smem:$0x3FB3] =	sst s2  }
0x8f: {  	_ = 	snop  }
0x90: {  	s2 =	sld [smem:$0x3FD0];
	_ =	sdelay $0x2  }
0x91: {  	s4 =	simm.s32 $0xA;
	s5 =	simm.s32 $0x10;
	s15 =	sld [smem:$0x3FC7]  }
0x92: {  	[smem:s5], [sflag:s4] =	dma.local [hbm:s2], $0x1  }
0x93: {  	_ =	swait.eq [sflag:s4], $0x1  }
0x94: {  	[sflag:s4] =	ssyncset.done $0x0  }
0x95: {  	s16 =	sld [smem:$0x10];
	[sflag:s4] =	ssyncadd.s32 $0xFFFFFFFF  }
0x96: {  	s17 =	sld [smem:$0x11];
	(tm) =	ssettm $0x1  }
0x97: {  	s18 =	sld [smem:$0x3FFB];
	_ =	sdelay $0x3  }
0x98: {  	_ =	strace s18  }
0x99: {  	s5 =	sld [smem:$0x3FFC];
	_ =	sdelay $0x3  }
0x9a: {  	_ =	strace s5  }
0x9b: {  	s5 =	sld [smem:$0x3FFD];
	_ =	sdelay $0x3  }
0x9c: {  	_ =	strace s5  }
0x9d: {  	_ =	strace $0x8FFFFFFF  }
0x9e: {  	s19 =	sld [smem:$0x3FDB];
	_ =	sdelay $0x1  }
0x9f: {  	s6 =	simm.s32 $_scs_section_size  }
0xa0: {  	s7 =	simm.s32 $_size__tile_overlayer_lowered;
	s8 =	simm.s32 $_tile_overlayer_lowered  }
0xa1: {  	s22 =	simm.s32 $0x1BFF;
	s21 =	sshll.u32 s8, $0x1;
	s5 =	sadd.s32 s6, s19  }
0xa2: {  	s9 =	simm.s32 $0x0;
	s20 =	sshll.u32 s7, $0x1;
	s7 =	sadd.s32 s21, s5  }
0xa3: {  	[timem:s9], [sflag:s22] =	dma.local [hbm:s7], s20  }
0xa4: {  	_ =	swait.ge [sflag:s22], s20  }
0xa5: {  	s6 =	ssub.s32 $0x0, s20;
	[sflag:s22] =	ssyncset.done $0x0  }
0xa6: {  	[sflag:s22] =	ssyncadd.s32 s6;
	_ =	sdelay $0x1  }
0xa7: {  	s23 =	simm.s32 $0x1B8B  }
0xa8: {  	_ =	swait.ge [sflag:s23], $0x1  }
0xa9: {  	[sflag:s23] =	ssyncset.done $0x0  }
0xaa: {  	s25 =	simm.s32 $0x1B8E;
	s24 =	sld [smem:$0x3FFE];
	[sflag:s23] =	ssyncadd.s32 $0xFFFFFFFF  }
0xab: {  	s26 =	simm.s32 $execute0_lowered;
	[smem:$0x3FD2] =	sst s25  }
0xac: {  	s7 =	sshll.u32 s26, $0x1;
	_ =	strace $0x80000046;
	[dreg:$0x1] =	wrdreg $0xFFFFFFFF  }
0xad: {  	s28 =	simm.s32 $_size_execute0_lowered;
	s5 =	sadd.s32 s5, s7;
	[dreg:$0x0] =	wrdreg $0x0  }
0xae: {  	s7 =	sshll.u32 s28, $0x1;
	[dreg:$0x2] =	wrdreg s5  }
0xaf: {  	[dreg:$0x3] =	wrdreg s7  }
0xb0: {  	[dreg:$0x4] =	wrdreg $0xC0  }
0xb1: {  	_ =	task [dreg:s9], $0x5FFFF  }
0xb2: {  	[dreg:$0x1] =	wrdreg $0xFFFFFFFF  }
0xb3: {  	[dreg:$0x0] =	wrdreg $0x60  }
0xb4: {  	[dreg:$0x2] =	wrdreg s24  }
0xb5: {  	[dreg:$0x3] =	wrdreg s15  }
0xb6: {  	[dreg:$0x4] =	wrdreg s17  }
0xb7: {  	[dreg:$0x5] =	wrdreg s16  }
0xb8: {  	[dreg:$0x6] =	wrdreg $0xB980  }
0xb9: {  	[dreg:$0x7] =	wrdreg $0xE180  }
0xba: {  	[dreg:$0x8] =	wrdreg $0x9  }
0xbb: {  	_ =	task.clear_ibuf [dreg:s9], $0x9FFFF;
	_ =	strace $0x90000046  }
0xbc: {  	s29 =	simm.s32 $0x9;
	_ =	strace $0x80000048  }
0xbd: {  	_ =	swait.ge [sflag:s29], $0x1  }
0xbe: {  	[sflag:s29] =	ssyncadd.s32 $0xFFFFFFFF  }
0xbf: {  	_ =	strace $0x90000048  }
0xc0: {  	_ =	sfence  }
0xc1: {  	s30 =	sld [smem:$0x0];
	_ =	sdelay $0x2  }
0xc2: {  	s31 =	sshll.u32 s1, $0xD;
	s1 =	sshrl.u32 s1, $0x2  }
0xc3: {  	s3 =	sand.u32 $0x4000, s31;
	s1 =	sadd.s32 s1, s30  }
0xc4: {  	s0 =	sor.u32 s3, s0;
	s1 =	sshll.u32 s1, $0x11  }
0xc5: {  	s0 =	sor.u32 s1, s0  }
0xc6: {  	s0 =	sadd.s32 $0x8F2B, s0  }
0xc7: {  	[sflag:s0] =	ssyncadd.remote.s32 $0x1  }
0xc8: {  	_ =	sfence.sel $0xFFFF  }
0xc9: {  	[dreg:$0x0] =	wrdreg $0xFFFFFFFF;
	(pc) =	sbr.abs _section_cstart, $3  }
0xca: {  	[dreg:$0x1] =	wrdreg $0xFFFFFFFF  }
0xcb: {  	_ =	task.clear_ibuf [dreg:s9], $0x2FFFF;
	_ =	strace $0x9FFFFFFF  }
0xcc: {  	(tm) =	ssettm $0x7FFFFFFF  }
0xcd: {  	_ =	shalt  }
tec
execute0_lowered:
.L_overlay_start_1:
0x0: {  	(tag) =	ssettag $0x1  }
0x1: {  	s14 =	rddreg [dreg:$0x0]  }
0x2: {  	s24 =	rddreg [dreg:$0x1]  }
0x3: {  	s0 =	rddreg [dreg:$0x2]  }
0x4: {  	s1 =	rddreg [dreg:$0x4]  }
0x5: {  	s2 =	rddreg [dreg:$0x5]  }
0x6: {  	s4 =	simm.s32 $0x0;
	[dreg:$0x7] =	wrdreg s0  }
0x7: {  	s23 =	stileid.u32;
	s7 =	simm.s32 $0x918;
	[smem:$0x7FF] =	sst s4  }
0x8: {  	s6 =	simm.s32 $0x1;
	s5 =	sadd.s32 $0x18C00, s14;
	_ =	strace $0x80000047  }
0x9: {  	[tilespmem:s7], [sflag:$0x1] =	stream.linear.gather [hbm4b:s5+s4], $0x280, $0x38;
	[tilespmem:$0xE38] =	vst v63  }
0xa: {  	s31 =	smul.u32 $0x280, s23;
	_ =	swait.ge [sflag:s6], $0x280  }
0xb: {  	[sflag:s6] =	ssyncset.done $0x0  }
0xc: {  	s8 =	sadd.s32 s31, s1;
	[sflag:s6] =	ssyncadd.s32 $0xFFFFFD80  }
0xd: {  	[spmem:s8] =	stream.linear.scatter [tilespmem:s7], [sflag:$0x1], $0x280, $0x38;
	[tilespmem:$0xE38] =	vst v63  }
0xe: {  	_ =	swait.ge [sflag:s6], $0x280  }
0xf: {  	s18 =	sshll.u32 s23, $0x5;
	[sflag:s6] =	ssyncset.done $0x0  }
0x10: {  	s9 =	sadd.s32 s18, s2;
	[dreg:$0x8] =	wrdreg s18;
	[sflag:s6] =	ssyncadd.s32 $0xFFFFFD80  }
0x11: {  	[spmem:s9] =	stream.linear.scatter [tilespmem:s7], [sflag:$0x1], $0x20, $0x38;
	[tilespmem:$0xE38] =	vst v63  }
0x12: {  	s19 =	srdreg.scid;
	s10 =	simm.s32 $0x530;
	_ =	swait.ge [sflag:s6], $0x20  }
0x13: {  	s3 =	sand.u32 $0x1, s19;
	s13 =	smul.u32 $0x2710, s23;
	[sflag:s6] =	ssyncset.done $0x0  }
0x14: {  	s12 =	smul.u32 $0x27100, s3;
	s11 =	rddreg [dreg:$0x7];
	[sflag:s6] =	ssyncadd.s32 $0xFFFFFFE0  }
0x15: {  	[tilespmem:s10], [sflag:$0x1] =	stream.linear.gather [hbm4b:s11+s4], $0x3E8, $0x38;
	[tilespmem:$0xE38] =	vst v63  }
0x16: {  	_ =	swait.ge [sflag:s6], $0x3E8  }
0x17: {  	s22 =	sadd.s32 s13, s12;
	[sflag:s6] =	ssyncset.done $0x0  }
0x18: {  	s21 =	sadd.s32 $0xEE00, s14;
	s20 =	sshrl.u32 s22, $0x3;
	[sflag:s6] =	ssyncadd.s32 $0xFFFFFC18  }
0x19: {  	s11 =	sadd.s32 s21, s20;
	[bflag:$0x0] =	sbarrier.arrive $0xFFFF  }
0x1a: {  	[tilespmem:s4], [sflag:$0x1] =	stream.linear.gather [hbm4b:s11+s4], $0x3E8, $0x38;
	[tilespmem:$0xE38] =	vst v63  }
0x1b: {  	_ =	swait.ge [sflag:s6], $0x3E8  }
0x1c: {  	[sflag:s6] =	ssyncset.done $0x0  }
0x1d: {  	s12 =	simm.s32 $0x3E8;
	[sflag:s6] =	ssyncadd.s32 $0xFFFFFC18  }
0x1e: {  	[spmem:s1] =	stream.indirect.scatter.add.f32 [tilespmem:s10], [sflag:$0x1], $0x1, s4, s12, $0xb8;
	[tilespmem:$0xE38] =	vst v63  }
0x1f: {  	s13 =	sadd.s32 $0x3E8, s22;
	_ =	swait.ge [sflag:s6], $0x3E8  }
0x20: {  	s13 =	sshrl.u32 s13, $0x3;
	[sflag:s6] =	ssyncset.done $0x0  }
0x21: {  	s13 =	sadd.s32 s21, s13;
	[sflag:s6] =	ssyncadd.s32 $0xFFFFFC18  }
0x22: {  	[tilespmem:s4], [sflag:$0x1] =	stream.linear.gather [hbm4b:s13+s4], $0x3E8, $0x38;
	[tilespmem:$0xE38] =	vst v63  }
0x23: {  	_ =	swait.ge [sflag:s6], $0x3E8  }
0x24: {  	[sflag:s6] =	ssyncset.done $0x0  }
0x25: {  	[sflag:s6] =	ssyncadd.s32 $0xFFFFFC18  }
0x26: {  	[spmem:s1] =	stream.indirect.scatter.add.f32 [tilespmem:s10], [sflag:$0x1], $0x1, s4, s12, $0xb8;
	[tilespmem:$0xE38] =	vst v63  }
0x27: {  	_ =	swait.ge [sflag:s6], $0x3E8  }
0x28: {  	[sflag:s6] =	ssyncset.done $0x0  }
0x29: {  	s14 =	sadd.s32 $0xFA, s11;
	[sflag:s6] =	ssyncadd.s32 $0xFFFFFC18  }
0x2a: {  	[tilespmem:s4], [sflag:$0x1] =	stream.linear.gather [hbm4b:s14+s4], $0x3E8, $0x38;
	[tilespmem:$0xE38] =	vst v63  }
0x2b: {  	_ =	swait.ge [sflag:s6], $0x3E8  }
0x2c: {  	[sflag:s6] =	ssyncset.done $0x0  }
0x2d: {  	[sflag:s6] =	ssyncadd.s32 $0xFFFFFC18  }
0x2e: {  	[spmem:s1] =	stream.indirect.scatter.add.f32 [tilespmem:s10], [sflag:$0x1], $0x1, s4, s12, $0xb8;
	[tilespmem:$0xE38] =	vst v63  }
0x2f: {  	s15 =	sadd.s32 $0xBB8, s22;
	_ =	swait.ge [sflag:s6], $0x3E8  }
0x30: {  	s15 =	sshrl.u32 s15, $0x3;
	[sflag:s6] =	ssyncset.done $0x0  }
0x31: {  	s15 =	sadd.s32 s21, s15;
	[sflag:s6] =	ssyncadd.s32 $0xFFFFFC18  }
0x32: {  	[tilespmem:s4], [sflag:$0x1] =	stream.linear.gather [hbm4b:s15+s4], $0x3E8, $0x38;
	[tilespmem:$0xE38] =	vst v63  }
0x33: {  	_ =	swait.ge [sflag:s6], $0x3E8  }
0x34: {  	[sflag:s6] =	ssyncset.done $0x0  }
0x35: {  	[sflag:s6] =	ssyncadd.s32 $0xFFFFFC18  }
0x36: {  	[spmem:s1] =	stream.indirect.scatter.add.f32 [tilespmem:s10], [sflag:$0x1], $0x1, s4, s12, $0xb8;
	[tilespmem:$0xE38] =	vst v63  }
0x37: {  	_ =	swait.ge [sflag:s6], $0x3E8  }
0x38: {  	[sflag:s6] =	ssyncset.done $0x0  }
0x39: {  	s16 =	sadd.s32 $0x1F4, s11;
	[sflag:s6] =	ssyncadd.s32 $0xFFFFFC18  }
0x3a: {  	[tilespmem:s4], [sflag:$0x1] =	stream.linear.gather [hbm4b:s16+s4], $0x3E8, $0x38;
	[tilespmem:$0xE38] =	vst v63  }
0x3b: {  	_ =	swait.ge [sflag:s6], $0x3E8  }
0x3c: {  	[sflag:s6] =	ssyncset.done $0x0  }
0x3d: {  	[sflag:s6] =	ssyncadd.s32 $0xFFFFFC18  }
0x3e: {  	[spmem:s1] =	stream.indirect.scatter.add.f32 [tilespmem:s10], [sflag:$0x1], $0x1, s4, s12, $0xb8;
	[tilespmem:$0xE38] =	vst v63  }
0x3f: {  	s17 =	sadd.s32 $0x1388, s22;
	_ =	swait.ge [sflag:s6], $0x3E8  }
0x40: {  	s17 =	sshrl.u32 s17, $0x3;
	[sflag:s6] =	ssyncset.done $0x0  }
0x41: {  	s17 =	sadd.s32 s21, s17;
	[sflag:s6] =	ssyncadd.s32 $0xFFFFFC18  }
0x42: {  	[tilespmem:s4], [sflag:$0x1] =	stream.linear.gather [hbm4b:s17+s4], $0x3E8, $0x38;
	[tilespmem:$0xE38] =	vst v63  }
0x43: {  	_ =	swait.ge [sflag:s6], $0x3E8  }
0x44: {  	[sflag:s6] =	ssyncset.done $0x0  }
0x45: {  	[sflag:s6] =	ssyncadd.s32 $0xFFFFFC18  }
0x46: {  	[spmem:s1] =	stream.indirect.scatter.add.f32 [tilespmem:s10], [sflag:$0x1], $0x1, s4, s12, $0xb8;
	[tilespmem:$0xE38] =	vst v63  }
0x47: {  	_ =	swait.ge [sflag:s6], $0x3E8  }
0x48: {  	[sflag:s6] =	ssyncset.done $0x0  }
0x49: {  	s18 =	sadd.s32 $0x2EE, s11;
	[sflag:s6] =	ssyncadd.s32 $0xFFFFFC18  }
0x4a: {  	[tilespmem:s4], [sflag:$0x1] =	stream.linear.gather [hbm4b:s18+s4], $0x3E8, $0x38;
	[tilespmem:$0xE38] =	vst v63  }
0x4b: {  	_ =	swait.ge [sflag:s6], $0x3E8  }
0x4c: {  	[sflag:s6] =	ssyncset.done $0x0  }
0x4d: {  	[sflag:s6] =	ssyncadd.s32 $0xFFFFFC18  }
0x4e: {  	[spmem:s1] =	stream.indirect.scatter.add.f32 [tilespmem:s10], [sflag:$0x1], $0x1, s4, s12, $0xb8;
	[tilespmem:$0xE38] =	vst v63  }
0x4f: {  	s19 =	sadd.s32 $0x1B58, s22;
	_ =	swait.ge [sflag:s6], $0x3E8  }
0x50: {  	s19 =	sshrl.u32 s19, $0x3;
	[sflag:s6] =	ssyncset.done $0x0  }
0x51: {  	s19 =	sadd.s32 s21, s19;
	[sflag:s6] =	ssyncadd.s32 $0xFFFFFC18  }
0x52: {  	[tilespmem:s4], [sflag:$0x1] =	stream.linear.gather [hbm4b:s19+s4], $0x3E8, $0x38;
	[tilespmem:$0xE38] =	vst v63  }
0x53: {  	_ =	swait.ge [sflag:s6], $0x3E8  }
0x54: {  	[sflag:s6] =	ssyncset.done $0x0  }
0x55: {  	[sflag:s6] =	ssyncadd.s32 $0xFFFFFC18  }
0x56: {  	[spmem:s1] =	stream.indirect.scatter.add.f32 [tilespmem:s10], [sflag:$0x1], $0x1, s4, s12, $0xb8;
	[tilespmem:$0xE38] =	vst v63  }
0x57: {  	_ =	swait.ge [sflag:s6], $0x3E8  }
0x58: {  	[sflag:s6] =	ssyncset.done $0x0  }
0x59: {  	s20 =	sadd.s32 $0x3E8, s11;
	[sflag:s6] =	ssyncadd.s32 $0xFFFFFC18  }
0x5a: {  	[tilespmem:s4], [sflag:$0x1] =	stream.linear.gather [hbm4b:s20+s4], $0x3E8, $0x38;
	[tilespmem:$0xE38] =	vst v63  }
0x5b: {  	_ =	swait.ge [sflag:s6], $0x3E8  }
0x5c: {  	[sflag:s6] =	ssyncset.done $0x0  }
0x5d: {  	[sflag:s6] =	ssyncadd.s32 $0xFFFFFC18  }
0x5e: {  	[spmem:s1] =	stream.indirect.scatter.add.f32 [tilespmem:s10], [sflag:$0x1], $0x1, s4, s12, $0xb8;
	[tilespmem:$0xE38] =	vst v63  }
0x5f: {  	s22 =	sadd.s32 $0x2328, s22;
	_ =	swait.ge [sflag:s6], $0x3E8  }
0x60: {  	s22 =	sshrl.u32 s22, $0x3;
	[sflag:s6] =	ssyncset.done $0x0  }
0x61: {  	s21 =	sadd.s32 s21, s22;
	[sflag:s6] =	ssyncadd.s32 $0xFFFFFC18  }
0x62: {  	[tilespmem:s4], [sflag:$0x1] =	stream.linear.gather [hbm4b:s21+s4], $0x3E8, $0x38;
	[tilespmem:$0xE38] =	vst v63  }
0x63: {  	_ =	swait.ge [sflag:s6], $0x3E8  }
0x64: {  	s25 =	sshll.u32 s3, $0x4;
	[sflag:s6] =	ssyncset.done $0x0  }
0x65: {  	s25 =	sor.u32 s23, s25;
	[sflag:s6] =	ssyncadd.s32 $0xFFFFFC18  }
0x66: {  	[spmem:s1] =	stream.indirect.scatter.add.f32 [tilespmem:s10], [sflag:$0x1], $0x1, s4, s12, $0xb8;
	[tilespmem:$0xE38] =	vst v63  }
0x67: {  	s22 =	smul.u32 $0x27, s25;
	_ =	swait.ge [sflag:s6], $0x3E8  }
0x68: {  	[sflag:s6] =	ssyncset.done $0x0  }
0x69: {  	s22 =	sadd.s32 s24, s22;
	[sflag:s6] =	ssyncadd.s32 $0xFFFFFC18  }
0x6a: {  	[tilespmem:s12], [sflag:$0x1] =	stream.linear.gather [hbm4b:s22+s4], $0x138, $0x38;
	[tilespmem:$0xE38] =	vst v63  }
0x6b: {  	_ =	swait.ge [sflag:s6], $0x138  }
0x6c: {  	[sflag:s6] =	ssyncset.done $0x0  }
0x6d: {  	s26 =	simm.s32 $0x138;
	[sflag:s6] =	ssyncadd.s32 $0xFFFFFEC8  }
0x6e: {  	[spmem:s2] =	stream.indirect.scatter.add.f32 [tilespmem:s10], [sflag:$0x1], $0x1, s12, s26, $0xb8;
	[tilespmem:$0xE38] =	vst v63  }
0x6f: {  	p0 =	sne.s32 s25, $0x1F;
	_ =	swait.ge [sflag:s6], $0x138  }
0x70: {  	s28 =	simm.s32 @!p0 $0x1;
	s25 =	simm.s32 @!p0 $0x0;
	[sflag:s6] =	ssyncset.done $0x0  }
0x71: {  	s24 =	sadd.s32 $0x4E0, s24;
	s26 =	simm.s32 @!p0 $0x520;
	[sflag:s6] =	ssyncadd.s32 $0xFFFFFEC8  }
0x72: {  	[tilespmem:s26], [sflag:$0x1] =	stream.linear.gather @!p0 [hbm4b:s24+s25], $0x10, $0x38;
	[tilespmem:$0xE38] =	vst v63  }
0x73: {  	_ =	swait.ge @!p0 [sflag:s28], $0x10  }
0x74: {  	[sflag:s28] =	ssyncset.done @!p0 $0x0  }
0x75: {  	s29 =	simm.s32 @!p0 $0x10;
	s30 =	simm.s32 @!p0 $0x530;
	[sflag:s28] =	ssyncadd.s32 @!p0 $0xFFFFFFF0  }
0x76: {  	[spmem:s2] =	stream.indirect.scatter.add.f32 @!p0 [tilespmem:s30], [sflag:$0x1], $0x1, s26, s29, $0xb8;
	[tilespmem:$0xE38] =	vst v63  }
0x77: {  	_ =	swait.ge @!p0 [sflag:s28], $0x10  }
0x78: {  	[sflag:s28] =	ssyncset.done @!p0 $0x0  }
0x79: {  	[sflag:s28] =	ssyncadd.s32 @!p0 $0xFFFFFFF0  }
0x7a: {  	s23 =	smul.u32 $0x2800, s3;
	[bflag:$0x0] =	sbarrier.arrive $0xFFFF  }
0x7b: {  	[tilespmem:s7], [sflag:$0x1] =	stream.linear.gather [spmem:s8], $0x280, $0x38;
	[tilespmem:$0xE38] =	vst v63  }
0x7c: {  	_ =	swait.ge [sflag:s6], $0x280  }
0x7d: {  	s0 =	sadd.s32 s31, s23;
	[sflag:s6] =	ssyncset.done $0x0  }
0x7e: {  	s0 =	sshrl.u32 s0, $0x3;
	s23 =	rddreg [dreg:$0x3]  }
0x7f: {  	[sflag:s6] =	ssyncadd.s32 $0xFFFFFD80;
	s31 =	sadd.s32 s23, s0  }
0x80: {  	[hbm4b:s31+s4] =	stream.linear.scatter [tilespmem:s7], [sflag:$0x1], $0x280, $0x38;
	[tilespmem:$0xE38] =	vst v63  }
0x81: {  	_ =	swait.ge [sflag:s6], $0x280  }
0x82: {  	s0 =	sshll.u32 s3, $0x9;
	[sflag:s6] =	ssyncset.done $0x0  }
0x83: {  	s3 =	ssub.s32 $0x2, s3;
	s23 =	rddreg [dreg:$0x8];
	[sflag:s6] =	ssyncadd.s32 $0xFFFFFD80  }
0x84: {  	[tilespmem:s7], [sflag:$0x1] =	stream.linear.gather [spmem:s9], $0x20, $0x38;
	[tilespmem:$0xE38] =	vst v63  }
0x85: {  	s23 =	sor.u32 s23, s0;
	s0 =	sshrl.u32 s3, $0x1;
	_ =	swait.ge [sflag:s6], $0x20  }
0x86: {  	s0 =	ssub.s32 s3, s0;
	s3 =	sshrl.u32 s23, $0x3;
	s23 =	rddreg [dreg:$0x0]  }
0x87: {  	s3 =	sadd.s32 s3, s23;
	s23 =	smax.u32 s0, $0x1  }
0x88: {  	s0 =	sadd.s32 $0x19200, s3;
	s3 =	sadd.s32 $0xFFFFFFFF, s23  }
0x89: {  	p1 =	sne.s32 s3, $0x0  }
.Ltmp0:
0x8a: {  	[sflag:s6] =	ssyncset.done $0x0;
	(pc) =	sbr.rel @!p1 .LBB2_2-.Ltmp0, $4  }
0x8b: {  	[sflag:s6] =	ssyncadd.s32 $0xFFFFFFE0  }
0x8c: {  	[hbm4b:s0+s4] =	stream.linear.scatter [tilespmem:s7], [sflag:$0x1], $0x20, $0x38;
	[tilespmem:$0xE38] =	vst v63  }
0x8d: {  	_ =	swait.ge [sflag:s6], $0x20  }
0x8e: {  	[sflag:s6] =	ssyncset.done $0x0  }
.LBB2_1:
0x8f: {  	[sflag:s6] =	ssyncadd.s32 $0xFFFFFFE0  }
0x90: {  	[tilespmem:s7], [sflag:$0x1] =	stream.linear.gather [hbm4b:s5+s4], $0x280, $0x38;
	[tilespmem:$0xE38] =	vst v63  }
0x91: {  	_ =	swait.ge [sflag:s6], $0x280  }
0x92: {  	[sflag:s6] =	ssyncset.done $0x0  }
0x93: {  	[sflag:s6] =	ssyncadd.s32 $0xFFFFFD80  }
0x94: {  	[spmem:s8] =	stream.linear.scatter [tilespmem:s7], [sflag:$0x1], $0x280, $0x38;
	[tilespmem:$0xE38] =	vst v63  }
0x95: {  	_ =	swait.ge [sflag:s6], $0x280  }
0x96: {  	[sflag:s6] =	ssyncset.done $0x0  }
0x97: {  	[sflag:s6] =	ssyncadd.s32 $0xFFFFFD80  }
0x98: {  	[spmem:s9] =	stream.linear.scatter [tilespmem:s7], [sflag:$0x1], $0x20, $0x38;
	[tilespmem:$0xE38] =	vst v63  }
0x99: {  	_ =	swait.ge [sflag:s6], $0x20  }
0x9a: {  	[sflag:s6] =	ssyncset.done $0x0  }
0x9b: {  	s23 =	rddreg [dreg:$0x7];
	[sflag:s6] =	ssyncadd.s32 $0xFFFFFFE0  }
0x9c: {  	[tilespmem:s10], [sflag:$0x1] =	stream.linear.gather [hbm4b:s23+s4], $0x3E8, $0x38;
	[tilespmem:$0xE38] =	vst v63  }
0x9d: {  	_ =	swait.ge [sflag:s6], $0x3E8  }
0x9e: {  	[sflag:s6] =	ssyncset.done $0x0  }
0x9f: {  	[sflag:s6] =	ssyncadd.s32 $0xFFFFFC18  }
0xa0: {  	[bflag:$0x0] =	sbarrier.arrive $0xFFFF  }
0xa1: {  	[tilespmem:s4], [sflag:$0x1] =	stream.linear.gather [hbm4b:s11+s4], $0x3E8, $0x38;
	[tilespmem:$0xE38] =	vst v63  }
0xa2: {  	_ =	swait.ge [sflag:s6], $0x3E8  }
0xa3: {  	[sflag:s6] =	ssyncset.done $0x0  }
0xa4: {  	[sflag:s6] =	ssyncadd.s32 $0xFFFFFC18  }
0xa5: {  	[spmem:s1] =	stream.indirect.scatter.add.f32 [tilespmem:s10], [sflag:$0x1], $0x1, s4, s12, $0xb8;
	[tilespmem:$0xE38] =	vst v63  }
0xa6: {  	_ =	swait.ge [sflag:s6], $0x3E8  }
0xa7: {  	[sflag:s6] =	ssyncset.done $0x0  }
0xa8: {  	[sflag:s6] =	ssyncadd.s32 $0xFFFFFC18  }
0xa9: {  	[tilespmem:s4], [sflag:$0x1] =	stream.linear.gather [hbm4b:s13+s4], $0x3E8, $0x38;
	[tilespmem:$0xE38] =	vst v63  }
0xaa: {  	_ =	swait.ge [sflag:s6], $0x3E8  }
0xab: {  	[sflag:s6] =	ssyncset.done $0x0  }
0xac: {  	[sflag:s6] =	ssyncadd.s32 $0xFFFFFC18  }
0xad: {  	[spmem:s1] =	stream.indirect.scatter.add.f32 [tilespmem:s10], [sflag:$0x1], $0x1, s4, s12, $0xb8;
	[tilespmem:$0xE38] =	vst v63  }
0xae: {  	_ =	swait.ge [sflag:s6], $0x3E8  }
0xaf: {  	[sflag:s6] =	ssyncset.done $0x0  }
0xb0: {  	[sflag:s6] =	ssyncadd.s32 $0xFFFFFC18  }
0xb1: {  	[tilespmem:s4], [sflag:$0x1] =	stream.linear.gather [hbm4b:s14+s4], $0x3E8, $0x38;
	[tilespmem:$0xE38] =	vst v63  }
0xb2: {  	_ =	swait.ge [sflag:s6], $0x3E8  }
0xb3: {  	[sflag:s6] =	ssyncset.done $0x0  }
0xb4: {  	[sflag:s6] =	ssyncadd.s32 $0xFFFFFC18  }
0xb5: {  	[spmem:s1] =	stream.indirect.scatter.add.f32 [tilespmem:s10], [sflag:$0x1], $0x1, s4, s12, $0xb8;
	[tilespmem:$0xE38] =	vst v63  }
0xb6: {  	_ =	swait.ge [sflag:s6], $0x3E8  }
0xb7: {  	[sflag:s6] =	ssyncset.done $0x0  }
0xb8: {  	[sflag:s6] =	ssyncadd.s32 $0xFFFFFC18  }
0xb9: {  	[tilespmem:s4], [sflag:$0x1] =	stream.linear.gather [hbm4b:s15+s4], $0x3E8, $0x38;
	[tilespmem:$0xE38] =	vst v63  }
0xba: {  	_ =	swait.ge [sflag:s6], $0x3E8  }
0xbb: {  	[sflag:s6] =	ssyncset.done $0x0  }
0xbc: {  	[sflag:s6] =	ssyncadd.s32 $0xFFFFFC18  }
0xbd: {  	[spmem:s1] =	stream.indirect.scatter.add.f32 [tilespmem:s10], [sflag:$0x1], $0x1, s4, s12, $0xb8;
	[tilespmem:$0xE38] =	vst v63  }
0xbe: {  	_ =	swait.ge [sflag:s6], $0x3E8  }
0xbf: {  	[sflag:s6] =	ssyncset.done $0x0  }
0xc0: {  	[sflag:s6] =	ssyncadd.s32 $0xFFFFFC18  }
0xc1: {  	[tilespmem:s4], [sflag:$0x1] =	stream.linear.gather [hbm4b:s16+s4], $0x3E8, $0x38;
	[tilespmem:$0xE38] =	vst v63  }
0xc2: {  	_ =	swait.ge [sflag:s6], $0x3E8  }
0xc3: {  	[sflag:s6] =	ssyncset.done $0x0  }
0xc4: {  	[sflag:s6] =	ssyncadd.s32 $0xFFFFFC18  }
0xc5: {  	[spmem:s1] =	stream.indirect.scatter.add.f32 [tilespmem:s10], [sflag:$0x1], $0x1, s4, s12, $0xb8;
	[tilespmem:$0xE38] =	vst v63  }
0xc6: {  	_ =	swait.ge [sflag:s6], $0x3E8  }
0xc7: {  	[sflag:s6] =	ssyncset.done $0x0  }
0xc8: {  	[sflag:s6] =	ssyncadd.s32 $0xFFFFFC18  }
0xc9: {  	[tilespmem:s4], [sflag:$0x1] =	stream.linear.gather [hbm4b:s17+s4], $0x3E8, $0x38;
	[tilespmem:$0xE38] =	vst v63  }
0xca: {  	_ =	swait.ge [sflag:s6], $0x3E8  }
0xcb: {  	[sflag:s6] =	ssyncset.done $0x0  }
0xcc: {  	[sflag:s6] =	ssyncadd.s32 $0xFFFFFC18  }
0xcd: {  	[spmem:s1] =	stream.indirect.scatter.add.f32 [tilespmem:s10], [sflag:$0x1], $0x1, s4, s12, $0xb8;
	[tilespmem:$0xE38] =	vst v63  }
0xce: {  	_ =	swait.ge [sflag:s6], $0x3E8  }
0xcf: {  	[sflag:s6] =	ssyncset.done $0x0  }
0xd0: {  	[sflag:s6] =	ssyncadd.s32 $0xFFFFFC18  }
0xd1: {  	[tilespmem:s4], [sflag:$0x1] =	stream.linear.gather [hbm4b:s18+s4], $0x3E8, $0x38;
	[tilespmem:$0xE38] =	vst v63  }
0xd2: {  	_ =	swait.ge [sflag:s6], $0x3E8  }
0xd3: {  	[sflag:s6] =	ssyncset.done $0x0  }
0xd4: {  	[sflag:s6] =	ssyncadd.s32 $0xFFFFFC18  }
0xd5: {  	[spmem:s1] =	stream.indirect.scatter.add.f32 [tilespmem:s10], [sflag:$0x1], $0x1, s4, s12, $0xb8;
	[tilespmem:$0xE38] =	vst v63  }
0xd6: {  	_ =	swait.ge [sflag:s6], $0x3E8  }
0xd7: {  	[sflag:s6] =	ssyncset.done $0x0  }
0xd8: {  	[sflag:s6] =	ssyncadd.s32 $0xFFFFFC18  }
0xd9: {  	[tilespmem:s4], [sflag:$0x1] =	stream.linear.gather [hbm4b:s19+s4], $0x3E8, $0x38;
	[tilespmem:$0xE38] =	vst v63  }
0xda: {  	_ =	swait.ge [sflag:s6], $0x3E8  }
0xdb: {  	[sflag:s6] =	ssyncset.done $0x0  }
0xdc: {  	[sflag:s6] =	ssyncadd.s32 $0xFFFFFC18  }
0xdd: {  	[spmem:s1] =	stream.indirect.scatter.add.f32 [tilespmem:s10], [sflag:$0x1], $0x1, s4, s12, $0xb8;
	[tilespmem:$0xE38] =	vst v63  }
0xde: {  	_ =	swait.ge [sflag:s6], $0x3E8  }
0xdf: {  	[sflag:s6] =	ssyncset.done $0x0  }
0xe0: {  	[sflag:s6] =	ssyncadd.s32 $0xFFFFFC18  }
0xe1: {  	[tilespmem:s4], [sflag:$0x1] =	stream.linear.gather [hbm4b:s20+s4], $0x3E8, $0x38;
	[tilespmem:$0xE38] =	vst v63  }
0xe2: {  	_ =	swait.ge [sflag:s6], $0x3E8  }
0xe3: {  	[sflag:s6] =	ssyncset.done $0x0  }
0xe4: {  	[sflag:s6] =	ssyncadd.s32 $0xFFFFFC18  }
0xe5: {  	[spmem:s1] =	stream.indirect.scatter.add.f32 [tilespmem:s10], [sflag:$0x1], $0x1, s4, s12, $0xb8;
	[tilespmem:$0xE38] =	vst v63  }
0xe6: {  	_ =	swait.ge [sflag:s6], $0x3E8  }
0xe7: {  	[sflag:s6] =	ssyncset.done $0x0  }
0xe8: {  	[sflag:s6] =	ssyncadd.s32 $0xFFFFFC18  }
0xe9: {  	[tilespmem:s4], [sflag:$0x1] =	stream.linear.gather [hbm4b:s21+s4], $0x3E8, $0x38;
	[tilespmem:$0xE38] =	vst v63  }
0xea: {  	_ =	swait.ge [sflag:s6], $0x3E8  }
0xeb: {  	[sflag:s6] =	ssyncset.done $0x0  }
0xec: {  	[sflag:s6] =	ssyncadd.s32 $0xFFFFFC18  }
0xed: {  	[spmem:s1] =	stream.indirect.scatter.add.f32 [tilespmem:s10], [sflag:$0x1], $0x1, s4, s12, $0xb8;
	[tilespmem:$0xE38] =	vst v63  }
0xee: {  	_ =	swait.ge [sflag:s6], $0x3E8  }
0xef: {  	[sflag:s6] =	ssyncset.done $0x0  }
0xf0: {  	[sflag:s6] =	ssyncadd.s32 $0xFFFFFC18  }
0xf1: {  	[tilespmem:s12], [sflag:$0x1] =	stream.linear.gather [hbm4b:s22+s4], $0x138, $0x38;
	[tilespmem:$0xE38] =	vst v63  }
0xf2: {  	_ =	swait.ge [sflag:s6], $0x138  }
0xf3: {  	[sflag:s6] =	ssyncset.done $0x0  }
0xf4: {  	s23 =	simm.s32 $0x138;
	[sflag:s6] =	ssyncadd.s32 $0xFFFFFEC8  }
0xf5: {  	[spmem:s2] =	stream.indirect.scatter.add.f32 [tilespmem:s10], [sflag:$0x1], $0x1, s12, s23, $0xb8;
	[tilespmem:$0xE38] =	vst v63  }
0xf6: {  	_ =	swait.ge [sflag:s6], $0x138  }
0xf7: {  	[sflag:s6] =	ssyncset.done $0x0  }
0xf8: {  	[sflag:s6] =	ssyncadd.s32 $0xFFFFFEC8  }
0xf9: {  	[tilespmem:s26], [sflag:$0x1] =	stream.linear.gather @!p0 [hbm4b:s24+s25], $0x10, $0x38;
	[tilespmem:$0xE38] =	vst v63  }
0xfa: {  	_ =	swait.ge @!p0 [sflag:s28], $0x10  }
0xfb: {  	[sflag:s28] =	ssyncset.done @!p0 $0x0  }
0xfc: {  	[sflag:s28] =	ssyncadd.s32 @!p0 $0xFFFFFFF0  }
0xfd: {  	[spmem:s2] =	stream.indirect.scatter.add.f32 @!p0 [tilespmem:s30], [sflag:$0x1], $0x1, s26, s29, $0xb8;
	[tilespmem:$0xE38] =	vst v63  }
0xfe: {  	_ =	swait.ge @!p0 [sflag:s28], $0x10  }
0xff: {  	[sflag:s28] =	ssyncset.done @!p0 $0x0  }
0x100: {  	[sflag:s28] =	ssyncadd.s32 @!p0 $0xFFFFFFF0  }
0x101: {  	[bflag:$0x0] =	sbarrier.arrive $0xFFFF  }
0x102: {  	[tilespmem:s7], [sflag:$0x1] =	stream.linear.gather [spmem:s8], $0x280, $0x38;
	[tilespmem:$0xE38] =	vst v63  }
0x103: {  	_ =	swait.ge [sflag:s6], $0x280  }
0x104: {  	[sflag:s6] =	ssyncset.done $0x0  }
0x105: {  	[sflag:s6] =	ssyncadd.s32 $0xFFFFFD80  }
0x106: {  	[hbm4b:s31+s4] =	stream.linear.scatter [tilespmem:s7], [sflag:$0x1], $0x280, $0x38;
	[tilespmem:$0xE38] =	vst v63  }
0x107: {  	_ =	swait.ge [sflag:s6], $0x280  }
0x108: {  	[sflag:s6] =	ssyncset.done $0x0  }
0x109: {  	s3 =	sadd.s32 $0xFFFFFFFF, s3;
	[sflag:s6] =	ssyncadd.s32 $0xFFFFFD80  }
0x10a: {  	[tilespmem:s7], [sflag:$0x1] =	stream.linear.gather [spmem:s9], $0x20, $0x38;
	[tilespmem:$0xE38] =	vst v63  }
0x10b: {  	p1 =	sne.s32 s3, $0x0;
	_ =	swait.ge [sflag:s6], $0x20  }
.Ltmp1:
0x10c: {  	[sflag:s6] =	ssyncset.done $0x0;
	(pc) =	sbr.rel @p1 .LBB2_1-.Ltmp1, $4  }
0x10d: {  	[sflag:s6] =	ssyncadd.s32 $0xFFFFFFE0  }
0x10e: {  	[hbm4b:s0+s4] =	stream.linear.scatter [tilespmem:s7], [sflag:$0x1], $0x20, $0x38;
	[tilespmem:$0xE38] =	vst v63  }
0x10f: {  	_ =	swait.ge [sflag:s6], $0x20  }
0x110: {  	[sflag:s6] =	ssyncset.done $0x0  }
.LBB2_2:
0x111: {  	[sflag:s6] =	ssyncadd.s32 $0xFFFFFFE0  }
0x112: {  	_ =	sfence.sel $0x180000  }
0x113: {  	[bflag:$0x0] =	sbarrier.arrive $0xFFFF  }
0x114: {  	_ =	strace $0x90000047  }
0x115: {  	s0 =	stileid.u32;
	[bflag:$0x2] =	sbarrier.arrive $0xFFFF  }
0x116: {  	p0 =	sne.s32 s0, $0x0;
	s0 =	rddreg [dreg:$0x6]  }
0x117: {  	s0 =	sadd.s32 @!p0 $0x100000, s0  }
0x118: {  	[sflag:s0] =	ssyncadd.tile.s32 @!p0 $0x1;
	_ =	shalt  }
.Lfunc_end2:
_tile_overlayer_lowered:
.L_overlay_start_2:
0x119: {  	(tag) =	ssettag $0x2  }
0x11a: {  	s0 =	rddreg [dreg:$0x0];
	s2 =	stileid.u32  }
0x11b: {  	s1 =	rddreg [dreg:$0x1];
	p0 =	sne.s32 s2, $0x0  }
0x11c: {  	s3 =	rddreg [dreg:$0x2];
	[bflag:$0x3] =	sbarrier.arrive $0xFFFF;
	s2 =	simm.s32 @!p0 $0x1C01  }
0x11d: {  	[timem:s3], [sflag:s2] =	dma.local @!p0 [hbm:s0], s1  }
0x11e: {  	s0 =	simm.s32 @!p0 $0x1  }
0x11f: {  	_ =	swait.ge @!p0 [sflag:s0], s1  }
0x120: {  	s1 =	ssub.s32 @!p0 $0x0, s1;
	[sflag:s0] =	ssyncset.done @!p0 $0x0  }
0x121: {  	[sflag:s0] =	ssyncadd.s32 @!p0 s1  }
0x122: {  	[bflag:$0x3] =	sbarrier.arrive $0xFFFF  }
0x123: {  	_ =	shalt  }

// kernel: kernel.15.cloned.1.call-start
scs
__scs_entry_jumppad:
0x0: {  	(pc) =	sbr.rel $0x88, $3  }
0x1: {  	(tag) =	ssettag $0x0;
	lr =	simm.s32 $0x1  }
0x2: {  	[smem:$0x3F8C] =	sst lr;
	_ =	strace $0xD0000000  }
0x3: {  	_ = 	snop  }
0x4: {  	_ = 	snop  }
0x5: {  	_ = 	snop  }
0x6: {  	_ = 	snop  }
0x7: {  	_ = 	snop  }
__scs_overlays_trampoline_lowered:
0x8: {  	[smem:$0x3F9B] =	sst s0  }
0x9: {  	[smem:$0x3F9C] =	sst s1  }
0xa: {  	[smem:$0x3F9D] =	sst s2  }
0xb: {  	[smem:$0x3F9E] =	sst s3  }
0xc: {  	[smem:$0x3F9F] =	sst s4  }
0xd: {  	[smem:$0x3FA0] =	sst s5  }
0xe: {  	[smem:$0x3FA1] =	sst s6  }
0xf: {  	[smem:$0x3FA2] =	sst s7  }
0x10: {  	[smem:$0x3FA3] =	sst s8  }
0x11: {  	[smem:$0x3FA4] =	sst s9;
	s0 =	simm.s32 @!p0 $0x0  }
0x12: {  	s1 =	sld [smem:$0x3F8A];
	s0 =	simm.s32 @p0 $0x1  }
0x13: {  	[smem:$0x3FA5] =	sst s0;
	s0 =	simm.s32 @!p1 $0x0  }
0x14: {  	s2 =	sld [smem:$0x3F89];
	s0 =	simm.s32 @p1 $0x1  }
0x15: {  	[smem:$0x3FA6] =	sst s0;
	s0 =	simm.s32 @!p2 $0x0  }
0x16: {  	s3 =	sld [smem:$0x3FDB];
	s0 =	simm.s32 @p2 $0x1  }
0x17: {  	s4 =	simm.s32 $0x1BF5;
	[smem:$0x3FA8] =	sst s0  }
0x18: {  	s0 =	sld [smem:$0x3F8B];
	_ =	swait.ge [sflag:s4], $0x0  }
0x19: {  	s7 =	sld [smem:$0x3F8C]  }
0x1a: {  	s8 =	sadd.s32 $0xFFFFE003, lr  }
0x1b: {  	s9 =	sadd.s32 $0xFFFFFEF7, lr;
	s5 =	simm.s32 $0xFFFFFFFF;
	p2 =	slt.u32 s8, $0xFFFFF086  }
0x1c: {  	p1 =	slt.u32 s9, $0xF7A;
	s5 =	simm.s32 @!p2 $0x0  }
0x1d: {  	s5 =	simm.s32 @p1 $0x1;
	p0 =	seq.s32 s7, s2  }
0x1e: {  	s7 =	smul.u32 @!p0 $0xF7A, s2;
	p2 =	seq.s32 @!p0 s5, $0x0  }
0x1f: {  	s9 =	smul.u32 $0xF7A, s1;
	s8 =	simm.s32 @!p0 $0x1BF5;
	p2 =	por !p2, p0  }
0x20: {  	[sflag:s8] =	ssyncset.s32 @!p0 $0xFFFFF086;
	s6 =	sadd.s32 @!p0 s3, s7;
	s7 =	simm.s32 @!p0 $0x108  }
0x21: {  	s3 =	sadd.s32 s3, s9;
	s6 =	sadd.s32 @!p0 $0x88, s6;
	s7 =	simm.s32 @p2 $0x1082  }
0x22: {  	[simem:s7], [sflag:s8] =	dma.local @!p0 [hbm:s6], $0xF7A  }
0x23: {  	s9 =	sor.u32 $0xD0000000, s2;
	s6 =	simm.s32 $0x108;
	_ =	swait.ge @!p0 [sflag:s8], $0x0  }
0x24: {  	s3 =	sadd.s32 $0x88, s3;
	s6 =	simm.s32 @!p1 $0x1082;
	[sflag:s4] =	ssyncset.s32 $0xFFFFF086  }
0x25: {  	[simem:s6], [sflag:s4] =	dma.local [hbm:s3], $0xF7A  }
0x26: {  	[smem:$0x3F8C] =	sst s1;
	(tag) =	ssettag s2;
	_ =	strace s9  }
0x27: {  	s1 =	sld [smem:$0x3F9C]  }
0x28: {  	s2 =	sld [smem:$0x3F9D]  }
0x29: {  	s4 =	sld [smem:$0x3F9F]  }
0x2a: {  	p0 =	seq.s32 s5, $0x0;
	s5 =	sld [smem:$0x3FA0]  }
0x2b: {  	s6 =	sld [smem:$0x3FA1]  }
0x2c: {  	s7 =	sld [smem:$0x3FA2]  }
0x2d: {  	s3 =	simm.s32 $0x108;
	s8 =	sld [smem:$0x3FA3]  }
0x2e: {  	s3 =	simm.s32 @!p0 $0x1082;
	s9 =	sld [smem:$0x3FA4]  }
0x2f: {  	lr =	sadd.s32 s0, s3;
	s0 =	sld [smem:$0x3F9B]  }
0x30: {  	s3 =	sld [smem:$0x3F9E]  }
0x31: {  	[smem:$0x3FA7] =	sst s10  }
0x32: {  	s10 =	sld [smem:$0x3FA5];
	_ =	sdelay $0x3  }
0x33: {  	p0 =	seq.s32 s10, $0x1;
	s10 =	sld [smem:$0x3FA7];
	_ =	sdelay $0x3  }
0x34: {  	[smem:$0x3FA7] =	sst s10  }
0x35: {  	s10 =	sld [smem:$0x3FA6];
	_ =	sdelay $0x3  }
0x36: {  	p1 =	seq.s32 s10, $0x1;
	s10 =	sld [smem:$0x3FA7];
	_ =	sdelay $0x3  }
0x37: {  	[smem:$0x3FA7] =	sst s10  }
0x38: {  	s10 =	sld [smem:$0x3FA8]  }
0x39: {  	_ = 	snop;
	(pc) =	sbr.ind lr, $3  }
0x3a: {  	_ = 	snop  }
0x3b: {  	_ = 	snop  }
0x3c: {  	p2 =	seq.s32 s10, $0x1;
	s10 =	sld [smem:$0x3FA7]  }
0x3d: {  	_ =	shalt  }
0x3e: {  	_ =	shalt  }
0x3f: {  	_ =	shalt  }
0x40: {  	_ =	shalt  }
0x41: {  	_ =	shalt  }
0x42: {  	_ =	shalt  }
0x43: {  	_ =	shalt  }
0x44: {  	_ =	shalt  }
0x45: {  	_ =	shalt  }
0x46: {  	_ =	shalt  }
0x47: {  	_ =	shalt  }
0x48: {  	_ =	shalt  }
0x49: {  	_ =	shalt  }
0x4a: {  	_ =	shalt  }
0x4b: {  	_ =	shalt  }
0x4c: {  	_ =	shalt  }
0x4d: {  	_ =	shalt  }
0x4e: {  	_ =	shalt  }
0x4f: {  	_ =	shalt  }
0x50: {  	_ =	shalt  }
0x51: {  	_ =	shalt  }
0x52: {  	_ =	shalt  }
0x53: {  	_ =	shalt  }
0x54: {  	_ =	shalt  }
0x55: {  	_ =	shalt  }
0x56: {  	_ =	shalt  }
0x57: {  	_ =	shalt  }
0x58: {  	_ =	shalt  }
0x59: {  	_ =	shalt  }
0x5a: {  	_ =	shalt  }
0x5b: {  	_ =	shalt  }
0x5c: {  	_ =	shalt  }
0x5d: {  	_ =	shalt  }
0x5e: {  	_ =	shalt  }
0x5f: {  	_ =	shalt  }
0x60: {  	_ =	shalt  }
0x61: {  	_ =	shalt  }
0x62: {  	_ =	shalt  }
0x63: {  	_ =	shalt  }
0x64: {  	_ =	shalt  }
0x65: {  	_ =	shalt  }
0x66: {  	_ =	shalt  }
0x67: {  	_ =	shalt  }
0x68: {  	_ =	shalt  }
0x69: {  	_ =	shalt  }
0x6a: {  	_ =	shalt  }
0x6b: {  	_ =	shalt  }
0x6c: {  	_ =	shalt  }
0x6d: {  	_ =	shalt  }
0x6e: {  	_ =	shalt  }
0x6f: {  	_ =	shalt  }
0x70: {  	_ =	shalt  }
0x71: {  	_ =	shalt  }
0x72: {  	_ =	shalt  }
0x73: {  	_ =	shalt  }
0x74: {  	_ =	shalt  }
0x75: {  	_ =	shalt  }
0x76: {  	_ =	shalt  }
0x77: {  	_ =	shalt  }
0x78: {  	_ =	shalt  }
0x79: {  	_ =	shalt  }
0x7a: {  	_ =	shalt  }
0x7b: {  	_ =	shalt  }
0x7c: {  	_ =	shalt  }
0x7d: {  	_ =	shalt  }
0x7e: {  	_ =	shalt  }
0x7f: {  	_ =	shalt  }
0x80: {  	_ =	shalt  }
0x81: {  	_ =	shalt  }
0x82: {  	_ =	shalt  }
0x83: {  	_ =	shalt  }
0x84: {  	_ =	shalt  }
0x85: {  	_ =	shalt  }
0x86: {  	_ =	shalt  }
0x87: {  	_ =	shalt  }
.Lfunc_end0:
.L_simem_size_0:
called_computation.1_lowered:
.L_overlay_start_0:
0x88: {  	s2 =	sld [smem:$0x3FD9]  }
0x89: {  	s3 =	sld [smem:$0x3FFE];
	_ =	sdelay $0x1  }
0x8a: {  	s1 =	srdreg.scid  }
0x8b: {  	s0 =	sand.u32 $0x1, s1  }
0x8c: {  	s16 =	sshll.u32 s0, $0xA;
	s2 =	sadd.s32 s3, s2  }
0x8d: {  	s2 =	sadd.s32 s2, s16  }
0x8e: {  	[smem:$0x3FB3] =	sst s2  }
0x8f: {  	_ = 	snop  }
0x90: {  	(tm) =	ssettm $0x1  }
0x91: {  	s17 =	sld [smem:$0x3FFB];
	_ =	sdelay $0x3  }
0x92: {  	_ =	strace s17  }
0x93: {  	s2 =	sld [smem:$0x3FFC];
	_ =	sdelay $0x3  }
0x94: {  	_ =	strace s2  }
0x95: {  	s2 =	sld [smem:$0x3FFD];
	_ =	sdelay $0x3  }
0x96: {  	_ =	strace s2  }
0x97: {  	_ =	strace $0x8FFFFFFF  }
0x98: {  	s18 =	sld [smem:$0x3FDB];
	_ =	sdelay $0x1  }
0x99: {  	s19 =	simm.s32 $_scs_section_size  }
0x9a: {  	s4 =	simm.s32 $_size__tile_overlayer_lowered;
	s5 =	simm.s32 $_tile_overlayer_lowered  }
0x9b: {  	s22 =	simm.s32 $0x1BFF;
	s21 =	sshll.u32 s5, $0x1;
	s2 =	sadd.s32 s19, s18  }
0x9c: {  	s6 =	simm.s32 $0x0;
	s20 =	sshll.u32 s4, $0x1;
	s4 =	sadd.s32 s21, s2  }
0x9d: {  	[timem:s6], [sflag:s22] =	dma.local [hbm:s4], s20  }
0x9e: {  	_ =	swait.ge [sflag:s22], s20  }
0x9f: {  	s3 =	ssub.s32 $0x0, s20;
	[sflag:s22] =	ssyncset.done $0x0  }
0xa0: {  	[sflag:s22] =	ssyncadd.s32 s3;
	_ =	sdelay $0x1  }
0xa1: {  	s23 =	simm.s32 $0x1B8B  }
0xa2: {  	_ =	swait.ge [sflag:s23], $0x1  }
0xa3: {  	[sflag:s23] =	ssyncset.done $0x0  }
0xa4: {  	s25 =	simm.s32 $0x1B8E;
	s24 =	sld [smem:$0x3FFE];
	[sflag:s23] =	ssyncadd.s32 $0xFFFFFFFF  }
0xa5: {  	s26 =	simm.s32 $execute0_lowered;
	[smem:$0x3FD2] =	sst s25  }
0xa6: {  	s4 =	sshll.u32 s26, $0x1;
	_ =	strace $0x80000049;
	[dreg:$0x1] =	wrdreg $0xFFFFFFFF  }
0xa7: {  	s28 =	simm.s32 $_size_execute0_lowered;
	s2 =	sadd.s32 s2, s4;
	[dreg:$0x0] =	wrdreg $0x0  }
0xa8: {  	s4 =	sshll.u32 s28, $0x1;
	[dreg:$0x2] =	wrdreg s2  }
0xa9: {  	[dreg:$0x3] =	wrdreg s4  }
0xaa: {  	[dreg:$0x4] =	wrdreg $0xC0  }
0xab: {  	_ =	task [dreg:s6], $0x5FFFF  }
0xac: {  	[dreg:$0x1] =	wrdreg $0xFFFFFFFF  }
0xad: {  	[dreg:$0x0] =	wrdreg $0x60  }
0xae: {  	[dreg:$0x2] =	wrdreg s24  }
0xaf: {  	[dreg:$0x3] =	wrdreg $0x101D00  }
0xb0: {  	[dreg:$0x4] =	wrdreg $0x9  }
0xb1: {  	_ =	task.clear_ibuf [dreg:s6], $0x5FFFF;
	_ =	strace $0x90000049  }
0xb2: {  	s29 =	simm.s32 $0x9;
	_ =	strace $0x8000004B  }
0xb3: {  	_ =	swait.ge [sflag:s29], $0x1  }
0xb4: {  	[sflag:s29] =	ssyncadd.s32 $0xFFFFFFFF  }
0xb5: {  	_ =	strace $0x9000004B  }
0xb6: {  	_ =	sfence  }
0xb7: {  	s30 =	sld [smem:$0x0];
	_ =	sdelay $0x2  }
0xb8: {  	s31 =	sshll.u32 s1, $0xD;
	s1 =	sshrl.u32 s1, $0x2  }
0xb9: {  	s3 =	sand.u32 $0x4000, s31;
	s1 =	sadd.s32 s1, s30  }
0xba: {  	s0 =	sor.u32 s3, s0;
	s1 =	sshll.u32 s1, $0x11  }
0xbb: {  	s0 =	sor.u32 s1, s0  }
0xbc: {  	s0 =	sadd.s32 $0x8F2B, s0  }
0xbd: {  	[sflag:s0] =	ssyncadd.remote.s32 $0x1  }
0xbe: {  	_ =	sfence.sel $0xFFFF  }
0xbf: {  	[dreg:$0x0] =	wrdreg $0xFFFFFFFF;
	(pc) =	sbr.abs _section_cstart, $3  }
0xc0: {  	[dreg:$0x1] =	wrdreg $0xFFFFFFFF  }
0xc1: {  	_ =	task.clear_ibuf [dreg:s6], $0x2FFFF;
	_ =	strace $0x9FFFFFFF  }
0xc2: {  	(tm) =	ssettm $0x7FFFFFFF  }
0xc3: {  	_ =	shalt  }
tec
execute0_lowered:
.L_overlay_start_1:
0x0: {  	(tag) =	ssettag $0x1  }
0x1: {  	s7 =	rddreg [dreg:$0x0]  }
0x2: {  	s2 =	rddreg [dreg:$0x1]  }
0x3: {  	s0 =	srdreg.scid;
	s1 =	rddreg [dreg:$0x2];
	s3 =	simm.s32 $0x0  }
0x4: {  	s15 =	simm.s32 $0x1;
	s16 =	simm.s32 $0x3E8;
	s5 =	sand.u32 $0x1, s0  }
0x5: {  	s17 =	simm.s32 $0x0;
	s0 =	stileid.u32;
	s4 =	smul.u32 $0x27100, s5  }
0x6: {  	[smem:$0x7FF] =	sst s3;
	s12 =	sadd.s32 $0x67A00, s7;
	s6 =	smul.u32 $0x2710, s0  }
0x7: {  	_ =	strace $0x8000004A;
	s8 =	smul.u32 $0x9C00, s0;
	s28 =	ssub.s32 $0x2, s5  }
0x8: {  	s11 =	smul.u32 $0x9C400, s5;
	p0 =	sne.s32 s0, $0xF;
	s10 =	sshrl.u32 s28, $0x1  }
0x9: {  	s4 =	sadd.s32 s6, s4;
	s9 =	sshrl.u32 s8, $0x3;
	s14 =	ssub.s32 s28, s10  }
0xa: {  	s31 =	sshrl.u32 s11, $0x3;
	s6 =	sshrl.u32 s4, $0x3;
	s4 =	sadd.s32 $0x40600, s7  }
0xb: {  	s29 =	sadd.s32 s9, s7;
	s10 =	sadd.s32 s12, s31;
	s13 =	sadd.s32 s6, s7  }
0xc: {  	s5 =	sadd.s32 $0x54000, s29;
	s6 =	sadd.s32 s8, s2;
	s8 =	sadd.s32 s8, s11  }
0xd: {  	s7 =	sadd.s32 $0x67800, s7;
	s10 =	sadd.s32 $0x13800, s10;
	s11 =	smax.u32 s14, $0x1  }
0xe: {  	s14 =	simm.s32 $0x7D0;
	s30 =	sshrl.u32 s8, $0x3;
	s8 =	sadd.s32 $0x9C000, s2  }
0xf: {  	s9 =	sadd.s32 s12, s30;
	s12 =	sadd.s32 $0x5000, s13;
	s13 =	sadd.s32 $0xEE00, s13  }
.LBB2_1:
0x10: {  	[tilespmem:s14], [sflag:$0x1] =	stream.linear.gather [hbm4b:s5+s3], $0x9C00, $0x38;
	[tilespmem:$0x19E10] =	vst v63  }
0x11: {  	_ =	swait.ge [sflag:s15], $0x9C00  }
0x12: {  	[sflag:s15] =	ssyncset.done $0x0  }
0x13: {  	[sflag:s15] =	ssyncadd.s32 $0xFFFF6400  }
0x14: {  	[spmem:s6] =	stream.linear.scatter [tilespmem:s14], [sflag:$0x1], $0x9C00, $0x38;
	[tilespmem:$0x19E10] =	vst v63  }
0x15: {  	_ =	swait.ge [sflag:s15], $0x9C00  }
0x16: {  	[sflag:s15] =	ssyncset.done $0x0  }
0x17: {  	s18 =	simm.s32 @!p0 $0x0;
	s19 =	simm.s32 @!p0 $0xA3D0;
	[sflag:s15] =	ssyncadd.s32 $0xFFFF6400  }
0x18: {  	[tilespmem:s19], [sflag:$0x1] =	stream.linear.gather @!p0 [hbm4b:s7+s18], $0x400, $0x38;
	[tilespmem:$0x19E10] =	vst v63  }
0x19: {  	s18 =	simm.s32 @!p0 $0x1  }
0x1a: {  	_ =	swait.ge @!p0 [sflag:s18], $0x400  }
0x1b: {  	[sflag:s18] =	ssyncset.done @!p0 $0x0  }
0x1c: {  	[sflag:s18] =	ssyncadd.s32 @!p0 $0xFFFFFC00  }
0x1d: {  	[spmem:s8] =	stream.linear.scatter @!p0 [tilespmem:s19], [sflag:$0x1], $0x400, $0x38;
	[tilespmem:$0x19E10] =	vst v63  }
0x1e: {  	_ =	swait.ge @!p0 [sflag:s18], $0x400  }
0x1f: {  	[sflag:s18] =	ssyncset.done @!p0 $0x0  }
0x20: {  	[sflag:s18] =	ssyncadd.s32 @!p0 $0xFFFFFC00  }
0x21: {  	s30 =	sadd.s32 $0x0, s13;
	[bflag:$0x0] =	sbarrier.arrive $0xFFFF  }
0x22: {  	[tilespmem:s3], [sflag:$0x1] =	stream.linear.gather [hbm4b:s30+s3], $0x3E8, $0x38;
	[tilespmem:$0x19E10] =	vst v63  }
0x23: {  	_ =	swait.ge [sflag:s15], $0x3E8  }
0x24: {  	[sflag:s15] =	ssyncset.done $0x0  }
0x25: {  	s31 =	sadd.s32 $0x0, s12;
	[sflag:s15] =	ssyncadd.s32 $0xFFFFFC18  }
0x26: {  	[tilespmem:s16], [sflag:$0x1] =	stream.linear.gather [hbm4b:s31+s3], $0x3E8, $0x38;
	[tilespmem:$0x19E10] =	vst v63  }
0x27: {  	_ =	swait.ge [sflag:s15], $0x3E8  }
0x28: {  	[sflag:s15] =	ssyncset.done $0x0  }
0x29: {  	[sflag:s15] =	ssyncadd.s32 $0xFFFFFC18  }
0x2a: {  	[tilespmem:s14], [sflag:$0x1] =	stream.indirect.gather [hbm4b:s4+s16], $0x40, s3, s16, $0xb8;
	[tilespmem:$0x19E10] =	vst v63  }
0x2b: {  	_ =	swait.ge [sflag:s15], $0xFA00  }
0x2c: {  	[sflag:s15] =	ssyncset.done $0x0  }
0x2d: {  	[sflag:s15] =	ssyncadd.s32 $0xFFFF0600  }
0x2e: {  	[spmem:s2] =	stream.indirect.scatter.add.f32 [tilespmem:s14], [sflag:$0x1], $0x40, s16, s16, $0xb8;
	[tilespmem:$0x19E10] =	vst v63  }
0x2f: {  	_ =	swait.ge [sflag:s15], $0xFA00  }
0x30: {  	s19 =	simm.s32 $0xFA;
	s18 =	simm.s32 $0x7D;
	[sflag:s15] =	ssyncset.done $0x0  }
.LBB2_2:
0x31: {  	s20 =	sadd.s32 s18, s13  }
0x32: {  	[sflag:s15] =	ssyncadd.s32 $0xFFFF0600;
	s21 =	smov.u32 s19;
	s22 =	sadd.s32 $0x7D, s19  }
0x33: {  	[tilespmem:s3], [sflag:$0x1] =	stream.linear.gather [hbm4b:s20+s3], $0x3E8, $0x38;
	[tilespmem:$0x19E10] =	vst v63  }
0x34: {  	p1 =	sne.s32 s19, $0x465;
	_ =	swait.ge [sflag:s15], $0x3E8  }
0x35: {  	[sflag:s15] =	ssyncset.done $0x0  }
0x36: {  	s19 =	sadd.s32 s18, s12;
	s18 =	smov.u32 s21;
	[sflag:s15] =	ssyncadd.s32 $0xFFFFFC18  }
0x37: {  	[tilespmem:s16], [sflag:$0x1] =	stream.linear.gather [hbm4b:s19+s3], $0x3E8, $0x38;
	[tilespmem:$0x19E10] =	vst v63  }
0x38: {  	_ =	swait.ge [sflag:s15], $0x3E8  }
0x39: {  	[sflag:s15] =	ssyncset.done $0x0  }
0x3a: {  	[sflag:s15] =	ssyncadd.s32 $0xFFFFFC18  }
0x3b: {  	[tilespmem:s14], [sflag:$0x1] =	stream.indirect.gather [hbm4b:s4+s16], $0x40, s3, s16, $0xb8;
	[tilespmem:$0x19E10] =	vst v63  }
0x3c: {  	_ =	swait.ge [sflag:s15], $0xFA00  }
.Ltmp0:
0x3d: {  	[sflag:s15] =	ssyncset.done $0x0;
	(pc) =	sbr.rel @p1 .LBB2_2-.Ltmp0, $4  }
0x3e: {  	[sflag:s15] =	ssyncadd.s32 $0xFFFF0600  }
0x3f: {  	[spmem:s2] =	stream.indirect.scatter.add.f32 [tilespmem:s14], [sflag:$0x1], $0x40, s16, s16, $0xb8;
	[tilespmem:$0x19E10] =	vst v63  }
0x40: {  	_ =	swait.ge [sflag:s15], $0xFA00  }
0x41: {  	s19 =	smov.u32 s22;
	[sflag:s15] =	ssyncset.done $0x0  }
0x42: {  	s19 =	sadd.s32 s18, s13;
	[sflag:s15] =	ssyncadd.s32 $0xFFFF0600  }
0x43: {  	[tilespmem:s3], [sflag:$0x1] =	stream.linear.gather [hbm4b:s19+s3], $0x3E8, $0x38;
	[tilespmem:$0x19E10] =	vst v63  }
0x44: {  	_ =	swait.ge [sflag:s15], $0x3E8  }
0x45: {  	[sflag:s15] =	ssyncset.done $0x0  }
0x46: {  	s31 =	sadd.s32 s18, s12;
	[sflag:s15] =	ssyncadd.s32 $0xFFFFFC18  }
0x47: {  	[tilespmem:s16], [sflag:$0x1] =	stream.linear.gather [hbm4b:s31+s3], $0x3E8, $0x38;
	[tilespmem:$0x19E10] =	vst v63  }
0x48: {  	_ =	swait.ge [sflag:s15], $0x3E8  }
0x49: {  	[sflag:s15] =	ssyncset.done $0x0  }
0x4a: {  	[sflag:s15] =	ssyncadd.s32 $0xFFFFFC18  }
0x4b: {  	[tilespmem:s14], [sflag:$0x1] =	stream.indirect.gather [hbm4b:s4+s16], $0x40, s3, s16, $0xb8;
	[tilespmem:$0x19E10] =	vst v63  }
0x4c: {  	_ =	swait.ge [sflag:s15], $0xFA00  }
0x4d: {  	[sflag:s15] =	ssyncset.done $0x0  }
0x4e: {  	[sflag:s15] =	ssyncadd.s32 $0xFFFF0600  }
0x4f: {  	[spmem:s2] =	stream.indirect.scatter.add.f32 [tilespmem:s14], [sflag:$0x1], $0x40, s16, s16, $0xb8;
	[tilespmem:$0x19E10] =	vst v63  }
0x50: {  	_ =	swait.ge [sflag:s15], $0xFA00  }
0x51: {  	[sflag:s15] =	ssyncset.done $0x0  }
0x52: {  	[sflag:s15] =	ssyncadd.s32 $0xFFFF0600  }
0x53: {  	[bflag:$0x0] =	sbarrier.arrive $0xFFFF  }
0x54: {  	[tilespmem:s14], [sflag:$0x1] =	stream.linear.gather [spmem:s6], $0x9C00, $0x38;
	[tilespmem:$0x19E10] =	vst v63  }
0x55: {  	_ =	swait.ge [sflag:s15], $0x9C00  }
0x56: {  	[sflag:s15] =	ssyncset.done $0x0  }
0x57: {  	[sflag:s15] =	ssyncadd.s32 $0xFFFF6400  }
0x58: {  	[hbm4b:s9+s3] =	stream.linear.scatter [tilespmem:s14], [sflag:$0x1], $0x9C00, $0x38;
	[tilespmem:$0x19E10] =	vst v63  }
0x59: {  	_ =	swait.ge [sflag:s15], $0x9C00  }
0x5a: {  	[sflag:s15] =	ssyncset.done $0x0  }
0x5b: {  	s18 =	simm.s32 @!p0 $0xA3D0;
	s19 =	simm.s32 @!p0 $0x1;
	[sflag:s15] =	ssyncadd.s32 $0xFFFF6400  }
0x5c: {  	[tilespmem:s18], [sflag:$0x1] =	stream.linear.gather @!p0 [spmem:s8], $0x400, $0x38;
	[tilespmem:$0x19E10] =	vst v63  }
0x5d: {  	s17 =	sadd.s32 $0x1, s17;
	_ =	swait.ge @!p0 [sflag:s19], $0x400  }
0x5e: {  	p1 =	sne.s32 s17, s11;
	[sflag:s19] =	ssyncset.done @!p0 $0x0  }
.Ltmp1:
0x5f: {  	s20 =	simm.s32 @!p0 $0x0;
	[sflag:s19] =	ssyncadd.s32 @!p0 $0xFFFFFC00;
	(pc) =	sbr.rel @p1 .LBB2_1-.Ltmp1, $4  }
0x60: {  	[hbm4b:s10+s20] =	stream.linear.scatter @!p0 [tilespmem:s18], [sflag:$0x1], $0x400, $0x38;
	[tilespmem:$0x19E10] =	vst v63  }
0x61: {  	_ =	swait.ge @!p0 [sflag:s19], $0x400  }
0x62: {  	[sflag:s19] =	ssyncset.done @!p0 $0x0  }
0x63: {  	[sflag:s19] =	ssyncadd.s32 @!p0 $0xFFFFFC00  }
0x64: {  	_ =	sfence.sel $0x180000  }
0x65: {  	[bflag:$0x0] =	sbarrier.arrive $0xFFFF  }
0x66: {  	p0 =	sne.s32 s0, $0x0;
	_ =	strace $0x9000004A  }
0x67: {  	s0 =	sadd.s32 @!p0 $0x100000, s1;
	[bflag:$0x2] =	sbarrier.arrive $0xFFFF  }
0x68: {  	[sflag:s0] =	ssyncadd.tile.s32 @!p0 $0x1;
	_ =	shalt  }
.Lfunc_end2:
_tile_overlayer_lowered:
.L_overlay_start_2:
0x69: {  	(tag) =	ssettag $0x2  }
0x6a: {  	s0 =	rddreg [dreg:$0x0];
	s2 =	stileid.u32  }
0x6b: {  	s1 =	rddreg [dreg:$0x1];
	p0 =	sne.s32 s2, $0x0  }
0x6c: {  	s3 =	rddreg [dreg:$0x2];
	[bflag:$0x3] =	sbarrier.arrive $0xFFFF;
	s2 =	simm.s32 @!p0 $0x1C01  }
0x6d: {  	[timem:s3], [sflag:s2] =	dma.local @!p0 [hbm:s0], s1  }
0x6e: {  	s0 =	simm.s32 @!p0 $0x1  }
0x6f: {  	_ =	swait.ge @!p0 [sflag:s0], s1  }
0x70: {  	s1 =	ssub.s32 @!p0 $0x0, s1;
	[sflag:s0] =	ssyncset.done @!p0 $0x0  }
0x71: {  	[sflag:s0] =	ssyncadd.s32 @!p0 s1  }
0x72: {  	[bflag:$0x3] =	sbarrier.arrive $0xFFFF  }
0x73: {  	_ =	shalt  }

// kernel: kernel.18.cloned.1.call-start
scs
__scs_entry_jumppad:
0x0: {  	(pc) =	sbr.rel $0x88, $3  }
0x1: {  	(tag) =	ssettag $0x0;
	lr =	simm.s32 $0x1  }
0x2: {  	[smem:$0x3F8C] =	sst lr;
	_ =	strace $0xD0000000  }
0x3: {  	_ = 	snop  }
0x4: {  	_ = 	snop  }
0x5: {  	_ = 	snop  }
0x6: {  	_ = 	snop  }
0x7: {  	_ = 	snop  }
__scs_overlays_trampoline_lowered:
0x8: {  	[smem:$0x3F9B] =	sst s0  }
0x9: {  	[smem:$0x3F9C] =	sst s1  }
0xa: {  	[smem:$0x3F9D] =	sst s2  }
0xb: {  	[smem:$0x3F9E] =	sst s3  }
0xc: {  	[smem:$0x3F9F] =	sst s4  }
0xd: {  	[smem:$0x3FA0] =	sst s5  }
0xe: {  	[smem:$0x3FA1] =	sst s6  }
0xf: {  	[smem:$0x3FA2] =	sst s7  }
0x10: {  	[smem:$0x3FA3] =	sst s8  }
0x11: {  	[smem:$0x3FA4] =	sst s9;
	s0 =	simm.s32 @!p0 $0x0  }
0x12: {  	s1 =	sld [smem:$0x3F8A];
	s0 =	simm.s32 @p0 $0x1  }
0x13: {  	[smem:$0x3FA5] =	sst s0;
	s0 =	simm.s32 @!p1 $0x0  }
0x14: {  	s2 =	sld [smem:$0x3F89];
	s0 =	simm.s32 @p1 $0x1  }
0x15: {  	[smem:$0x3FA6] =	sst s0;
	s0 =	simm.s32 @!p2 $0x0  }
0x16: {  	s3 =	sld [smem:$0x3FDB];
	s0 =	simm.s32 @p2 $0x1  }
0x17: {  	s4 =	simm.s32 $0x1BF5;
	[smem:$0x3FA8] =	sst s0  }
0x18: {  	s0 =	sld [smem:$0x3F8B];
	_ =	swait.ge [sflag:s4], $0x0  }
0x19: {  	s7 =	sld [smem:$0x3F8C]  }
0x1a: {  	s8 =	sadd.s32 $0xFFFFE003, lr  }
0x1b: {  	s9 =	sadd.s32 $0xFFFFFEF7, lr;
	s5 =	simm.s32 $0xFFFFFFFF;
	p2 =	slt.u32 s8, $0xFFFFF086  }
0x1c: {  	p1 =	slt.u32 s9, $0xF7A;
	s5 =	simm.s32 @!p2 $0x0  }
0x1d: {  	s5 =	simm.s32 @p1 $0x1;
	p0 =	seq.s32 s7, s2  }
0x1e: {  	s7 =	smul.u32 @!p0 $0xF7A, s2;
	p2 =	seq.s32 @!p0 s5, $0x0  }
0x1f: {  	s9 =	smul.u32 $0xF7A, s1;
	s8 =	simm.s32 @!p0 $0x1BF5;
	p2 =	por !p2, p0  }
0x20: {  	[sflag:s8] =	ssyncset.s32 @!p0 $0xFFFFF086;
	s6 =	sadd.s32 @!p0 s3, s7;
	s7 =	simm.s32 @!p0 $0x108  }
0x21: {  	s3 =	sadd.s32 s3, s9;
	s6 =	sadd.s32 @!p0 $0x88, s6;
	s7 =	simm.s32 @p2 $0x1082  }
0x22: {  	[simem:s7], [sflag:s8] =	dma.local @!p0 [hbm:s6], $0xF7A  }
0x23: {  	s9 =	sor.u32 $0xD0000000, s2;
	s6 =	simm.s32 $0x108;
	_ =	swait.ge @!p0 [sflag:s8], $0x0  }
0x24: {  	s3 =	sadd.s32 $0x88, s3;
	s6 =	simm.s32 @!p1 $0x1082;
	[sflag:s4] =	ssyncset.s32 $0xFFFFF086  }
0x25: {  	[simem:s6], [sflag:s4] =	dma.local [hbm:s3], $0xF7A  }
0x26: {  	[smem:$0x3F8C] =	sst s1;
	(tag) =	ssettag s2;
	_ =	strace s9  }
0x27: {  	s1 =	sld [smem:$0x3F9C]  }
0x28: {  	s2 =	sld [smem:$0x3F9D]  }
0x29: {  	s4 =	sld [smem:$0x3F9F]  }
0x2a: {  	p0 =	seq.s32 s5, $0x0;
	s5 =	sld [smem:$0x3FA0]  }
0x2b: {  	s6 =	sld [smem:$0x3FA1]  }
0x2c: {  	s7 =	sld [smem:$0x3FA2]  }
0x2d: {  	s3 =	simm.s32 $0x108;
	s8 =	sld [smem:$0x3FA3]  }
0x2e: {  	s3 =	simm.s32 @!p0 $0x1082;
	s9 =	sld [smem:$0x3FA4]  }
0x2f: {  	lr =	sadd.s32 s0, s3;
	s0 =	sld [smem:$0x3F9B]  }
0x30: {  	s3 =	sld [smem:$0x3F9E]  }
0x31: {  	[smem:$0x3FA7] =	sst s10  }
0x32: {  	s10 =	sld [smem:$0x3FA5];
	_ =	sdelay $0x3  }
0x33: {  	p0 =	seq.s32 s10, $0x1;
	s10 =	sld [smem:$0x3FA7];
	_ =	sdelay $0x3  }
0x34: {  	[smem:$0x3FA7] =	sst s10  }
0x35: {  	s10 =	sld [smem:$0x3FA6];
	_ =	sdelay $0x3  }
0x36: {  	p1 =	seq.s32 s10, $0x1;
	s10 =	sld [smem:$0x3FA7];
	_ =	sdelay $0x3  }
0x37: {  	[smem:$0x3FA7] =	sst s10  }
0x38: {  	s10 =	sld [smem:$0x3FA8]  }
0x39: {  	_ = 	snop;
	(pc) =	sbr.ind lr, $3  }
0x3a: {  	_ = 	snop  }
0x3b: {  	_ = 	snop  }
0x3c: {  	p2 =	seq.s32 s10, $0x1;
	s10 =	sld [smem:$0x3FA7]  }
0x3d: {  	_ =	shalt  }
0x3e: {  	_ =	shalt  }
0x3f: {  	_ =	shalt  }
0x40: {  	_ =	shalt  }
0x41: {  	_ =	shalt  }
0x42: {  	_ =	shalt  }
0x43: {  	_ =	shalt  }
0x44: {  	_ =	shalt  }
0x45: {  	_ =	shalt  }
0x46: {  	_ =	shalt  }
0x47: {  	_ =	shalt  }
0x48: {  	_ =	shalt  }
0x49: {  	_ =	shalt  }
0x4a: {  	_ =	shalt  }
0x4b: {  	_ =	shalt  }
0x4c: {  	_ =	shalt  }
0x4d: {  	_ =	shalt  }
0x4e: {  	_ =	shalt  }
0x4f: {  	_ =	shalt  }
0x50: {  	_ =	shalt  }
0x51: {  	_ =	shalt  }
0x52: {  	_ =	shalt  }
0x53: {  	_ =	shalt  }
0x54: {  	_ =	shalt  }
0x55: {  	_ =	shalt  }
0x56: {  	_ =	shalt  }
0x57: {  	_ =	shalt  }
0x58: {  	_ =	shalt  }
0x59: {  	_ =	shalt  }
0x5a: {  	_ =	shalt  }
0x5b: {  	_ =	shalt  }
0x5c: {  	_ =	shalt  }
0x5d: {  	_ =	shalt  }
0x5e: {  	_ =	shalt  }
0x5f: {  	_ =	shalt  }
0x60: {  	_ =	shalt  }
0x61: {  	_ =	shalt  }
0x62: {  	_ =	shalt  }
0x63: {  	_ =	shalt  }
0x64: {  	_ =	shalt  }
0x65: {  	_ =	shalt  }
0x66: {  	_ =	shalt  }
0x67: {  	_ =	shalt  }
0x68: {  	_ =	shalt  }
0x69: {  	_ =	shalt  }
0x6a: {  	_ =	shalt  }
0x6b: {  	_ =	shalt  }
0x6c: {  	_ =	shalt  }
0x6d: {  	_ =	shalt  }
0x6e: {  	_ =	shalt  }
0x6f: {  	_ =	shalt  }
0x70: {  	_ =	shalt  }
0x71: {  	_ =	shalt  }
0x72: {  	_ =	shalt  }
0x73: {  	_ =	shalt  }
0x74: {  	_ =	shalt  }
0x75: {  	_ =	shalt  }
0x76: {  	_ =	shalt  }
0x77: {  	_ =	shalt  }
0x78: {  	_ =	shalt  }
0x79: {  	_ =	shalt  }
0x7a: {  	_ =	shalt  }
0x7b: {  	_ =	shalt  }
0x7c: {  	_ =	shalt  }
0x7d: {  	_ =	shalt  }
0x7e: {  	_ =	shalt  }
0x7f: {  	_ =	shalt  }
0x80: {  	_ =	shalt  }
0x81: {  	_ =	shalt  }
0x82: {  	_ =	shalt  }
0x83: {  	_ =	shalt  }
0x84: {  	_ =	shalt  }
0x85: {  	_ =	shalt  }
0x86: {  	_ =	shalt  }
0x87: {  	_ =	shalt  }
.Lfunc_end0:
.L_simem_size_0:
called_computation.2_lowered:
.L_overlay_start_0:
0x88: {  	s2 =	sld [smem:$0x3FD9]  }
0x89: {  	s3 =	sld [smem:$0x3FFE];
	_ =	sdelay $0x1  }
0x8a: {  	s1 =	srdreg.scid  }
0x8b: {  	s0 =	sand.u32 $0x1, s1  }
0x8c: {  	s16 =	sshll.u32 s0, $0xA;
	s2 =	sadd.s32 s3, s2  }
0x8d: {  	s2 =	sadd.s32 s2, s16  }
0x8e: {  	[smem:$0x3FB3] =	sst s2  }
0x8f: {  	_ = 	snop  }
0x90: {  	(tm) =	ssettm $0x1  }
0x91: {  	s17 =	sld [smem:$0x3FFB];
	_ =	sdelay $0x3  }
0x92: {  	_ =	strace s17  }
0x93: {  	s2 =	sld [smem:$0x3FFC];
	_ =	sdelay $0x3  }
0x94: {  	_ =	strace s2  }
0x95: {  	s2 =	sld [smem:$0x3FFD];
	_ =	sdelay $0x3  }
0x96: {  	_ =	strace s2  }
0x97: {  	_ =	strace $0x8FFFFFFF  }
0x98: {  	s18 =	sld [smem:$0x3FDB];
	_ =	sdelay $0x1  }
0x99: {  	s19 =	simm.s32 $_scs_section_size  }
0x9a: {  	s4 =	simm.s32 $_size__tile_overlayer_lowered;
	s5 =	simm.s32 $_tile_overlayer_lowered  }
0x9b: {  	s22 =	simm.s32 $0x1BFF;
	s21 =	sshll.u32 s5, $0x1;
	s2 =	sadd.s32 s19, s18  }
0x9c: {  	s6 =	simm.s32 $0x0;
	s20 =	sshll.u32 s4, $0x1;
	s4 =	sadd.s32 s21, s2  }
0x9d: {  	[timem:s6], [sflag:s22] =	dma.local [hbm:s4], s20  }
0x9e: {  	_ =	swait.ge [sflag:s22], s20  }
0x9f: {  	s3 =	ssub.s32 $0x0, s20;
	[sflag:s22] =	ssyncset.done $0x0  }
0xa0: {  	[sflag:s22] =	ssyncadd.s32 s3;
	_ =	sdelay $0x1  }
0xa1: {  	s23 =	simm.s32 $0x1B8B  }
0xa2: {  	_ =	swait.ge [sflag:s23], $0x1  }
0xa3: {  	[sflag:s23] =	ssyncset.done $0x0  }
0xa4: {  	s25 =	simm.s32 $0x1B8E;
	s24 =	sld [smem:$0x3FFE];
	[sflag:s23] =	ssyncadd.s32 $0xFFFFFFFF  }
0xa5: {  	s26 =	simm.s32 $execute0_lowered;
	[smem:$0x3FD2] =	sst s25  }
0xa6: {  	s4 =	sshll.u32 s26, $0x1;
	_ =	strace $0x8000004C;
	[dreg:$0x1] =	wrdreg $0xFFFFFFFF  }
0xa7: {  	s28 =	simm.s32 $_size_execute0_lowered;
	s2 =	sadd.s32 s2, s4;
	[dreg:$0x0] =	wrdreg $0x0  }
0xa8: {  	s4 =	sshll.u32 s28, $0x1;
	[dreg:$0x2] =	wrdreg s2  }
0xa9: {  	[dreg:$0x3] =	wrdreg s4  }
0xaa: {  	[dreg:$0x4] =	wrdreg $0xC0  }
0xab: {  	_ =	task [dreg:s6], $0x5FFFF  }
0xac: {  	[dreg:$0x1] =	wrdreg $0xFFFFFFFF  }
0xad: {  	[dreg:$0x0] =	wrdreg $0x60  }
0xae: {  	[dreg:$0x2] =	wrdreg s24  }
0xaf: {  	[dreg:$0x3] =	wrdreg $0x101D00  }
0xb0: {  	[dreg:$0x4] =	wrdreg $0x9  }
0xb1: {  	_ =	task.clear_ibuf [dreg:s6], $0x5FFFF;
	_ =	strace $0x9000004C  }
0xb2: {  	s29 =	simm.s32 $0x9;
	_ =	strace $0x8000004E  }
0xb3: {  	_ =	swait.ge [sflag:s29], $0x1  }
0xb4: {  	[sflag:s29] =	ssyncadd.s32 $0xFFFFFFFF  }
0xb5: {  	_ =	strace $0x9000004E  }
0xb6: {  	_ =	sfence  }
0xb7: {  	s30 =	sld [smem:$0x0];
	_ =	sdelay $0x2  }
0xb8: {  	s31 =	sshll.u32 s1, $0xD;
	s1 =	sshrl.u32 s1, $0x2  }
0xb9: {  	s3 =	sand.u32 $0x4000, s31;
	s1 =	sadd.s32 s1, s30  }
0xba: {  	s0 =	sor.u32 s3, s0;
	s1 =	sshll.u32 s1, $0x11  }
0xbb: {  	s0 =	sor.u32 s1, s0  }
0xbc: {  	s0 =	sadd.s32 $0x8F2B, s0  }
0xbd: {  	[sflag:s0] =	ssyncadd.remote.s32 $0x1  }
0xbe: {  	_ =	sfence.sel $0xFFFF  }
0xbf: {  	[dreg:$0x0] =	wrdreg $0xFFFFFFFF;
	(pc) =	sbr.abs _section_cstart, $3  }
0xc0: {  	[dreg:$0x1] =	wrdreg $0xFFFFFFFF  }
0xc1: {  	_ =	task.clear_ibuf [dreg:s6], $0x2FFFF;
	_ =	strace $0x9FFFFFFF  }
0xc2: {  	(tm) =	ssettm $0x7FFFFFFF  }
0xc3: {  	_ =	shalt  }
tec
execute0_lowered:
.L_overlay_start_1:
0x0: {  	(tag) =	ssettag $0x1  }
0x1: {  	s7 =	rddreg [dreg:$0x0]  }
0x2: {  	s2 =	rddreg [dreg:$0x1]  }
0x3: {  	s0 =	srdreg.scid;
	s1 =	rddreg [dreg:$0x2];
	s3 =	simm.s32 $0x0  }
0x4: {  	s15 =	simm.s32 $0x1;
	s16 =	simm.s32 $0x3E8;
	s5 =	sand.u32 $0x1, s0  }
0x5: {  	s17 =	simm.s32 $0x0;
	s0 =	stileid.u32;
	s4 =	smul.u32 $0x27100, s5  }
0x6: {  	[smem:$0x7FF] =	sst s3;
	s12 =	sadd.s32 $0x67A00, s7;
	s6 =	smul.u32 $0x2710, s0  }
0x7: {  	_ =	strace $0x8000004D;
	s8 =	smul.u32 $0x9C00, s0;
	s28 =	ssub.s32 $0x2, s5  }
0x8: {  	s11 =	smul.u32 $0x9C400, s5;
	p0 =	sne.s32 s0, $0xF;
	s10 =	sshrl.u32 s28, $0x1  }
0x9: {  	s4 =	sadd.s32 s6, s4;
	s9 =	sshrl.u32 s8, $0x3;
	s14 =	ssub.s32 s28, s10  }
0xa: {  	s31 =	sshrl.u32 s11, $0x3;
	s6 =	sshrl.u32 s4, $0x3;
	s4 =	sadd.s32 $0x40600, s7  }
0xb: {  	s29 =	sadd.s32 s9, s7;
	s10 =	sadd.s32 s12, s31;
	s13 =	sadd.s32 s6, s7  }
0xc: {  	s5 =	sadd.s32 $0x54000, s29;
	s6 =	sadd.s32 s8, s2;
	s8 =	sadd.s32 s8, s11  }
0xd: {  	s7 =	sadd.s32 $0x67800, s7;
	s10 =	sadd.s32 $0x13800, s10;
	s11 =	smax.u32 s14, $0x1  }
0xe: {  	s14 =	simm.s32 $0x7D0;
	s30 =	sshrl.u32 s8, $0x3;
	s8 =	sadd.s32 $0x9C000, s2  }
0xf: {  	s9 =	sadd.s32 s12, s30;
	s12 =	sadd.s32 $0x5000, s13;
	s13 =	sadd.s32 $0xEE00, s13  }
.LBB2_1:
0x10: {  	[tilespmem:s14], [sflag:$0x1] =	stream.linear.gather [hbm4b:s5+s3], $0x9C00, $0x38;
	[tilespmem:$0x19E10] =	vst v63  }
0x11: {  	_ =	swait.ge [sflag:s15], $0x9C00  }
0x12: {  	[sflag:s15] =	ssyncset.done $0x0  }
0x13: {  	[sflag:s15] =	ssyncadd.s32 $0xFFFF6400  }
0x14: {  	[spmem:s6] =	stream.linear.scatter [tilespmem:s14], [sflag:$0x1], $0x9C00, $0x38;
	[tilespmem:$0x19E10] =	vst v63  }
0x15: {  	_ =	swait.ge [sflag:s15], $0x9C00  }
0x16: {  	[sflag:s15] =	ssyncset.done $0x0  }
0x17: {  	s18 =	simm.s32 @!p0 $0x0;
	s19 =	simm.s32 @!p0 $0xA3D0;
	[sflag:s15] =	ssyncadd.s32 $0xFFFF6400  }
0x18: {  	[tilespmem:s19], [sflag:$0x1] =	stream.linear.gather @!p0 [hbm4b:s7+s18], $0x400, $0x38;
	[tilespmem:$0x19E10] =	vst v63  }
0x19: {  	s18 =	simm.s32 @!p0 $0x1  }
0x1a: {  	_ =	swait.ge @!p0 [sflag:s18], $0x400  }
0x1b: {  	[sflag:s18] =	ssyncset.done @!p0 $0x0  }
0x1c: {  	[sflag:s18] =	ssyncadd.s32 @!p0 $0xFFFFFC00  }
0x1d: {  	[spmem:s8] =	stream.linear.scatter @!p0 [tilespmem:s19], [sflag:$0x1], $0x400, $0x38;
	[tilespmem:$0x19E10] =	vst v63  }
0x1e: {  	_ =	swait.ge @!p0 [sflag:s18], $0x400  }
0x1f: {  	[sflag:s18] =	ssyncset.done @!p0 $0x0  }
0x20: {  	[sflag:s18] =	ssyncadd.s32 @!p0 $0xFFFFFC00  }
0x21: {  	s30 =	sadd.s32 $0x0, s13;
	[bflag:$0x0] =	sbarrier.arrive $0xFFFF  }
0x22: {  	[tilespmem:s3], [sflag:$0x1] =	stream.linear.gather [hbm4b:s30+s3], $0x3E8, $0x38;
	[tilespmem:$0x19E10] =	vst v63  }
0x23: {  	_ =	swait.ge [sflag:s15], $0x3E8  }
0x24: {  	[sflag:s15] =	ssyncset.done $0x0  }
0x25: {  	s31 =	sadd.s32 $0x0, s12;
	[sflag:s15] =	ssyncadd.s32 $0xFFFFFC18  }
0x26: {  	[tilespmem:s16], [sflag:$0x1] =	stream.linear.gather [hbm4b:s31+s3], $0x3E8, $0x38;
	[tilespmem:$0x19E10] =	vst v63  }
0x27: {  	_ =	swait.ge [sflag:s15], $0x3E8  }
0x28: {  	[sflag:s15] =	ssyncset.done $0x0  }
0x29: {  	[sflag:s15] =	ssyncadd.s32 $0xFFFFFC18  }
0x2a: {  	[tilespmem:s14], [sflag:$0x1] =	stream.indirect.gather [hbm4b:s4+s16], $0x40, s3, s16, $0xb8;
	[tilespmem:$0x19E10] =	vst v63  }
0x2b: {  	_ =	swait.ge [sflag:s15], $0xFA00  }
0x2c: {  	[sflag:s15] =	ssyncset.done $0x0  }
0x2d: {  	[sflag:s15] =	ssyncadd.s32 $0xFFFF0600  }
0x2e: {  	[spmem:s2] =	stream.indirect.scatter.add.f32 [tilespmem:s14], [sflag:$0x1], $0x40, s16, s16, $0xb8;
	[tilespmem:$0x19E10] =	vst v63  }
0x2f: {  	_ =	swait.ge [sflag:s15], $0xFA00  }
0x30: {  	s19 =	simm.s32 $0xFA;
	s18 =	simm.s32 $0x7D;
	[sflag:s15] =	ssyncset.done $0x0  }
.LBB2_2:
0x31: {  	s20 =	sadd.s32 s18, s13  }
0x32: {  	[sflag:s15] =	ssyncadd.s32 $0xFFFF0600;
	s21 =	smov.u32 s19;
	s22 =	sadd.s32 $0x7D, s19  }
0x33: {  	[tilespmem:s3], [sflag:$0x1] =	stream.linear.gather [hbm4b:s20+s3], $0x3E8, $0x38;
	[tilespmem:$0x19E10] =	vst v63  }
0x34: {  	p1 =	sne.s32 s19, $0x465;
	_ =	swait.ge [sflag:s15], $0x3E8  }
0x35: {  	[sflag:s15] =	ssyncset.done $0x0  }
0x36: {  	s19 =	sadd.s32 s18, s12;
	s18 =	smov.u32 s21;
	[sflag:s15] =	ssyncadd.s32 $0xFFFFFC18  }
0x37: {  	[tilespmem:s16], [sflag:$0x1] =	stream.linear.gather [hbm4b:s19+s3], $0x3E8, $0x38;
	[tilespmem:$0x19E10] =	vst v63  }
0x38: {  	_ =	swait.ge [sflag:s15], $0x3E8  }
0x39: {  	[sflag:s15] =	ssyncset.done $0x0  }
0x3a: {  	[sflag:s15] =	ssyncadd.s32 $0xFFFFFC18  }
0x3b: {  	[tilespmem:s14], [sflag:$0x1] =	stream.indirect.gather [hbm4b:s4+s16], $0x40, s3, s16, $0xb8;
	[tilespmem:$0x19E10] =	vst v63  }
0x3c: {  	_ =	swait.ge [sflag:s15], $0xFA00  }
.Ltmp0:
0x3d: {  	[sflag:s15] =	ssyncset.done $0x0;
	(pc) =	sbr.rel @p1 .LBB2_2-.Ltmp0, $4  }
0x3e: {  	[sflag:s15] =	ssyncadd.s32 $0xFFFF0600  }
0x3f: {  	[spmem:s2] =	stream.indirect.scatter.add.f32 [tilespmem:s14], [sflag:$0x1], $0x40, s16, s16, $0xb8;
	[tilespmem:$0x19E10] =	vst v63  }
0x40: {  	_ =	swait.ge [sflag:s15], $0xFA00  }
0x41: {  	s19 =	smov.u32 s22;
	[sflag:s15] =	ssyncset.done $0x0  }
0x42: {  	s19 =	sadd.s32 s18, s13;
	[sflag:s15] =	ssyncadd.s32 $0xFFFF0600  }
0x43: {  	[tilespmem:s3], [sflag:$0x1] =	stream.linear.gather [hbm4b:s19+s3], $0x3E8, $0x38;
	[tilespmem:$0x19E10] =	vst v63  }
0x44: {  	_ =	swait.ge [sflag:s15], $0x3E8  }
0x45: {  	[sflag:s15] =	ssyncset.done $0x0  }
0x46: {  	s31 =	sadd.s32 s18, s12;
	[sflag:s15] =	ssyncadd.s32 $0xFFFFFC18  }
0x47: {  	[tilespmem:s16], [sflag:$0x1] =	stream.linear.gather [hbm4b:s31+s3], $0x3E8, $0x38;
	[tilespmem:$0x19E10] =	vst v63  }
0x48: {  	_ =	swait.ge [sflag:s15], $0x3E8  }
0x49: {  	[sflag:s15] =	ssyncset.done $0x0  }
0x4a: {  	[sflag:s15] =	ssyncadd.s32 $0xFFFFFC18  }
0x4b: {  	[tilespmem:s14], [sflag:$0x1] =	stream.indirect.gather [hbm4b:s4+s16], $0x40, s3, s16, $0xb8;
	[tilespmem:$0x19E10] =	vst v63  }
0x4c: {  	_ =	swait.ge [sflag:s15], $0xFA00  }
0x4d: {  	[sflag:s15] =	ssyncset.done $0x0  }
0x4e: {  	[sflag:s15] =	ssyncadd.s32 $0xFFFF0600  }
0x4f: {  	[spmem:s2] =	stream.indirect.scatter.add.f32 [tilespmem:s14], [sflag:$0x1], $0x40, s16, s16, $0xb8;
	[tilespmem:$0x19E10] =	vst v63  }
0x50: {  	_ =	swait.ge [sflag:s15], $0xFA00  }
0x51: {  	[sflag:s15] =	ssyncset.done $0x0  }
0x52: {  	[sflag:s15] =	ssyncadd.s32 $0xFFFF0600  }
0x53: {  	[bflag:$0x0] =	sbarrier.arrive $0xFFFF  }
0x54: {  	[tilespmem:s14], [sflag:$0x1] =	stream.linear.gather [spmem:s6], $0x9C00, $0x38;
	[tilespmem:$0x19E10] =	vst v63  }
0x55: {  	_ =	swait.ge [sflag:s15], $0x9C00  }
0x56: {  	[sflag:s15] =	ssyncset.done $0x0  }
0x57: {  	[sflag:s15] =	ssyncadd.s32 $0xFFFF6400  }
0x58: {  	[hbm4b:s9+s3] =	stream.linear.scatter [tilespmem:s14], [sflag:$0x1], $0x9C00, $0x38;
	[tilespmem:$0x19E10] =	vst v63  }
0x59: {  	_ =	swait.ge [sflag:s15], $0x9C00  }
0x5a: {  	[sflag:s15] =	ssyncset.done $0x0  }
0x5b: {  	s18 =	simm.s32 @!p0 $0xA3D0;
	s19 =	simm.s32 @!p0 $0x1;
	[sflag:s15] =	ssyncadd.s32 $0xFFFF6400  }
0x5c: {  	[tilespmem:s18], [sflag:$0x1] =	stream.linear.gather @!p0 [spmem:s8], $0x400, $0x38;
	[tilespmem:$0x19E10] =	vst v63  }
0x5d: {  	s17 =	sadd.s32 $0x1, s17;
	_ =	swait.ge @!p0 [sflag:s19], $0x400  }
0x5e: {  	p1 =	sne.s32 s17, s11;
	[sflag:s19] =	ssyncset.done @!p0 $0x0  }
.Ltmp1:
0x5f: {  	s20 =	simm.s32 @!p0 $0x0;
	[sflag:s19] =	ssyncadd.s32 @!p0 $0xFFFFFC00;
	(pc) =	sbr.rel @p1 .LBB2_1-.Ltmp1, $4  }
0x60: {  	[hbm4b:s10+s20] =	stream.linear.scatter @!p0 [tilespmem:s18], [sflag:$0x1], $0x400, $0x38;
	[tilespmem:$0x19E10] =	vst v63  }
0x61: {  	_ =	swait.ge @!p0 [sflag:s19], $0x400  }
0x62: {  	[sflag:s19] =	ssyncset.done @!p0 $0x0  }
0x63: {  	[sflag:s19] =	ssyncadd.s32 @!p0 $0xFFFFFC00  }
0x64: {  	_ =	sfence.sel $0x180000  }
0x65: {  	[bflag:$0x0] =	sbarrier.arrive $0xFFFF  }
0x66: {  	p0 =	sne.s32 s0, $0x0;
	_ =	strace $0x9000004D  }
0x67: {  	s0 =	sadd.s32 @!p0 $0x100000, s1;
	[bflag:$0x2] =	sbarrier.arrive $0xFFFF  }
0x68: {  	[sflag:s0] =	ssyncadd.tile.s32 @!p0 $0x1;
	_ =	shalt  }
.Lfunc_end2:
_tile_overlayer_lowered:
.L_overlay_start_2:
0x69: {  	(tag) =	ssettag $0x2  }
0x6a: {  	s0 =	rddreg [dreg:$0x0];
	s2 =	stileid.u32  }
0x6b: {  	s1 =	rddreg [dreg:$0x1];
	p0 =	sne.s32 s2, $0x0  }
0x6c: {  	s3 =	rddreg [dreg:$0x2];
	[bflag:$0x3] =	sbarrier.arrive $0xFFFF;
	s2 =	simm.s32 @!p0 $0x1C01  }
0x6d: {  	[timem:s3], [sflag:s2] =	dma.local @!p0 [hbm:s0], s1  }
0x6e: {  	s0 =	simm.s32 @!p0 $0x1  }
0x6f: {  	_ =	swait.ge @!p0 [sflag:s0], s1  }
0x70: {  	s1 =	ssub.s32 @!p0 $0x0, s1;
	[sflag:s0] =	ssyncset.done @!p0 $0x0  }
0x71: {  	[sflag:s0] =	ssyncadd.s32 @!p0 s1  }
0x72: {  	[bflag:$0x3] =	sbarrier.arrive $0xFFFF  }
0x73: {  	_ =	shalt  }

// kernel: kernel.21.cloned.1.call-start
scs
__scs_entry_jumppad:
0x0: {  	(pc) =	sbr.rel $0x88, $3  }
0x1: {  	(tag) =	ssettag $0x0;
	lr =	simm.s32 $0x1  }
0x2: {  	[smem:$0x3F8C] =	sst lr;
	_ =	strace $0xD0000000  }
0x3: {  	_ = 	snop  }
0x4: {  	_ = 	snop  }
0x5: {  	_ = 	snop  }
0x6: {  	_ = 	snop  }
0x7: {  	_ = 	snop  }
__scs_overlays_trampoline_lowered:
0x8: {  	[smem:$0x3F9B] =	sst s0  }
0x9: {  	[smem:$0x3F9C] =	sst s1  }
0xa: {  	[smem:$0x3F9D] =	sst s2  }
0xb: {  	[smem:$0x3F9E] =	sst s3  }
0xc: {  	[smem:$0x3F9F] =	sst s4  }
0xd: {  	[smem:$0x3FA0] =	sst s5  }
0xe: {  	[smem:$0x3FA1] =	sst s6  }
0xf: {  	[smem:$0x3FA2] =	sst s7  }
0x10: {  	[smem:$0x3FA3] =	sst s8  }
0x11: {  	[smem:$0x3FA4] =	sst s9;
	s0 =	simm.s32 @!p0 $0x0  }
0x12: {  	s1 =	sld [smem:$0x3F8A];
	s0 =	simm.s32 @p0 $0x1  }
0x13: {  	[smem:$0x3FA5] =	sst s0;
	s0 =	simm.s32 @!p1 $0x0  }
0x14: {  	s2 =	sld [smem:$0x3F89];
	s0 =	simm.s32 @p1 $0x1  }
0x15: {  	[smem:$0x3FA6] =	sst s0;
	s0 =	simm.s32 @!p2 $0x0  }
0x16: {  	s3 =	sld [smem:$0x3FDB];
	s0 =	simm.s32 @p2 $0x1  }
0x17: {  	s4 =	simm.s32 $0x1BF5;
	[smem:$0x3FA8] =	sst s0  }
0x18: {  	s0 =	sld [smem:$0x3F8B];
	_ =	swait.ge [sflag:s4], $0x0  }
0x19: {  	s7 =	sld [smem:$0x3F8C]  }
0x1a: {  	s8 =	sadd.s32 $0xFFFFE003, lr  }
0x1b: {  	s9 =	sadd.s32 $0xFFFFFEF7, lr;
	s5 =	simm.s32 $0xFFFFFFFF;
	p2 =	slt.u32 s8, $0xFFFFF086  }
0x1c: {  	p1 =	slt.u32 s9, $0xF7A;
	s5 =	simm.s32 @!p2 $0x0  }
0x1d: {  	s5 =	simm.s32 @p1 $0x1;
	p0 =	seq.s32 s7, s2  }
0x1e: {  	s7 =	smul.u32 @!p0 $0xF7A, s2;
	p2 =	seq.s32 @!p0 s5, $0x0  }
0x1f: {  	s9 =	smul.u32 $0xF7A, s1;
	s8 =	simm.s32 @!p0 $0x1BF5;
	p2 =	por !p2, p0  }
0x20: {  	[sflag:s8] =	ssyncset.s32 @!p0 $0xFFFFF086;
	s6 =	sadd.s32 @!p0 s3, s7;
	s7 =	simm.s32 @!p0 $0x108  }
0x21: {  	s3 =	sadd.s32 s3, s9;
	s6 =	sadd.s32 @!p0 $0x88, s6;
	s7 =	simm.s32 @p2 $0x1082  }
0x22: {  	[simem:s7], [sflag:s8] =	dma.local @!p0 [hbm:s6], $0xF7A  }
0x23: {  	s9 =	sor.u32 $0xD0000000, s2;
	s6 =	simm.s32 $0x108;
	_ =	swait.ge @!p0 [sflag:s8], $0x0  }
0x24: {  	s3 =	sadd.s32 $0x88, s3;
	s6 =	simm.s32 @!p1 $0x1082;
	[sflag:s4] =	ssyncset.s32 $0xFFFFF086  }
0x25: {  	[simem:s6], [sflag:s4] =	dma.local [hbm:s3], $0xF7A  }
0x26: {  	[smem:$0x3F8C] =	sst s1;
	(tag) =	ssettag s2;
	_ =	strace s9  }
0x27: {  	s1 =	sld [smem:$0x3F9C]  }
0x28: {  	s2 =	sld [smem:$0x3F9D]  }
0x29: {  	s4 =	sld [smem:$0x3F9F]  }
0x2a: {  	p0 =	seq.s32 s5, $0x0;
	s5 =	sld [smem:$0x3FA0]  }
0x2b: {  	s6 =	sld [smem:$0x3FA1]  }
0x2c: {  	s7 =	sld [smem:$0x3FA2]  }
0x2d: {  	s3 =	simm.s32 $0x108;
	s8 =	sld [smem:$0x3FA3]  }
0x2e: {  	s3 =	simm.s32 @!p0 $0x1082;
	s9 =	sld [smem:$0x3FA4]  }
0x2f: {  	lr =	sadd.s32 s0, s3;
	s0 =	sld [smem:$0x3F9B]  }
0x30: {  	s3 =	sld [smem:$0x3F9E]  }
0x31: {  	[smem:$0x3FA7] =	sst s10  }
0x32: {  	s10 =	sld [smem:$0x3FA5];
	_ =	sdelay $0x3  }
0x33: {  	p0 =	seq.s32 s10, $0x1;
	s10 =	sld [smem:$0x3FA7];
	_ =	sdelay $0x3  }
0x34: {  	[smem:$0x3FA7] =	sst s10  }
0x35: {  	s10 =	sld [smem:$0x3FA6];
	_ =	sdelay $0x3  }
0x36: {  	p1 =	seq.s32 s10, $0x1;
	s10 =	sld [smem:$0x3FA7];
	_ =	sdelay $0x3  }
0x37: {  	[smem:$0x3FA7] =	sst s10  }
0x38: {  	s10 =	sld [smem:$0x3FA8]  }
0x39: {  	_ = 	snop;
	(pc) =	sbr.ind lr, $3  }
0x3a: {  	_ = 	snop  }
0x3b: {  	_ = 	snop  }
0x3c: {  	p2 =	seq.s32 s10, $0x1;
	s10 =	sld [smem:$0x3FA7]  }
0x3d: {  	_ =	shalt  }
0x3e: {  	_ =	shalt  }
0x3f: {  	_ =	shalt  }
0x40: {  	_ =	shalt  }
0x41: {  	_ =	shalt  }
0x42: {  	_ =	shalt  }
0x43: {  	_ =	shalt  }
0x44: {  	_ =	shalt  }
0x45: {  	_ =	shalt  }
0x46: {  	_ =	shalt  }
0x47: {  	_ =	shalt  }
0x48: {  	_ =	shalt  }
0x49: {  	_ =	shalt  }
0x4a: {  	_ =	shalt  }
0x4b: {  	_ =	shalt  }
0x4c: {  	_ =	shalt  }
0x4d: {  	_ =	shalt  }
0x4e: {  	_ =	shalt  }
0x4f: {  	_ =	shalt  }
0x50: {  	_ =	shalt  }
0x51: {  	_ =	shalt  }
0x52: {  	_ =	shalt  }
0x53: {  	_ =	shalt  }
0x54: {  	_ =	shalt  }
0x55: {  	_ =	shalt  }
0x56: {  	_ =	shalt  }
0x57: {  	_ =	shalt  }
0x58: {  	_ =	shalt  }
0x59: {  	_ =	shalt  }
0x5a: {  	_ =	shalt  }
0x5b: {  	_ =	shalt  }
0x5c: {  	_ =	shalt  }
0x5d: {  	_ =	shalt  }
0x5e: {  	_ =	shalt  }
0x5f: {  	_ =	shalt  }
0x60: {  	_ =	shalt  }
0x61: {  	_ =	shalt  }
0x62: {  	_ =	shalt  }
0x63: {  	_ =	shalt  }
0x64: {  	_ =	shalt  }
0x65: {  	_ =	shalt  }
0x66: {  	_ =	shalt  }
0x67: {  	_ =	shalt  }
0x68: {  	_ =	shalt  }
0x69: {  	_ =	shalt  }
0x6a: {  	_ =	shalt  }
0x6b: {  	_ =	shalt  }
0x6c: {  	_ =	shalt  }
0x6d: {  	_ =	shalt  }
0x6e: {  	_ =	shalt  }
0x6f: {  	_ =	shalt  }
0x70: {  	_ =	shalt  }
0x71: {  	_ =	shalt  }
0x72: {  	_ =	shalt  }
0x73: {  	_ =	shalt  }
0x74: {  	_ =	shalt  }
0x75: {  	_ =	shalt  }
0x76: {  	_ =	shalt  }
0x77: {  	_ =	shalt  }
0x78: {  	_ =	shalt  }
0x79: {  	_ =	shalt  }
0x7a: {  	_ =	shalt  }
0x7b: {  	_ =	shalt  }
0x7c: {  	_ =	shalt  }
0x7d: {  	_ =	shalt  }
0x7e: {  	_ =	shalt  }
0x7f: {  	_ =	shalt  }
0x80: {  	_ =	shalt  }
0x81: {  	_ =	shalt  }
0x82: {  	_ =	shalt  }
0x83: {  	_ =	shalt  }
0x84: {  	_ =	shalt  }
0x85: {  	_ =	shalt  }
0x86: {  	_ =	shalt  }
0x87: {  	_ =	shalt  }
.Lfunc_end0:
.L_simem_size_0:
called_computation.3_lowered:
.L_overlay_start_0:
0x88: {  	s2 =	sld [smem:$0x3FD9]  }
0x89: {  	s3 =	sld [smem:$0x3FFE];
	_ =	sdelay $0x1  }
0x8a: {  	s1 =	srdreg.scid  }
0x8b: {  	s0 =	sand.u32 $0x1, s1  }
0x8c: {  	s16 =	sshll.u32 s0, $0xA;
	s2 =	sadd.s32 s3, s2  }
0x8d: {  	s2 =	sadd.s32 s2, s16  }
0x8e: {  	[smem:$0x3FB3] =	sst s2  }
0x8f: {  	_ = 	snop  }
0x90: {  	(tm) =	ssettm $0x1  }
0x91: {  	s17 =	sld [smem:$0x3FFB];
	_ =	sdelay $0x3  }
0x92: {  	_ =	strace s17  }
0x93: {  	s2 =	sld [smem:$0x3FFC];
	_ =	sdelay $0x3  }
0x94: {  	_ =	strace s2  }
0x95: {  	s2 =	sld [smem:$0x3FFD];
	_ =	sdelay $0x3  }
0x96: {  	_ =	strace s2  }
0x97: {  	_ =	strace $0x8FFFFFFF  }
0x98: {  	s18 =	sld [smem:$0x3FDB];
	_ =	sdelay $0x1  }
0x99: {  	s19 =	simm.s32 $_scs_section_size  }
0x9a: {  	s4 =	simm.s32 $_size__tile_overlayer_lowered;
	s5 =	simm.s32 $_tile_overlayer_lowered  }
0x9b: {  	s22 =	simm.s32 $0x1BFF;
	s21 =	sshll.u32 s5, $0x1;
	s2 =	sadd.s32 s19, s18  }
0x9c: {  	s6 =	simm.s32 $0x0;
	s20 =	sshll.u32 s4, $0x1;
	s4 =	sadd.s32 s21, s2  }
0x9d: {  	[timem:s6], [sflag:s22] =	dma.local [hbm:s4], s20  }
0x9e: {  	_ =	swait.ge [sflag:s22], s20  }
0x9f: {  	s3 =	ssub.s32 $0x0, s20;
	[sflag:s22] =	ssyncset.done $0x0  }
0xa0: {  	[sflag:s22] =	ssyncadd.s32 s3;
	_ =	sdelay $0x1  }
0xa1: {  	s23 =	simm.s32 $0x1B8B  }
0xa2: {  	_ =	swait.ge [sflag:s23], $0x1  }
0xa3: {  	[sflag:s23] =	ssyncset.done $0x0  }
0xa4: {  	s25 =	simm.s32 $0x1B8E;
	s24 =	sld [smem:$0x3FFE];
	[sflag:s23] =	ssyncadd.s32 $0xFFFFFFFF  }
0xa5: {  	s26 =	simm.s32 $execute0_lowered;
	[smem:$0x3FD2] =	sst s25  }
0xa6: {  	s4 =	sshll.u32 s26, $0x1;
	_ =	strace $0x8000004F;
	[dreg:$0x1] =	wrdreg $0xFFFFFFFF  }
0xa7: {  	s28 =	simm.s32 $_size_execute0_lowered;
	s2 =	sadd.s32 s2, s4;
	[dreg:$0x0] =	wrdreg $0x0  }
0xa8: {  	s4 =	sshll.u32 s28, $0x1;
	[dreg:$0x2] =	wrdreg s2  }
0xa9: {  	[dreg:$0x3] =	wrdreg s4  }
0xaa: {  	[dreg:$0x4] =	wrdreg $0xC0  }
0xab: {  	_ =	task [dreg:s6], $0x5FFFF  }
0xac: {  	[dreg:$0x1] =	wrdreg $0xFFFFFFFF  }
0xad: {  	[dreg:$0x0] =	wrdreg $0x60  }
0xae: {  	[dreg:$0x2] =	wrdreg s24  }
0xaf: {  	[dreg:$0x3] =	wrdreg $0x101D00  }
0xb0: {  	[dreg:$0x4] =	wrdreg $0x9  }
0xb1: {  	_ =	task.clear_ibuf [dreg:s6], $0x5FFFF;
	_ =	strace $0x9000004F  }
0xb2: {  	s29 =	simm.s32 $0x9;
	_ =	strace $0x80000051  }
0xb3: {  	_ =	swait.ge [sflag:s29], $0x1  }
0xb4: {  	[sflag:s29] =	ssyncadd.s32 $0xFFFFFFFF  }
0xb5: {  	_ =	strace $0x90000051  }
0xb6: {  	_ =	sfence  }
0xb7: {  	s30 =	sld [smem:$0x0];
	_ =	sdelay $0x2  }
0xb8: {  	s31 =	sshll.u32 s1, $0xD;
	s1 =	sshrl.u32 s1, $0x2  }
0xb9: {  	s3 =	sand.u32 $0x4000, s31;
	s1 =	sadd.s32 s1, s30  }
0xba: {  	s0 =	sor.u32 s3, s0;
	s1 =	sshll.u32 s1, $0x11  }
0xbb: {  	s0 =	sor.u32 s1, s0  }
0xbc: {  	s0 =	sadd.s32 $0x8F2B, s0  }
0xbd: {  	[sflag:s0] =	ssyncadd.remote.s32 $0x1  }
0xbe: {  	_ =	sfence.sel $0xFFFF  }
0xbf: {  	[dreg:$0x0] =	wrdreg $0xFFFFFFFF;
	(pc) =	sbr.abs _section_cstart, $3  }
0xc0: {  	[dreg:$0x1] =	wrdreg $0xFFFFFFFF  }
0xc1: {  	_ =	task.clear_ibuf [dreg:s6], $0x2FFFF;
	_ =	strace $0x9FFFFFFF  }
0xc2: {  	(tm) =	ssettm $0x7FFFFFFF  }
0xc3: {  	_ =	shalt  }
tec
execute0_lowered:
.L_overlay_start_1:
0x0: {  	(tag) =	ssettag $0x1  }
0x1: {  	s7 =	rddreg [dreg:$0x0]  }
0x2: {  	s2 =	rddreg [dreg:$0x1]  }
0x3: {  	s0 =	srdreg.scid;
	s1 =	rddreg [dreg:$0x2];
	s3 =	simm.s32 $0x0  }
0x4: {  	s15 =	simm.s32 $0x1;
	s16 =	simm.s32 $0x3E8;
	s5 =	sand.u32 $0x1, s0  }
0x5: {  	s17 =	simm.s32 $0x0;
	s0 =	stileid.u32;
	s4 =	smul.u32 $0x27100, s5  }
0x6: {  	[smem:$0x7FF] =	sst s3;
	s12 =	sadd.s32 $0x67A00, s7;
	s6 =	smul.u32 $0x2710, s0  }
0x7: {  	_ =	strace $0x80000050;
	s8 =	smul.u32 $0x9C00, s0;
	s28 =	ssub.s32 $0x2, s5  }
0x8: {  	s11 =	smul.u32 $0x9C400, s5;
	p0 =	sne.s32 s0, $0xF;
	s10 =	sshrl.u32 s28, $0x1  }
0x9: {  	s4 =	sadd.s32 s6, s4;
	s9 =	sshrl.u32 s8, $0x3;
	s14 =	ssub.s32 s28, s10  }
0xa: {  	s31 =	sshrl.u32 s11, $0x3;
	s6 =	sshrl.u32 s4, $0x3;
	s4 =	sadd.s32 $0x40600, s7  }
0xb: {  	s29 =	sadd.s32 s9, s7;
	s10 =	sadd.s32 s12, s31;
	s13 =	sadd.s32 s6, s7  }
0xc: {  	s5 =	sadd.s32 $0x54000, s29;
	s6 =	sadd.s32 s8, s2;
	s8 =	sadd.s32 s8, s11  }
0xd: {  	s7 =	sadd.s32 $0x67800, s7;
	s10 =	sadd.s32 $0x13800, s10;
	s11 =	smax.u32 s14, $0x1  }
0xe: {  	s14 =	simm.s32 $0x7D0;
	s30 =	sshrl.u32 s8, $0x3;
	s8 =	sadd.s32 $0x9C000, s2  }
0xf: {  	s9 =	sadd.s32 s12, s30;
	s12 =	sadd.s32 $0x5000, s13;
	s13 =	sadd.s32 $0xEE00, s13  }
.LBB2_1:
0x10: {  	[tilespmem:s14], [sflag:$0x1] =	stream.linear.gather [hbm4b:s5+s3], $0x9C00, $0x38;
	[tilespmem:$0x19E10] =	vst v63  }
0x11: {  	_ =	swait.ge [sflag:s15], $0x9C00  }
0x12: {  	[sflag:s15] =	ssyncset.done $0x0  }
0x13: {  	[sflag:s15] =	ssyncadd.s32 $0xFFFF6400  }
0x14: {  	[spmem:s6] =	stream.linear.scatter [tilespmem:s14], [sflag:$0x1], $0x9C00, $0x38;
	[tilespmem:$0x19E10] =	vst v63  }
0x15: {  	_ =	swait.ge [sflag:s15], $0x9C00  }
0x16: {  	[sflag:s15] =	ssyncset.done $0x0  }
0x17: {  	s18 =	simm.s32 @!p0 $0x0;
	s19 =	simm.s32 @!p0 $0xA3D0;
	[sflag:s15] =	ssyncadd.s32 $0xFFFF6400  }
0x18: {  	[tilespmem:s19], [sflag:$0x1] =	stream.linear.gather @!p0 [hbm4b:s7+s18], $0x400, $0x38;
	[tilespmem:$0x19E10] =	vst v63  }
0x19: {  	s18 =	simm.s32 @!p0 $0x1  }
0x1a: {  	_ =	swait.ge @!p0 [sflag:s18], $0x400  }
0x1b: {  	[sflag:s18] =	ssyncset.done @!p0 $0x0  }
0x1c: {  	[sflag:s18] =	ssyncadd.s32 @!p0 $0xFFFFFC00  }
0x1d: {  	[spmem:s8] =	stream.linear.scatter @!p0 [tilespmem:s19], [sflag:$0x1], $0x400, $0x38;
	[tilespmem:$0x19E10] =	vst v63  }
0x1e: {  	_ =	swait.ge @!p0 [sflag:s18], $0x400  }
0x1f: {  	[sflag:s18] =	ssyncset.done @!p0 $0x0  }
0x20: {  	[sflag:s18] =	ssyncadd.s32 @!p0 $0xFFFFFC00  }
0x21: {  	s30 =	sadd.s32 $0x0, s13;
	[bflag:$0x0] =	sbarrier.arrive $0xFFFF  }
0x22: {  	[tilespmem:s3], [sflag:$0x1] =	stream.linear.gather [hbm4b:s30+s3], $0x3E8, $0x38;
	[tilespmem:$0x19E10] =	vst v63  }
0x23: {  	_ =	swait.ge [sflag:s15], $0x3E8  }
0x24: {  	[sflag:s15] =	ssyncset.done $0x0  }
0x25: {  	s31 =	sadd.s32 $0x0, s12;
	[sflag:s15] =	ssyncadd.s32 $0xFFFFFC18  }
0x26: {  	[tilespmem:s16], [sflag:$0x1] =	stream.linear.gather [hbm4b:s31+s3], $0x3E8, $0x38;
	[tilespmem:$0x19E10] =	vst v63  }
0x27: {  	_ =	swait.ge [sflag:s15], $0x3E8  }
0x28: {  	[sflag:s15] =	ssyncset.done $0x0  }
0x29: {  	[sflag:s15] =	ssyncadd.s32 $0xFFFFFC18  }
0x2a: {  	[tilespmem:s14], [sflag:$0x1] =	stream.indirect.gather [hbm4b:s4+s16], $0x40, s3, s16, $0xb8;
	[tilespmem:$0x19E10] =	vst v63  }
0x2b: {  	_ =	swait.ge [sflag:s15], $0xFA00  }
0x2c: {  	[sflag:s15] =	ssyncset.done $0x0  }
0x2d: {  	[sflag:s15] =	ssyncadd.s32 $0xFFFF0600  }
0x2e: {  	[spmem:s2] =	stream.indirect.scatter.add.f32 [tilespmem:s14], [sflag:$0x1], $0x40, s16, s16, $0xb8;
	[tilespmem:$0x19E10] =	vst v63  }
0x2f: {  	_ =	swait.ge [sflag:s15], $0xFA00  }
0x30: {  	s19 =	simm.s32 $0xFA;
	s18 =	simm.s32 $0x7D;
	[sflag:s15] =	ssyncset.done $0x0  }
.LBB2_2:
0x31: {  	s20 =	sadd.s32 s18, s13  }
0x32: {  	[sflag:s15] =	ssyncadd.s32 $0xFFFF0600;
	s21 =	smov.u32 s19;
	s22 =	sadd.s32 $0x7D, s19  }
0x33: {  	[tilespmem:s3], [sflag:$0x1] =	stream.linear.gather [hbm4b:s20+s3], $0x3E8, $0x38;
	[tilespmem:$0x19E10] =	vst v63  }
0x34: {  	p1 =	sne.s32 s19, $0x465;
	_ =	swait.ge [sflag:s15], $0x3E8  }
0x35: {  	[sflag:s15] =	ssyncset.done $0x0  }
0x36: {  	s19 =	sadd.s32 s18, s12;
	s18 =	smov.u32 s21;
	[sflag:s15] =	ssyncadd.s32 $0xFFFFFC18  }
0x37: {  	[tilespmem:s16], [sflag:$0x1] =	stream.linear.gather [hbm4b:s19+s3], $0x3E8, $0x38;
	[tilespmem:$0x19E10] =	vst v63  }
0x38: {  	_ =	swait.ge [sflag:s15], $0x3E8  }
0x39: {  	[sflag:s15] =	ssyncset.done $0x0  }
0x3a: {  	[sflag:s15] =	ssyncadd.s32 $0xFFFFFC18  }
0x3b: {  	[tilespmem:s14], [sflag:$0x1] =	stream.indirect.gather [hbm4b:s4+s16], $0x40, s3, s16, $0xb8;
	[tilespmem:$0x19E10] =	vst v63  }
0x3c: {  	_ =	swait.ge [sflag:s15], $0xFA00  }
.Ltmp0:
0x3d: {  	[sflag:s15] =	ssyncset.done $0x0;
	(pc) =	sbr.rel @p1 .LBB2_2-.Ltmp0, $4  }
0x3e: {  	[sflag:s15] =	ssyncadd.s32 $0xFFFF0600  }
0x3f: {  	[spmem:s2] =	stream.indirect.scatter.add.f32 [tilespmem:s14], [sflag:$0x1], $0x40, s16, s16, $0xb8;
	[tilespmem:$0x19E10] =	vst v63  }
0x40: {  	_ =	swait.ge [sflag:s15], $0xFA00  }
0x41: {  	s19 =	smov.u32 s22;
	[sflag:s15] =	ssyncset.done $0x0  }
0x42: {  	s19 =	sadd.s32 s18, s13;
	[sflag:s15] =	ssyncadd.s32 $0xFFFF0600  }
0x43: {  	[tilespmem:s3], [sflag:$0x1] =	stream.linear.gather [hbm4b:s19+s3], $0x3E8, $0x38;
	[tilespmem:$0x19E10] =	vst v63  }
0x44: {  	_ =	swait.ge [sflag:s15], $0x3E8  }
0x45: {  	[sflag:s15] =	ssyncset.done $0x0  }
0x46: {  	s31 =	sadd.s32 s18, s12;
	[sflag:s15] =	ssyncadd.s32 $0xFFFFFC18  }
0x47: {  	[tilespmem:s16], [sflag:$0x1] =	stream.linear.gather [hbm4b:s31+s3], $0x3E8, $0x38;
	[tilespmem:$0x19E10] =	vst v63  }
0x48: {  	_ =	swait.ge [sflag:s15], $0x3E8  }
0x49: {  	[sflag:s15] =	ssyncset.done $0x0  }
0x4a: {  	[sflag:s15] =	ssyncadd.s32 $0xFFFFFC18  }
0x4b: {  	[tilespmem:s14], [sflag:$0x1] =	stream.indirect.gather [hbm4b:s4+s16], $0x40, s3, s16, $0xb8;
	[tilespmem:$0x19E10] =	vst v63  }
0x4c: {  	_ =	swait.ge [sflag:s15], $0xFA00  }
0x4d: {  	[sflag:s15] =	ssyncset.done $0x0  }
0x4e: {  	[sflag:s15] =	ssyncadd.s32 $0xFFFF0600  }
0x4f: {  	[spmem:s2] =	stream.indirect.scatter.add.f32 [tilespmem:s14], [sflag:$0x1], $0x40, s16, s16, $0xb8;
	[tilespmem:$0x19E10] =	vst v63  }
0x50: {  	_ =	swait.ge [sflag:s15], $0xFA00  }
0x51: {  	[sflag:s15] =	ssyncset.done $0x0  }
0x52: {  	[sflag:s15] =	ssyncadd.s32 $0xFFFF0600  }
0x53: {  	[bflag:$0x0] =	sbarrier.arrive $0xFFFF  }
0x54: {  	[tilespmem:s14], [sflag:$0x1] =	stream.linear.gather [spmem:s6], $0x9C00, $0x38;
	[tilespmem:$0x19E10] =	vst v63  }
0x55: {  	_ =	swait.ge [sflag:s15], $0x9C00  }
0x56: {  	[sflag:s15] =	ssyncset.done $0x0  }
0x57: {  	[sflag:s15] =	ssyncadd.s32 $0xFFFF6400  }
0x58: {  	[hbm4b:s9+s3] =	stream.linear.scatter [tilespmem:s14], [sflag:$0x1], $0x9C00, $0x38;
	[tilespmem:$0x19E10] =	vst v63  }
0x59: {  	_ =	swait.ge [sflag:s15], $0x9C00  }
0x5a: {  	[sflag:s15] =	ssyncset.done $0x0  }
0x5b: {  	s18 =	simm.s32 @!p0 $0xA3D0;
	s19 =	simm.s32 @!p0 $0x1;
	[sflag:s15] =	ssyncadd.s32 $0xFFFF6400  }
0x5c: {  	[tilespmem:s18], [sflag:$0x1] =	stream.linear.gather @!p0 [spmem:s8], $0x400, $0x38;
	[tilespmem:$0x19E10] =	vst v63  }
0x5d: {  	s17 =	sadd.s32 $0x1, s17;
	_ =	swait.ge @!p0 [sflag:s19], $0x400  }
0x5e: {  	p1 =	sne.s32 s17, s11;
	[sflag:s19] =	ssyncset.done @!p0 $0x0  }
.Ltmp1:
0x5f: {  	s20 =	simm.s32 @!p0 $0x0;
	[sflag:s19] =	ssyncadd.s32 @!p0 $0xFFFFFC00;
	(pc) =	sbr.rel @p1 .LBB2_1-.Ltmp1, $4  }
0x60: {  	[hbm4b:s10+s20] =	stream.linear.scatter @!p0 [tilespmem:s18], [sflag:$0x1], $0x400, $0x38;
	[tilespmem:$0x19E10] =	vst v63  }
0x61: {  	_ =	swait.ge @!p0 [sflag:s19], $0x400  }
0x62: {  	[sflag:s19] =	ssyncset.done @!p0 $0x0  }
0x63: {  	[sflag:s19] =	ssyncadd.s32 @!p0 $0xFFFFFC00  }
0x64: {  	_ =	sfence.sel $0x180000  }
0x65: {  	[bflag:$0x0] =	sbarrier.arrive $0xFFFF  }
0x66: {  	p0 =	sne.s32 s0, $0x0;
	_ =	strace $0x90000050  }
0x67: {  	s0 =	sadd.s32 @!p0 $0x100000, s1;
	[bflag:$0x2] =	sbarrier.arrive $0xFFFF  }
0x68: {  	[sflag:s0] =	ssyncadd.tile.s32 @!p0 $0x1;
	_ =	shalt  }
.Lfunc_end2:
_tile_overlayer_lowered:
.L_overlay_start_2:
0x69: {  	(tag) =	ssettag $0x2  }
0x6a: {  	s0 =	rddreg [dreg:$0x0];
	s2 =	stileid.u32  }
0x6b: {  	s1 =	rddreg [dreg:$0x1];
	p0 =	sne.s32 s2, $0x0  }
0x6c: {  	s3 =	rddreg [dreg:$0x2];
	[bflag:$0x3] =	sbarrier.arrive $0xFFFF;
	s2 =	simm.s32 @!p0 $0x1C01  }
0x6d: {  	[timem:s3], [sflag:s2] =	dma.local @!p0 [hbm:s0], s1  }
0x6e: {  	s0 =	simm.s32 @!p0 $0x1  }
0x6f: {  	_ =	swait.ge @!p0 [sflag:s0], s1  }
0x70: {  	s1 =	ssub.s32 @!p0 $0x0, s1;
	[sflag:s0] =	ssyncset.done @!p0 $0x0  }
0x71: {  	[sflag:s0] =	ssyncadd.s32 @!p0 s1  }
0x72: {  	[bflag:$0x3] =	sbarrier.arrive $0xFFFF  }
0x73: {  	_ =	shalt  }

// kernel: kernel.24.cloned.1.call-start
scs
__scs_entry_jumppad:
0x0: {  	(pc) =	sbr.rel $0x88, $3  }
0x1: {  	(tag) =	ssettag $0x0;
	lr =	simm.s32 $0x1  }
0x2: {  	[smem:$0x3F8C] =	sst lr;
	_ =	strace $0xD0000000  }
0x3: {  	_ = 	snop  }
0x4: {  	_ = 	snop  }
0x5: {  	_ = 	snop  }
0x6: {  	_ = 	snop  }
0x7: {  	_ = 	snop  }
__scs_overlays_trampoline_lowered:
0x8: {  	[smem:$0x3F9B] =	sst s0  }
0x9: {  	[smem:$0x3F9C] =	sst s1  }
0xa: {  	[smem:$0x3F9D] =	sst s2  }
0xb: {  	[smem:$0x3F9E] =	sst s3  }
0xc: {  	[smem:$0x3F9F] =	sst s4  }
0xd: {  	[smem:$0x3FA0] =	sst s5  }
0xe: {  	[smem:$0x3FA1] =	sst s6  }
0xf: {  	[smem:$0x3FA2] =	sst s7  }
0x10: {  	[smem:$0x3FA3] =	sst s8  }
0x11: {  	[smem:$0x3FA4] =	sst s9;
	s0 =	simm.s32 @!p0 $0x0  }
0x12: {  	s1 =	sld [smem:$0x3F8A];
	s0 =	simm.s32 @p0 $0x1  }
0x13: {  	[smem:$0x3FA5] =	sst s0;
	s0 =	simm.s32 @!p1 $0x0  }
0x14: {  	s2 =	sld [smem:$0x3F89];
	s0 =	simm.s32 @p1 $0x1  }
0x15: {  	[smem:$0x3FA6] =	sst s0;
	s0 =	simm.s32 @!p2 $0x0  }
0x16: {  	s3 =	sld [smem:$0x3FDB];
	s0 =	simm.s32 @p2 $0x1  }
0x17: {  	s4 =	simm.s32 $0x1BF5;
	[smem:$0x3FA8] =	sst s0  }
0x18: {  	s0 =	sld [smem:$0x3F8B];
	_ =	swait.ge [sflag:s4], $0x0  }
0x19: {  	s7 =	sld [smem:$0x3F8C]  }
0x1a: {  	s8 =	sadd.s32 $0xFFFFE003, lr  }
0x1b: {  	s9 =	sadd.s32 $0xFFFFFEF7, lr;
	s5 =	simm.s32 $0xFFFFFFFF;
	p2 =	slt.u32 s8, $0xFFFFF086  }
0x1c: {  	p1 =	slt.u32 s9, $0xF7A;
	s5 =	simm.s32 @!p2 $0x0  }
0x1d: {  	s5 =	simm.s32 @p1 $0x1;
	p0 =	seq.s32 s7, s2  }
0x1e: {  	s7 =	smul.u32 @!p0 $0xF7A, s2;
	p2 =	seq.s32 @!p0 s5, $0x0  }
0x1f: {  	s9 =	smul.u32 $0xF7A, s1;
	s8 =	simm.s32 @!p0 $0x1BF5;
	p2 =	por !p2, p0  }
0x20: {  	[sflag:s8] =	ssyncset.s32 @!p0 $0xFFFFF086;
	s6 =	sadd.s32 @!p0 s3, s7;
	s7 =	simm.s32 @!p0 $0x108  }
0x21: {  	s3 =	sadd.s32 s3, s9;
	s6 =	sadd.s32 @!p0 $0x88, s6;
	s7 =	simm.s32 @p2 $0x1082  }
0x22: {  	[simem:s7], [sflag:s8] =	dma.local @!p0 [hbm:s6], $0xF7A  }
0x23: {  	s9 =	sor.u32 $0xD0000000, s2;
	s6 =	simm.s32 $0x108;
	_ =	swait.ge @!p0 [sflag:s8], $0x0  }
0x24: {  	s3 =	sadd.s32 $0x88, s3;
	s6 =	simm.s32 @!p1 $0x1082;
	[sflag:s4] =	ssyncset.s32 $0xFFFFF086  }
0x25: {  	[simem:s6], [sflag:s4] =	dma.local [hbm:s3], $0xF7A  }
0x26: {  	[smem:$0x3F8C] =	sst s1;
	(tag) =	ssettag s2;
	_ =	strace s9  }
0x27: {  	s1 =	sld [smem:$0x3F9C]  }
0x28: {  	s2 =	sld [smem:$0x3F9D]  }
0x29: {  	s4 =	sld [smem:$0x3F9F]  }
0x2a: {  	p0 =	seq.s32 s5, $0x0;
	s5 =	sld [smem:$0x3FA0]  }
0x2b: {  	s6 =	sld [smem:$0x3FA1]  }
0x2c: {  	s7 =	sld [smem:$0x3FA2]  }
0x2d: {  	s3 =	simm.s32 $0x108;
	s8 =	sld [smem:$0x3FA3]  }
0x2e: {  	s3 =	simm.s32 @!p0 $0x1082;
	s9 =	sld [smem:$0x3FA4]  }
0x2f: {  	lr =	sadd.s32 s0, s3;
	s0 =	sld [smem:$0x3F9B]  }
0x30: {  	s3 =	sld [smem:$0x3F9E]  }
0x31: {  	[smem:$0x3FA7] =	sst s10  }
0x32: {  	s10 =	sld [smem:$0x3FA5];
	_ =	sdelay $0x3  }
0x33: {  	p0 =	seq.s32 s10, $0x1;
	s10 =	sld [smem:$0x3FA7];
	_ =	sdelay $0x3  }
0x34: {  	[smem:$0x3FA7] =	sst s10  }
0x35: {  	s10 =	sld [smem:$0x3FA6];
	_ =	sdelay $0x3  }
0x36: {  	p1 =	seq.s32 s10, $0x1;
	s10 =	sld [smem:$0x3FA7];
	_ =	sdelay $0x3  }
0x37: {  	[smem:$0x3FA7] =	sst s10  }
0x38: {  	s10 =	sld [smem:$0x3FA8]  }
0x39: {  	_ = 	snop;
	(pc) =	sbr.ind lr, $3  }
0x3a: {  	_ = 	snop  }
0x3b: {  	_ = 	snop  }
0x3c: {  	p2 =	seq.s32 s10, $0x1;
	s10 =	sld [smem:$0x3FA7]  }
0x3d: {  	_ =	shalt  }
0x3e: {  	_ =	shalt  }
0x3f: {  	_ =	shalt  }
0x40: {  	_ =	shalt  }
0x41: {  	_ =	shalt  }
0x42: {  	_ =	shalt  }
0x43: {  	_ =	shalt  }
0x44: {  	_ =	shalt  }
0x45: {  	_ =	shalt  }
0x46: {  	_ =	shalt  }
0x47: {  	_ =	shalt  }
0x48: {  	_ =	shalt  }
0x49: {  	_ =	shalt  }
0x4a: {  	_ =	shalt  }
0x4b: {  	_ =	shalt  }
0x4c: {  	_ =	shalt  }
0x4d: {  	_ =	shalt  }
0x4e: {  	_ =	shalt  }
0x4f: {  	_ =	shalt  }
0x50: {  	_ =	shalt  }
0x51: {  	_ =	shalt  }
0x52: {  	_ =	shalt  }
0x53: {  	_ =	shalt  }
0x54: {  	_ =	shalt  }
0x55: {  	_ =	shalt  }
0x56: {  	_ =	shalt  }
0x57: {  	_ =	shalt  }
0x58: {  	_ =	shalt  }
0x59: {  	_ =	shalt  }
0x5a: {  	_ =	shalt  }
0x5b: {  	_ =	shalt  }
0x5c: {  	_ =	shalt  }
0x5d: {  	_ =	shalt  }
0x5e: {  	_ =	shalt  }
0x5f: {  	_ =	shalt  }
0x60: {  	_ =	shalt  }
0x61: {  	_ =	shalt  }
0x62: {  	_ =	shalt  }
0x63: {  	_ =	shalt  }
0x64: {  	_ =	shalt  }
0x65: {  	_ =	shalt  }
0x66: {  	_ =	shalt  }
0x67: {  	_ =	shalt  }
0x68: {  	_ =	shalt  }
0x69: {  	_ =	shalt  }
0x6a: {  	_ =	shalt  }
0x6b: {  	_ =	shalt  }
0x6c: {  	_ =	shalt  }
0x6d: {  	_ =	shalt  }
0x6e: {  	_ =	shalt  }
0x6f: {  	_ =	shalt  }
0x70: {  	_ =	shalt  }
0x71: {  	_ =	shalt  }
0x72: {  	_ =	shalt  }
0x73: {  	_ =	shalt  }
0x74: {  	_ =	shalt  }
0x75: {  	_ =	shalt  }
0x76: {  	_ =	shalt  }
0x77: {  	_ =	shalt  }
0x78: {  	_ =	shalt  }
0x79: {  	_ =	shalt  }
0x7a: {  	_ =	shalt  }
0x7b: {  	_ =	shalt  }
0x7c: {  	_ =	shalt  }
0x7d: {  	_ =	shalt  }
0x7e: {  	_ =	shalt  }
0x7f: {  	_ =	shalt  }
0x80: {  	_ =	shalt  }
0x81: {  	_ =	shalt  }
0x82: {  	_ =	shalt  }
0x83: {  	_ =	shalt  }
0x84: {  	_ =	shalt  }
0x85: {  	_ =	shalt  }
0x86: {  	_ =	shalt  }
0x87: {  	_ =	shalt  }
.Lfunc_end0:
.L_simem_size_0:
called_computation.4_lowered:
.L_overlay_start_0:
0x88: {  	s2 =	sld [smem:$0x3FD9]  }
0x89: {  	s3 =	sld [smem:$0x3FFE];
	_ =	sdelay $0x1  }
0x8a: {  	s1 =	srdreg.scid  }
0x8b: {  	s0 =	sand.u32 $0x1, s1  }
0x8c: {  	s14 =	sshll.u32 s0, $0xA;
	s2 =	sadd.s32 s3, s2  }
0x8d: {  	s2 =	sadd.s32 s2, s14  }
0x8e: {  	[smem:$0x3FB3] =	sst s2  }
0x8f: {  	_ = 	snop  }
0x90: {  	s2 =	sld [smem:$0x3FD0];
	_ =	sdelay $0x2  }
0x91: {  	s4 =	simm.s32 $0xA;
	s5 =	simm.s32 $0x10;
	s15 =	sld [smem:$0x3FC7]  }
0x92: {  	[smem:s5], [sflag:s4] =	dma.local [hbm:s2], $0x1  }
0x93: {  	_ =	swait.eq [sflag:s4], $0x1  }
0x94: {  	[sflag:s4] =	ssyncset.done $0x0  }
0x95: {  	[sflag:s4] =	ssyncadd.s32 $0xFFFFFFFF  }
0x96: {  	s16 =	sld [smem:$0x10];
	(tm) =	ssettm $0x1  }
0x97: {  	s17 =	sld [smem:$0x3FFB];
	_ =	sdelay $0x3  }
0x98: {  	_ =	strace s17  }
0x99: {  	s4 =	sld [smem:$0x3FFC];
	_ =	sdelay $0x3  }
0x9a: {  	_ =	strace s4  }
0x9b: {  	s4 =	sld [smem:$0x3FFD];
	_ =	sdelay $0x3  }
0x9c: {  	_ =	strace s4  }
0x9d: {  	_ =	strace $0x8FFFFFFF  }
0x9e: {  	s18 =	sld [smem:$0x3FDB];
	_ =	sdelay $0x1  }
0x9f: {  	s19 =	simm.s32 $_scs_section_size  }
0xa0: {  	s6 =	simm.s32 $_size__tile_overlayer_lowered;
	s7 =	simm.s32 $_tile_overlayer_lowered  }
0xa1: {  	s22 =	simm.s32 $0x1BFF;
	s21 =	sshll.u32 s7, $0x1;
	s4 =	sadd.s32 s19, s18  }
0xa2: {  	s8 =	simm.s32 $0x0;
	s20 =	sshll.u32 s6, $0x1;
	s6 =	sadd.s32 s21, s4  }
0xa3: {  	[timem:s8], [sflag:s22] =	dma.local [hbm:s6], s20  }
0xa4: {  	_ =	swait.ge [sflag:s22], s20  }
0xa5: {  	s5 =	ssub.s32 $0x0, s20;
	[sflag:s22] =	ssyncset.done $0x0  }
0xa6: {  	[sflag:s22] =	ssyncadd.s32 s5;
	_ =	sdelay $0x1  }
0xa7: {  	s23 =	simm.s32 $0x1B8B  }
0xa8: {  	_ =	swait.ge [sflag:s23], $0x1  }
0xa9: {  	[sflag:s23] =	ssyncset.done $0x0  }
0xaa: {  	s25 =	simm.s32 $0x1B8E;
	s24 =	sld [smem:$0x3FFE];
	[sflag:s23] =	ssyncadd.s32 $0xFFFFFFFF  }
0xab: {  	s26 =	simm.s32 $execute0_lowered;
	[smem:$0x3FD2] =	sst s25  }
0xac: {  	s6 =	sshll.u32 s26, $0x1;
	_ =	strace $0x80000052;
	[dreg:$0x1] =	wrdreg $0xFFFFFFFF  }
0xad: {  	s28 =	simm.s32 $_size_execute0_lowered;
	s4 =	sadd.s32 s4, s6;
	[dreg:$0x0] =	wrdreg $0x0  }
0xae: {  	s6 =	sshll.u32 s28, $0x1;
	[dreg:$0x2] =	wrdreg s4  }
0xaf: {  	[dreg:$0x3] =	wrdreg s6  }
0xb0: {  	[dreg:$0x4] =	wrdreg $0xC0  }
0xb1: {  	_ =	task [dreg:s8], $0x5FFFF  }
0xb2: {  	[dreg:$0x1] =	wrdreg $0xFFFFFFFF  }
0xb3: {  	[dreg:$0x0] =	wrdreg $0x60  }
0xb4: {  	[dreg:$0x2] =	wrdreg s24  }
0xb5: {  	[dreg:$0x3] =	wrdreg s15  }
0xb6: {  	[dreg:$0x4] =	wrdreg s16  }
0xb7: {  	[dreg:$0x5] =	wrdreg $0xF7480  }
0xb8: {  	[dreg:$0x6] =	wrdreg $0x9  }
0xb9: {  	_ =	task.clear_ibuf [dreg:s8], $0x7FFFF;
	_ =	strace $0x90000052  }
0xba: {  	s29 =	simm.s32 $0x9;
	_ =	strace $0x80000054  }
0xbb: {  	_ =	swait.ge [sflag:s29], $0x1  }
0xbc: {  	[sflag:s29] =	ssyncadd.s32 $0xFFFFFFFF  }
0xbd: {  	_ =	strace $0x90000054  }
0xbe: {  	_ =	sfence  }
0xbf: {  	s30 =	sld [smem:$0x0];
	_ =	sdelay $0x2  }
0xc0: {  	s31 =	sshll.u32 s1, $0xD;
	s1 =	sshrl.u32 s1, $0x2  }
0xc1: {  	s3 =	sand.u32 $0x4000, s31;
	s1 =	sadd.s32 s1, s30  }
0xc2: {  	s0 =	sor.u32 s3, s0;
	s1 =	sshll.u32 s1, $0x11  }
0xc3: {  	s0 =	sor.u32 s1, s0  }
0xc4: {  	s0 =	sadd.s32 $0x8F2B, s0  }
0xc5: {  	[sflag:s0] =	ssyncadd.remote.s32 $0x1  }
0xc6: {  	_ =	sfence.sel $0xFFFF  }
0xc7: {  	[dreg:$0x0] =	wrdreg $0xFFFFFFFF;
	(pc) =	sbr.abs _section_cstart, $3  }
0xc8: {  	[dreg:$0x1] =	wrdreg $0xFFFFFFFF  }
0xc9: {  	_ =	task.clear_ibuf [dreg:s8], $0x2FFFF;
	_ =	strace $0x9FFFFFFF  }
0xca: {  	(tm) =	ssettm $0x7FFFFFFF  }
0xcb: {  	_ =	shalt  }
tec
execute0_lowered:
.L_overlay_start_1:
0x0: {  	(tag) =	ssettag $0x1  }
0x1: {  	s18 =	rddreg [dreg:$0x0]  }
0x2: {  	s11 =	rddreg [dreg:$0x1]  }
0x3: {  	s4 =	rddreg [dreg:$0x2];
	s1 =	stileid.u32  }
0x4: {  	s2 =	rddreg [dreg:$0x3];
	s19 =	smul.u32 $0x1800, s1  }
0x5: {  	s0 =	rddreg [dreg:$0x4];
	s3 =	simm.s32 $0x0  }
0x6: {  	s6 =	simm.s32 $0x148;
	[smem:$0x7FF] =	sst s3;
	s5 =	sshrl.u32 s19, $0x3  }
0x7: {  	_ =	strace $0x80000053;
	s4 =	sadd.s32 s4, s5;
	s5 =	simm.s32 $0x1  }
0x8: {  	[tilespmem:s6], [sflag:$0x1] =	stream.linear.gather [hbm4b:s4+s3], $0x1800, $0x38;
	[tilespmem:$0x10F48] =	vst v63  }
0x9: {  	s7 =	srdreg.scid;
	_ =	swait.ge [sflag:s5], $0x1800  }
0xa: {  	s20 =	sand.u32 $0x1, s7;
	[sflag:s5] =	ssyncset.done $0x0  }
0xb: {  	s8 =	sshll.u32 s20, $0x4;
	s7 =	sadd.s32 s19, s2;
	[sflag:s5] =	ssyncadd.s32 $0xFFFFE800  }
0xc: {  	[spmem:s7] =	stream.linear.scatter [tilespmem:s6], [sflag:$0x1], $0x1800, $0x38;
	[tilespmem:$0x10F48] =	vst v63  }
0xd: {  	s12 =	sor.u32 s1, s8;
	_ =	swait.ge [sflag:s5], $0x1800  }
0xe: {  	s8 =	smul.u32 $0x27, s12;
	[sflag:s5] =	ssyncset.done $0x0  }
0xf: {  	[sflag:s5] =	ssyncadd.s32 $0xFFFFE800  }
0x10: {  	s9 =	smul.u32 $0x1D40, s12;
	s8 =	sadd.s32 s11, s8;
	[bflag:$0x0] =	sbarrier.arrive $0xFFFF  }
0x11: {  	[tilespmem:s3], [sflag:$0x1] =	stream.linear.gather [hbm4b:s8+s3], $0x138, $0x38;
	[tilespmem:$0x10F48] =	vst v63  }
0x12: {  	_ =	swait.ge [sflag:s5], $0x138  }
0x13: {  	s9 =	sadd.s32 s9, s18;
	[sflag:s5] =	ssyncset.done $0x0  }
0x14: {  	s9 =	sadd.s32 $0x67600, s9;
	[sflag:s5] =	ssyncadd.s32 $0xFFFFFEC8  }
0x15: {  	[tilespmem:s6], [sflag:$0x1] =	stream.linear.gather [hbm4b:s9+s3], $0xEA00, $0x38;
	[tilespmem:$0x10F48] =	vst v63  }
0x16: {  	_ =	swait.ge [sflag:s5], $0xEA00  }
0x17: {  	[sflag:s5] =	ssyncset.done $0x0  }
0x18: {  	s10 =	simm.s32 $0x138;
	[sflag:s5] =	ssyncadd.s32 $0xFFFF1600  }
0x19: {  	[spmem:s2] =	stream.indirect.scatter.add.f32 [tilespmem:s6], [sflag:$0x1], $0xC0, s3, s10, $0xb8;
	[tilespmem:$0x10F48] =	vst v63  }
0x1a: {  	p0 =	sne.s32 s12, $0x1F;
	_ =	swait.ge [sflag:s5], $0xEA00  }
0x1b: {  	s12 =	simm.s32 @!p0 $0x1;
	s13 =	simm.s32 @!p0 $0x0;
	[sflag:s5] =	ssyncset.done $0x0  }
0x1c: {  	s14 =	simm.s32 @!p0 $0x138;
	s11 =	sadd.s32 $0x4E0, s11;
	[sflag:s5] =	ssyncadd.s32 $0xFFFF1600  }
0x1d: {  	[tilespmem:s14], [sflag:$0x1] =	stream.linear.gather @!p0 [hbm4b:s11+s13], $0x10, $0x38;
	[tilespmem:$0x10F48] =	vst v63  }
0x1e: {  	_ =	swait.ge @!p0 [sflag:s12], $0x10  }
0x1f: {  	[sflag:s12] =	ssyncset.done @!p0 $0x0  }
0x20: {  	s15 =	sadd.s32 $0xA1E00, s18;
	s16 =	simm.s32 @!p0 $0xEB48;
	[sflag:s12] =	ssyncadd.s32 @!p0 $0xFFFFFFF0  }
0x21: {  	[tilespmem:s16], [sflag:$0x1] =	stream.linear.gather @!p0 [hbm4b:s15+s13], $0xC00, $0x38;
	[tilespmem:$0x10F48] =	vst v63  }
0x22: {  	_ =	swait.ge @!p0 [sflag:s12], $0xC00  }
0x23: {  	s21 =	smul.u32 $0x18000, s20;
	[sflag:s12] =	ssyncset.done @!p0 $0x0  }
0x24: {  	s20 =	ssub.s32 $0x2, s20;
	s17 =	simm.s32 @!p0 $0x10;
	[sflag:s12] =	ssyncadd.s32 @!p0 $0xFFFFF400  }
0x25: {  	[spmem:s2] =	stream.indirect.scatter.add.f32 @!p0 [tilespmem:s16], [sflag:$0x1], $0xC0, s14, s17, $0xb8;
	[tilespmem:$0x10F48] =	vst v63  }
0x26: {  	s30 =	sshrl.u32 s20, $0x1;
	_ =	swait.ge @!p0 [sflag:s12], $0xC00  }
0x27: {  	s19 =	sadd.s32 s19, s21;
	s20 =	ssub.s32 s20, s30;
	[sflag:s12] =	ssyncset.done @!p0 $0x0  }
0x28: {  	s19 =	sshrl.u32 s19, $0x3;
	s31 =	smax.u32 s20, $0x1;
	[sflag:s12] =	ssyncadd.s32 @!p0 $0xFFFFF400  }
0x29: {  	s18 =	sadd.s32 s19, s18;
	s19 =	sadd.s32 $0xFFFFFFFF, s31;
	[bflag:$0x0] =	sbarrier.arrive $0xFFFF  }
0x2a: {  	[tilespmem:s6], [sflag:$0x1] =	stream.linear.gather [spmem:s7], $0x1800, $0x38;
	[tilespmem:$0x10F48] =	vst v63  }
0x2b: {  	p1 =	sne.s32 s19, $0x0;
	_ =	swait.ge [sflag:s5], $0x1800  }
.Ltmp0:
0x2c: {  	[sflag:s5] =	ssyncset.done $0x0;
	(pc) =	sbr.rel @!p1 .LBB2_2-.Ltmp0, $4  }
0x2d: {  	s18 =	sadd.s32 $0x5000, s18;
	[sflag:s5] =	ssyncadd.s32 $0xFFFFE800  }
0x2e: {  	[hbm4b:s18+s3] =	stream.linear.scatter [tilespmem:s6], [sflag:$0x1], $0x1800, $0x38;
	[tilespmem:$0x10F48] =	vst v63  }
0x2f: {  	_ =	swait.ge [sflag:s5], $0x1800  }
0x30: {  	[sflag:s5] =	ssyncset.done $0x0  }
.LBB2_1:
0x31: {  	s19 =	sadd.s32 $0xFFFFFFFF, s19;
	[sflag:s5] =	ssyncadd.s32 $0xFFFFE800  }
0x32: {  	[tilespmem:s6], [sflag:$0x1] =	stream.linear.gather [hbm4b:s4+s3], $0x1800, $0x38;
	[tilespmem:$0x10F48] =	vst v63  }
0x33: {  	p1 =	sne.s32 s19, $0x0;
	_ =	swait.ge [sflag:s5], $0x1800  }
0x34: {  	[sflag:s5] =	ssyncset.done $0x0  }
0x35: {  	[sflag:s5] =	ssyncadd.s32 $0xFFFFE800  }
0x36: {  	[spmem:s7] =	stream.linear.scatter [tilespmem:s6], [sflag:$0x1], $0x1800, $0x38;
	[tilespmem:$0x10F48] =	vst v63  }
0x37: {  	_ =	swait.ge [sflag:s5], $0x1800  }
0x38: {  	[sflag:s5] =	ssyncset.done $0x0  }
0x39: {  	[sflag:s5] =	ssyncadd.s32 $0xFFFFE800  }
0x3a: {  	[bflag:$0x0] =	sbarrier.arrive $0xFFFF  }
0x3b: {  	[tilespmem:s3], [sflag:$0x1] =	stream.linear.gather [hbm4b:s8+s3], $0x138, $0x38;
	[tilespmem:$0x10F48] =	vst v63  }
0x3c: {  	_ =	swait.ge [sflag:s5], $0x138  }
0x3d: {  	[sflag:s5] =	ssyncset.done $0x0  }
0x3e: {  	[sflag:s5] =	ssyncadd.s32 $0xFFFFFEC8  }
0x3f: {  	[tilespmem:s6], [sflag:$0x1] =	stream.linear.gather [hbm4b:s9+s3], $0xEA00, $0x38;
	[tilespmem:$0x10F48] =	vst v63  }
0x40: {  	_ =	swait.ge [sflag:s5], $0xEA00  }
0x41: {  	[sflag:s5] =	ssyncset.done $0x0  }
0x42: {  	[sflag:s5] =	ssyncadd.s32 $0xFFFF1600  }
0x43: {  	[spmem:s2] =	stream.indirect.scatter.add.f32 [tilespmem:s6], [sflag:$0x1], $0xC0, s3, s10, $0xb8;
	[tilespmem:$0x10F48] =	vst v63  }
0x44: {  	_ =	swait.ge [sflag:s5], $0xEA00  }
0x45: {  	[sflag:s5] =	ssyncset.done $0x0  }
0x46: {  	[sflag:s5] =	ssyncadd.s32 $0xFFFF1600  }
0x47: {  	[tilespmem:s14], [sflag:$0x1] =	stream.linear.gather @!p0 [hbm4b:s11+s13], $0x10, $0x38;
	[tilespmem:$0x10F48] =	vst v63  }
0x48: {  	_ =	swait.ge @!p0 [sflag:s12], $0x10  }
0x49: {  	[sflag:s12] =	ssyncset.done @!p0 $0x0  }
0x4a: {  	[sflag:s12] =	ssyncadd.s32 @!p0 $0xFFFFFFF0  }
0x4b: {  	[tilespmem:s16], [sflag:$0x1] =	stream.linear.gather @!p0 [hbm4b:s15+s13], $0xC00, $0x38;
	[tilespmem:$0x10F48] =	vst v63  }
0x4c: {  	_ =	swait.ge @!p0 [sflag:s12], $0xC00  }
0x4d: {  	[sflag:s12] =	ssyncset.done @!p0 $0x0  }
0x4e: {  	[sflag:s12] =	ssyncadd.s32 @!p0 $0xFFFFF400  }
0x4f: {  	[spmem:s2] =	stream.indirect.scatter.add.f32 @!p0 [tilespmem:s16], [sflag:$0x1], $0xC0, s14, s17, $0xb8;
	[tilespmem:$0x10F48] =	vst v63  }
0x50: {  	_ =	swait.ge @!p0 [sflag:s12], $0xC00  }
0x51: {  	[sflag:s12] =	ssyncset.done @!p0 $0x0  }
0x52: {  	[sflag:s12] =	ssyncadd.s32 @!p0 $0xFFFFF400  }
0x53: {  	[bflag:$0x0] =	sbarrier.arrive $0xFFFF  }
0x54: {  	[tilespmem:s6], [sflag:$0x1] =	stream.linear.gather [spmem:s7], $0x1800, $0x38;
	[tilespmem:$0x10F48] =	vst v63  }
0x55: {  	_ =	swait.ge [sflag:s5], $0x1800  }
.Ltmp1:
0x56: {  	[sflag:s5] =	ssyncset.done $0x0;
	(pc) =	sbr.rel @p1 .LBB2_1-.Ltmp1, $4  }
0x57: {  	[sflag:s5] =	ssyncadd.s32 $0xFFFFE800  }
0x58: {  	[hbm4b:s18+s3] =	stream.linear.scatter [tilespmem:s6], [sflag:$0x1], $0x1800, $0x38;
	[tilespmem:$0x10F48] =	vst v63  }
0x59: {  	_ =	swait.ge [sflag:s5], $0x1800  }
0x5a: {  	[sflag:s5] =	ssyncset.done $0x0  }
.LBB2_2:
0x5b: {  	[sflag:s5] =	ssyncadd.s32 $0xFFFFE800  }
0x5c: {  	_ =	sfence.sel $0x180000  }
0x5d: {  	[bflag:$0x0] =	sbarrier.arrive $0xFFFF  }
0x5e: {  	p0 =	sne.s32 s1, $0x0;
	_ =	strace $0x90000053  }
0x5f: {  	s0 =	sadd.s32 @!p0 $0x100000, s0;
	[bflag:$0x2] =	sbarrier.arrive $0xFFFF  }
0x60: {  	[sflag:s0] =	ssyncadd.tile.s32 @!p0 $0x1;
	_ =	shalt  }
.Lfunc_end2:
_tile_overlayer_lowered:
.L_overlay_start_2:
0x61: {  	(tag) =	ssettag $0x2  }
0x62: {  	s0 =	rddreg [dreg:$0x0];
	s2 =	stileid.u32  }
0x63: {  	s1 =	rddreg [dreg:$0x1];
	p0 =	sne.s32 s2, $0x0  }
0x64: {  	s3 =	rddreg [dreg:$0x2];
	[bflag:$0x3] =	sbarrier.arrive $0xFFFF;
	s2 =	simm.s32 @!p0 $0x1C01  }
0x65: {  	[timem:s3], [sflag:s2] =	dma.local @!p0 [hbm:s0], s1  }
0x66: {  	s0 =	simm.s32 @!p0 $0x1  }
0x67: {  	_ =	swait.ge @!p0 [sflag:s0], s1  }
0x68: {  	s1 =	ssub.s32 @!p0 $0x0, s1;
	[sflag:s0] =	ssyncset.done @!p0 $0x0  }
0x69: {  	[sflag:s0] =	ssyncadd.s32 @!p0 s1  }
0x6a: {  	[bflag:$0x3] =	sbarrier.arrive $0xFFFF  }
0x6b: {  	_ =	shalt  }

</sc_bundles>
